<compile_context>
chip_gen: v7x
topology: tpu7x:2x2x1
jax: 0.10.2.dev20260603
libtpu: 0.0.44.dev20260713+nightly
codegen_flags: <defaults>
</compile_context>

<pallas_src>
import jax
import jax.numpy as jnp
from jax import lax
from jax.experimental import pallas as pl
from jax.experimental.pallas import tpu as pltpu
from jax.experimental.pallas import tpu_sc as plsc

_A = 8
_G = 256
_D = 16
_B = 1024
_NW = 32
_GPW = _G // _NW
_NP = 8
_QB = _B // _NP
_NCH = _QB // 16
_TSZ = 1 << _A
_GSZ = _TSZ * _D

_NET = [(0, 1), (2, 3), (4, 5), (6, 7),
        (0, 2), (1, 3), (4, 6), (5, 7),
        (1, 2), (5, 6), (0, 4), (3, 7),
        (1, 5), (2, 6),
        (1, 4), (3, 6),
        (2, 4), (3, 5),
        (3, 4)]


def _sc_body(xt_hbm, p_hbm, out_hbm, x_v, t_v, o_v, t_sem, o_sem):
    wid = lax.axis_index("c") * 16 + lax.axis_index("s")

    pconst = [jnp.full((16,), (1 << k) * _D, jnp.int32) for k in range(_A)]
    iota = lax.iota(jnp.int32, 16)

    tcps = [pltpu.async_copy(p_hbm.at[wid * _GPW + gi2],
                             t_v.at[pl.ds(gi2 * _GSZ, _GSZ)], t_sem)
            for gi2 in range(_GPW)]
    for cp in tcps:
        cp.wait()

    def out_win(q):
        return out_hbm.at[pl.ds(q * _QB, _QB),
                          pl.ds(wid * _GPW * _D, _GPW * _D)]

    def quarter_body(q, carry):
        par = q % 2
        pltpu.sync_copy(
            xt_hbm.at[pl.ds(wid * _GPW, _GPW), :, pl.ds(q * _QB, _QB)],
            x_v)

        @pl.when(q >= 2)
        def _():
            pltpu.make_async_copy(o_v.at[par], out_win(q - 2), o_sem).wait()

        def group_body(gi, c2):
            mask_init = jnp.full((16,), 255 * _D, jnp.int32) + jnp.full(
                (16,), gi * _GSZ, jnp.int32)
            row0 = plsc.load_gather(t_v, [mask_init + iota])

            def sort_phase(c):
                v = [x_v[gi, k, pl.ds(c * 16, 16)] for k in range(_A)]
                p = list(pconst)

                for a, b in _NET:
                    le = v[a] <= v[b]
                    va = jnp.minimum(v[a], v[b])
                    vb = jnp.maximum(v[a], v[b])
                    pa = jnp.where(le, p[a], p[b])
                    pb = jnp.where(le, p[b], p[a])
                    v[a], v[b], p[a], p[b] = va, vb, pa, pb

                mask = mask_init
                masks = [None] * _A
                coefs = [None] * _A
                for r in range(_A):
                    masks[r] = mask
                    coefs[r] = v[r] if r == 0 else v[r] - v[r - 1]
                    if r < _A - 1:
                        mask = mask - p[r]
                return tuple(masks), tuple(coefs)

            def gather_phase(c, masks, coefs):
                base = c * 16
                for p0 in range(0, 16, 4):
                    rows = {}
                    for pp in range(p0, p0 + 4):
                        for r in range(1, _A):
                            idx = jnp.full((16,), masks[r][pp],
                                           jnp.int32) + iota
                            rows[pp, r] = plsc.load_gather(t_v, [idx])
                    for pp in range(p0, p0 + 4):
                        terms = [row0 * coefs[0][pp]]
                        terms += [rows[pp, r] * coefs[r][pp]
                                  for r in range(1, _A)]
                        while len(terms) > 1:
                            terms = [terms[i] + terms[i + 1]
                                     for i in range(0, len(terms), 2)]
                        o_v[par, base + pp, pl.ds(gi * _D, _D)] = terms[0]

            def chunk_body(c, carry):
                masks, coefs = sort_phase(c)
                gather_phase(c, masks, coefs)
                return carry

            lax.fori_loop(0, _NCH, chunk_body, 0)
            return c2

        lax.fori_loop(0, _GPW, group_body, 0)
        pltpu.async_copy(o_v.at[par], out_win(q), o_sem)
        return carry

    lax.fori_loop(0, _NP, quarter_body, 0)
    for j in (_NP - 2, _NP - 1):
        pltpu.make_async_copy(o_v.at[j % 2], out_win(j), o_sem).wait()


_sc_call = pl.kernel(
    _sc_body,
    out_type=jax.ShapeDtypeStruct((_B, _G * _D), jnp.float32),
    mesh=plsc.VectorSubcoreMesh(core_axis_name="c", subcore_axis_name="s"),
    compiler_params=pltpu.CompilerParams(needs_layout_passes=False),
    scratch_types=[
        pltpu.VMEM((_GPW, _A, _QB), jnp.float32),
        pltpu.VMEM((_GPW * _GSZ,), jnp.float32),
        pltpu.VMEM((2, _QB, _GPW * _D), jnp.float32),
        pltpu.SemaphoreType.DMA,
        pltpu.SemaphoreType.DMA,
    ],
)


def kernel(X, params):
    xt = X.reshape(_B, _G, _A).transpose(1, 2, 0)
    return _sc_call(xt, params.reshape(_G, _GSZ))

# --- scband reference (transcript-rebuilt; emitter-appended) ---
"""Pipeline reference for scband-monotone-activation-58394375357254 (READ-ONLY COPY).

The authoritative reference and input builder live on the scoring server;
editing this copy changes nothing except your own understanding.
"""

import jax, jax.numpy as jnp
import numpy as np

ARITY = 8
INPUT_GROUPS = 256
OUT_DIM = 16
ACT_FACTOR = 1.0
BATCH = 1024


def setup_inputs(seed: int = 0) -> dict:
    key = jax.random.key(seed)
    k1, k2 = jax.random.split(key)
    X = jax.random.uniform(k1, (BATCH, INPUT_GROUPS * ARITY), dtype=jnp.float32)
    params = jax.random.uniform(k2, (INPUT_GROUPS, 2 ** ARITY, OUT_DIM), dtype=jnp.float32) / ACT_FACTOR
    return {"X": X, "params": params}


def high_order_act(A, params):
    # A: [B, G, arity]; params: [G, 2**arity, out_dim]
    A_ind = jnp.argsort(A, axis=2)
    A_sort = jnp.take_along_axis(A, A_ind, axis=2)
    A_diff = A_sort[:, :, 1:] - A_sort[:, :, :-1]
    coef = jnp.concatenate([A_sort[:, :, 0:1], A_diff], axis=2)
    pows = jnp.power(2, A_ind).astype(jnp.int32)
    params_A_ind = jnp.flip(jnp.cumsum(jnp.flip(pows, axis=2), axis=2), axis=2)
    ind0 = jnp.arange(params.shape[0])[:, None, None]
    ind1 = jnp.transpose(params_A_ind, (1, 0, 2))  # [G, B, arity]
    params_gather = params[ind0, ind1, :]  # [G, B, arity, out_dim]
    out = jnp.einsum('jikl,ijk->ijl', params_gather, coef)  # [B, G, out_dim]
    return out


def reference(X, params):
    B = X.shape[0]
    X1 = X.reshape(B, INPUT_GROUPS, ARITY)
    out1 = high_order_act(X1, params) * ACT_FACTOR
    return out1.reshape(B, INPUT_GROUPS * OUT_DIM)

if __name__ == "__main__":
    import jax
    _d = setup_inputs()
    print(jax.jit(kernel)(*tuple(_d.values())))

</pallas_src>

<mosaic_0001>
#map = affine_map<(d0, d1) -> (0, 0, 0)>
#map1 = affine_map<(d0, d1) -> (0, 0)>
module attributes {stable_mosaic.version = 14 : i64} {
  func.func @_sc_body(%arg0: i32, %arg1: i32, %arg2: memref<256x8x1024xf32, #tpu.memory_space<hbm>>, %arg3: memref<256x4096xf32, #tpu.memory_space<hbm>>, %arg4: memref<1024x4096xf32, #tpu.memory_space<hbm>>, %arg5: memref<8x8x128xf32, #tpu.memory_space<vmem>>, %arg6: memref<32768xf32, #tpu.memory_space<vmem>>, %arg7: memref<2x128x128xf32, #tpu.memory_space<vmem>>, %arg8: memref<!tpu.dma_semaphore, #tpu.memory_space<semaphore_mem>>, %arg9: memref<!tpu.dma_semaphore, #tpu.memory_space<semaphore_mem>>) attributes {dimension_semantics = [#tpu.dimension_semantics<core_parallel>, #tpu.dimension_semantics<subcore_parallel>], iteration_bounds = array<i64: 2, 16>, scalar_prefetch = 0 : i64, scratch_operands = 5 : i64, tpu.core_type = #tpu.core_type<sc_vector_subcore>, window_params = [{transform_indices = #map}, {transform_indices = #map1}, {transform_indices = #map1}]} {
    %mul3A = arith.constant 16 : i32
    %mul3A_0 = arith.muli %arg0, %mul3A : i32
    %add3A = arith.addi %mul3A_0, %arg1 : i32
    %broadcast_in_dim3A = arith.constant 16 : i32
    %broadcast_in_dim3A_1 = vector.broadcast %broadcast_in_dim3A : i32 to vector<16xi32>
    %broadcast_in_dim3A_2 = arith.constant 32 : i32
    %broadcast_in_dim3A_3 = vector.broadcast %broadcast_in_dim3A_2 : i32 to vector<16xi32>
    %broadcast_in_dim3A_4 = arith.constant 64 : i32
    %broadcast_in_dim3A_5 = vector.broadcast %broadcast_in_dim3A_4 : i32 to vector<16xi32>
    %broadcast_in_dim3A_6 = arith.constant 128 : i32
    %broadcast_in_dim3A_7 = vector.broadcast %broadcast_in_dim3A_6 : i32 to vector<16xi32>
    %broadcast_in_dim3A_8 = arith.constant 256 : i32
    %broadcast_in_dim3A_9 = vector.broadcast %broadcast_in_dim3A_8 : i32 to vector<16xi32>
    %broadcast_in_dim3A_10 = arith.constant 512 : i32
    %broadcast_in_dim3A_11 = vector.broadcast %broadcast_in_dim3A_10 : i32 to vector<16xi32>
    %broadcast_in_dim3A_12 = arith.constant 1024 : i32
    %broadcast_in_dim3A_13 = vector.broadcast %broadcast_in_dim3A_12 : i32 to vector<16xi32>
    %broadcast_in_dim3A_14 = arith.constant 2048 : i32
    %broadcast_in_dim3A_15 = vector.broadcast %broadcast_in_dim3A_14 : i32 to vector<16xi32>
    %iota3A = tpu.iota {dimensions = array<i32: 0>} : vector<16xi32>
    %mul3A_16 = arith.constant 8 : i32
    %mul3A_17 = arith.muli %add3A, %mul3A_16 : i32
    %add3A_18 = arith.constant 0 : i32
    %add3A_19 = arith.addi %mul3A_17, %add3A_18 : i32
    %dma_start3A = arith.constant 0 : i32
    %dma_start3A_20 = tpu.memref_slice %arg6[%dma_start3A] : memref<32768xf32, #tpu.memory_space<vmem>> -> memref<4096xf32, #tpu.memory_space<vmem>>
    %dma_start3A_21 = arith.constant 0 : i32
    %dma_start3A_22 = tpu.memref_slice %arg3[%add3A_19, %dma_start3A_21] : memref<256x4096xf32, #tpu.memory_space<hbm>> -> memref<1x4096xf32, #tpu.memory_space<hbm>>
    %dma_start3A_23 = tpu.memref_squeeze %dma_start3A_22 : memref<1x4096xf32, #tpu.memory_space<hbm>> -> memref<4096xf32, #tpu.memory_space<hbm>>
    %dma_start3A_24 = arith.constant 0 : i32
    %dma_start3A_25 = tpu.memref_slice %arg6[%dma_start3A_24] : memref<32768xf32, #tpu.memory_space<vmem>> -> memref<4096xf32, #tpu.memory_space<vmem>>
    %dma_start3A_26 = arith.constant 0 : i32
    %dma_start3A_27 = tpu.memref_slice %arg3[%add3A_19, %dma_start3A_26] : memref<256x4096xf32, #tpu.memory_space<hbm>> -> memref<1x4096xf32, #tpu.memory_space<hbm>>
    %dma_start3A_28 = tpu.memref_squeeze %dma_start3A_27 : memref<1x4096xf32, #tpu.memory_space<hbm>> -> memref<4096xf32, #tpu.memory_space<hbm>>
    tpu.enqueue_dma source(%dma_start3A_28 : memref<4096xf32, #tpu.memory_space<hbm>>) target(%dma_start3A_25 : memref<4096xf32, #tpu.memory_space<vmem>>) target_semaphore(%arg8 : memref<!tpu.dma_semaphore, #tpu.memory_space<semaphore_mem>>)
    %mul3A_29 = arith.constant 8 : i32
    %mul3A_30 = arith.muli %add3A, %mul3A_29 : i32
    %add3A_31 = arith.constant 1 : i32
    %add3A_32 = arith.addi %mul3A_30, %add3A_31 : i32
    %dma_start3A_33 = arith.constant 4096 : i32
    %dma_start3A_34 = tpu.memref_slice %arg6[%dma_start3A_33] : memref<32768xf32, #tpu.memory_space<vmem>> -> memref<4096xf32, #tpu.memory_space<vmem>>
    %dma_start3A_35 = arith.constant 0 : i32
    %dma_start3A_36 = tpu.memref_slice %arg3[%add3A_32, %dma_start3A_35] : memref<256x4096xf32, #tpu.memory_space<hbm>> -> memref<1x4096xf32, #tpu.memory_space<hbm>>
    %dma_start3A_37 = tpu.memref_squeeze %dma_start3A_36 : memref<1x4096xf32, #tpu.memory_space<hbm>> -> memref<4096xf32, #tpu.memory_space<hbm>>
    %dma_start3A_38 = arith.constant 4096 : i32
    %dma_start3A_39 = tpu.memref_slice %arg6[%dma_start3A_38] : memref<32768xf32, #tpu.memory_space<vmem>> -> memref<4096xf32, #tpu.memory_space<vmem>>
    %dma_start3A_40 = arith.constant 0 : i32
    %dma_start3A_41 = tpu.memref_slice %arg3[%add3A_32, %dma_start3A_40] : memref<256x4096xf32, #tpu.memory_space<hbm>> -> memref<1x4096xf32, #tpu.memory_space<hbm>>
    %dma_start3A_42 = tpu.memref_squeeze %dma_start3A_41 : memref<1x4096xf32, #tpu.memory_space<hbm>> -> memref<4096xf32, #tpu.memory_space<hbm>>
    tpu.enqueue_dma source(%dma_start3A_42 : memref<4096xf32, #tpu.memory_space<hbm>>) target(%dma_start3A_39 : memref<4096xf32, #tpu.memory_space<vmem>>) target_semaphore(%arg8 : memref<!tpu.dma_semaphore, #tpu.memory_space<semaphore_mem>>)
    %mul3A_43 = arith.constant 8 : i32
    %mul3A_44 = arith.muli %add3A, %mul3A_43 : i32
    %add3A_45 = arith.constant 2 : i32
    %add3A_46 = arith.addi %mul3A_44, %add3A_45 : i32
    %dma_start3A_47 = arith.constant 8192 : i32
    %dma_start3A_48 = tpu.memref_slice %arg6[%dma_start3A_47] : memref<32768xf32, #tpu.memory_space<vmem>> -> memref<4096xf32, #tpu.memory_space<vmem>>
    %dma_start3A_49 = arith.constant 0 : i32
    %dma_start3A_50 = tpu.memref_slice %arg3[%add3A_46, %dma_start3A_49] : memref<256x4096xf32, #tpu.memory_space<hbm>> -> memref<1x4096xf32, #tpu.memory_space<hbm>>
    %dma_start3A_51 = tpu.memref_squeeze %dma_start3A_50 : memref<1x4096xf32, #tpu.memory_space<hbm>> -> memref<4096xf32, #tpu.memory_space<hbm>>
    %dma_start3A_52 = arith.constant 8192 : i32
    %dma_start3A_53 = tpu.memref_slice %arg6[%dma_start3A_52] : memref<32768xf32, #tpu.memory_space<vmem>> -> memref<4096xf32, #tpu.memory_space<vmem>>
    %dma_start3A_54 = arith.constant 0 : i32
    %dma_start3A_55 = tpu.memref_slice %arg3[%add3A_46, %dma_start3A_54] : memref<256x4096xf32, #tpu.memory_space<hbm>> -> memref<1x4096xf32, #tpu.memory_space<hbm>>
    %dma_start3A_56 = tpu.memref_squeeze %dma_start3A_55 : memref<1x4096xf32, #tpu.memory_space<hbm>> -> memref<4096xf32, #tpu.memory_space<hbm>>
    tpu.enqueue_dma source(%dma_start3A_56 : memref<4096xf32, #tpu.memory_space<hbm>>) target(%dma_start3A_53 : memref<4096xf32, #tpu.memory_space<vmem>>) target_semaphore(%arg8 : memref<!tpu.dma_semaphore, #tpu.memory_space<semaphore_mem>>)
    %mul3A_57 = arith.constant 8 : i32
    %mul3A_58 = arith.muli %add3A, %mul3A_57 : i32
    %add3A_59 = arith.constant 3 : i32
    %add3A_60 = arith.addi %mul3A_58, %add3A_59 : i32
    %dma_start3A_61 = arith.constant 12288 : i32
    %dma_start3A_62 = tpu.memref_slice %arg6[%dma_start3A_61] : memref<32768xf32, #tpu.memory_space<vmem>> -> memref<4096xf32, #tpu.memory_space<vmem>>
    %dma_start3A_63 = arith.constant 0 : i32
    %dma_start3A_64 = tpu.memref_slice %arg3[%add3A_60, %dma_start3A_63] : memref<256x4096xf32, #tpu.memory_space<hbm>> -> memref<1x4096xf32, #tpu.memory_space<hbm>>
    %dma_start3A_65 = tpu.memref_squeeze %dma_start3A_64 : memref<1x4096xf32, #tpu.memory_space<hbm>> -> memref<4096xf32, #tpu.memory_space<hbm>>
    %dma_start3A_66 = arith.constant 12288 : i32
    %dma_start3A_67 = tpu.memref_slice %arg6[%dma_start3A_66] : memref<32768xf32, #tpu.memory_space<vmem>> -> memref<4096xf32, #tpu.memory_space<vmem>>
    %dma_start3A_68 = arith.constant 0 : i32
    %dma_start3A_69 = tpu.memref_slice %arg3[%add3A_60, %dma_start3A_68] : memref<256x4096xf32, #tpu.memory_space<hbm>> -> memref<1x4096xf32, #tpu.memory_space<hbm>>
    %dma_start3A_70 = tpu.memref_squeeze %dma_start3A_69 : memref<1x4096xf32, #tpu.memory_space<hbm>> -> memref<4096xf32, #tpu.memory_space<hbm>>
    tpu.enqueue_dma source(%dma_start3A_70 : memref<4096xf32, #tpu.memory_space<hbm>>) target(%dma_start3A_67 : memref<4096xf32, #tpu.memory_space<vmem>>) target_semaphore(%arg8 : memref<!tpu.dma_semaphore, #tpu.memory_space<semaphore_mem>>)
    %mul3A_71 = arith.constant 8 : i32
    %mul3A_72 = arith.muli %add3A, %mul3A_71 : i32
    %add3A_73 = arith.constant 4 : i32
    %add3A_74 = arith.addi %mul3A_72, %add3A_73 : i32
    %dma_start3A_75 = arith.constant 16384 : i32
    %dma_start3A_76 = tpu.memref_slice %arg6[%dma_start3A_75] : memref<32768xf32, #tpu.memory_space<vmem>> -> memref<4096xf32, #tpu.memory_space<vmem>>
    %dma_start3A_77 = arith.constant 0 : i32
    %dma_start3A_78 = tpu.memref_slice %arg3[%add3A_74, %dma_start3A_77] : memref<256x4096xf32, #tpu.memory_space<hbm>> -> memref<1x4096xf32, #tpu.memory_space<hbm>>
    %dma_start3A_79 = tpu.memref_squeeze %dma_start3A_78 : memref<1x4096xf32, #tpu.memory_space<hbm>> -> memref<4096xf32, #tpu.memory_space<hbm>>
    %dma_start3A_80 = arith.constant 16384 : i32
    %dma_start3A_81 = tpu.memref_slice %arg6[%dma_start3A_80] : memref<32768xf32, #tpu.memory_space<vmem>> -> memref<4096xf32, #tpu.memory_space<vmem>>
    %dma_start3A_82 = arith.constant 0 : i32
    %dma_start3A_83 = tpu.memref_slice %arg3[%add3A_74, %dma_start3A_82] : memref<256x4096xf32, #tpu.memory_space<hbm>> -> memref<1x4096xf32, #tpu.memory_space<hbm>>
    %dma_start3A_84 = tpu.memref_squeeze %dma_start3A_83 : memref<1x4096xf32, #tpu.memory_space<hbm>> -> memref<4096xf32, #tpu.memory_space<hbm>>
    tpu.enqueue_dma source(%dma_start3A_84 : memref<4096xf32, #tpu.memory_space<hbm>>) target(%dma_start3A_81 : memref<4096xf32, #tpu.memory_space<vmem>>) target_semaphore(%arg8 : memref<!tpu.dma_semaphore, #tpu.memory_space<semaphore_mem>>)
    %mul3A_85 = arith.constant 8 : i32
    %mul3A_86 = arith.muli %add3A, %mul3A_85 : i32
    %add3A_87 = arith.constant 5 : i32
    %add3A_88 = arith.addi %mul3A_86, %add3A_87 : i32
    %dma_start3A_89 = arith.constant 20480 : i32
    %dma_start3A_90 = tpu.memref_slice %arg6[%dma_start3A_89] : memref<32768xf32, #tpu.memory_space<vmem>> -> memref<4096xf32, #tpu.memory_space<vmem>>
    %dma_start3A_91 = arith.constant 0 : i32
    %dma_start3A_92 = tpu.memref_slice %arg3[%add3A_88, %dma_start3A_91] : memref<256x4096xf32, #tpu.memory_space<hbm>> -> memref<1x4096xf32, #tpu.memory_space<hbm>>
    %dma_start3A_93 = tpu.memref_squeeze %dma_start3A_92 : memref<1x4096xf32, #tpu.memory_space<hbm>> -> memref<4096xf32, #tpu.memory_space<hbm>>
    %dma_start3A_94 = arith.constant 20480 : i32
    %dma_start3A_95 = tpu.memref_slice %arg6[%dma_start3A_94] : memref<32768xf32, #tpu.memory_space<vmem>> -> memref<4096xf32, #tpu.memory_space<vmem>>
    %dma_start3A_96 = arith.constant 0 : i32
    %dma_start3A_97 = tpu.memref_slice %arg3[%add3A_88, %dma_start3A_96] : memref<256x4096xf32, #tpu.memory_space<hbm>> -> memref<1x4096xf32, #tpu.memory_space<hbm>>
    %dma_start3A_98 = tpu.memref_squeeze %dma_start3A_97 : memref<1x4096xf32, #tpu.memory_space<hbm>> -> memref<4096xf32, #tpu.memory_space<hbm>>
    tpu.enqueue_dma source(%dma_start3A_98 : memref<4096xf32, #tpu.memory_space<hbm>>) target(%dma_start3A_95 : memref<4096xf32, #tpu.memory_space<vmem>>) target_semaphore(%arg8 : memref<!tpu.dma_semaphore, #tpu.memory_space<semaphore_mem>>)
    %mul3A_99 = arith.constant 8 : i32
    %mul3A_100 = arith.muli %add3A, %mul3A_99 : i32
    %add3A_101 = arith.constant 6 : i32
    %add3A_102 = arith.addi %mul3A_100, %add3A_101 : i32
    %dma_start3A_103 = arith.constant 24576 : i32
    %dma_start3A_104 = tpu.memref_slice %arg6[%dma_start3A_103] : memref<32768xf32, #tpu.memory_space<vmem>> -> memref<4096xf32, #tpu.memory_space<vmem>>
    %dma_start3A_105 = arith.constant 0 : i32
    %dma_start3A_106 = tpu.memref_slice %arg3[%add3A_102, %dma_start3A_105] : memref<256x4096xf32, #tpu.memory_space<hbm>> -> memref<1x4096xf32, #tpu.memory_space<hbm>>
    %dma_start3A_107 = tpu.memref_squeeze %dma_start3A_106 : memref<1x4096xf32, #tpu.memory_space<hbm>> -> memref<4096xf32, #tpu.memory_space<hbm>>
    %dma_start3A_108 = arith.constant 24576 : i32
    %dma_start3A_109 = tpu.memref_slice %arg6[%dma_start3A_108] : memref<32768xf32, #tpu.memory_space<vmem>> -> memref<4096xf32, #tpu.memory_space<vmem>>
    %dma_start3A_110 = arith.constant 0 : i32
    %dma_start3A_111 = tpu.memref_slice %arg3[%add3A_102, %dma_start3A_110] : memref<256x4096xf32, #tpu.memory_space<hbm>> -> memref<1x4096xf32, #tpu.memory_space<hbm>>
    %dma_start3A_112 = tpu.memref_squeeze %dma_start3A_111 : memref<1x4096xf32, #tpu.memory_space<hbm>> -> memref<4096xf32, #tpu.memory_space<hbm>>
    tpu.enqueue_dma source(%dma_start3A_112 : memref<4096xf32, #tpu.memory_space<hbm>>) target(%dma_start3A_109 : memref<4096xf32, #tpu.memory_space<vmem>>) target_semaphore(%arg8 : memref<!tpu.dma_semaphore, #tpu.memory_space<semaphore_mem>>)
    %mul3A_113 = arith.constant 8 : i32
    %mul3A_114 = arith.muli %add3A, %mul3A_113 : i32
    %add3A_115 = arith.constant 7 : i32
    %add3A_116 = arith.addi %mul3A_114, %add3A_115 : i32
    %dma_start3A_117 = arith.constant 28672 : i32
    %dma_start3A_118 = tpu.memref_slice %arg6[%dma_start3A_117] : memref<32768xf32, #tpu.memory_space<vmem>> -> memref<4096xf32, #tpu.memory_space<vmem>>
    %dma_start3A_119 = arith.constant 0 : i32
    %dma_start3A_120 = tpu.memref_slice %arg3[%add3A_116, %dma_start3A_119] : memref<256x4096xf32, #tpu.memory_space<hbm>> -> memref<1x4096xf32, #tpu.memory_space<hbm>>
    %dma_start3A_121 = tpu.memref_squeeze %dma_start3A_120 : memref<1x4096xf32, #tpu.memory_space<hbm>> -> memref<4096xf32, #tpu.memory_space<hbm>>
    %dma_start3A_122 = arith.constant 28672 : i32
    %dma_start3A_123 = tpu.memref_slice %arg6[%dma_start3A_122] : memref<32768xf32, #tpu.memory_space<vmem>> -> memref<4096xf32, #tpu.memory_space<vmem>>
    %dma_start3A_124 = arith.constant 0 : i32
    %dma_start3A_125 = tpu.memref_slice %arg3[%add3A_116, %dma_start3A_124] : memref<256x4096xf32, #tpu.memory_space<hbm>> -> memref<1x4096xf32, #tpu.memory_space<hbm>>
    %dma_start3A_126 = tpu.memref_squeeze %dma_start3A_125 : memref<1x4096xf32, #tpu.memory_space<hbm>> -> memref<4096xf32, #tpu.memory_space<hbm>>
    tpu.enqueue_dma source(%dma_start3A_126 : memref<4096xf32, #tpu.memory_space<hbm>>) target(%dma_start3A_123 : memref<4096xf32, #tpu.memory_space<vmem>>) target_semaphore(%arg8 : memref<!tpu.dma_semaphore, #tpu.memory_space<semaphore_mem>>)
    %dma_wait3A = arith.constant 0 : i32
    %dma_wait3A_127 = tpu.memref_slice %arg6[%dma_wait3A] : memref<32768xf32, #tpu.memory_space<vmem>> -> memref<4096xf32, #tpu.memory_space<vmem>>
    %dma_wait3A_128 = arith.constant 0 : i32
    %dma_wait3A_129 = tpu.memref_slice %arg3[%add3A_19, %dma_wait3A_128] : memref<256x4096xf32, #tpu.memory_space<hbm>> -> memref<1x4096xf32, #tpu.memory_space<hbm>>
    %dma_wait3A_130 = tpu.memref_squeeze %dma_wait3A_129 : memref<1x4096xf32, #tpu.memory_space<hbm>> -> memref<4096xf32, #tpu.memory_space<hbm>>
    %dma_wait3A_131 = arith.constant 0 : i32
    %dma_wait3A_132 = tpu.memref_slice %arg6[%dma_wait3A_131] : memref<32768xf32, #tpu.memory_space<vmem>> -> memref<4096xf32, #tpu.memory_space<vmem>>
    %dma_wait3A_133 = arith.constant 0 : i32
    %dma_wait3A_134 = tpu.memref_slice %arg3[%add3A_19, %dma_wait3A_133] : memref<256x4096xf32, #tpu.memory_space<hbm>> -> memref<1x4096xf32, #tpu.memory_space<hbm>>
    %dma_wait3A_135 = tpu.memref_squeeze %dma_wait3A_134 : memref<1x4096xf32, #tpu.memory_space<hbm>> -> memref<4096xf32, #tpu.memory_space<hbm>>
    tpu.wait_dma2 semaphore(%arg8 : memref<!tpu.dma_semaphore, #tpu.memory_space<semaphore_mem>>) src(%dma_wait3A_135 : memref<4096xf32, #tpu.memory_space<hbm>>) dst(%dma_wait3A_132 : memref<4096xf32, #tpu.memory_space<vmem>>)
    %dma_wait3A_136 = arith.constant 4096 : i32
    %dma_wait3A_137 = tpu.memref_slice %arg6[%dma_wait3A_136] : memref<32768xf32, #tpu.memory_space<vmem>> -> memref<4096xf32, #tpu.memory_space<vmem>>
    %dma_wait3A_138 = arith.constant 0 : i32
    %dma_wait3A_139 = tpu.memref_slice %arg3[%add3A_32, %dma_wait3A_138] : memref<256x4096xf32, #tpu.memory_space<hbm>> -> memref<1x4096xf32, #tpu.memory_space<hbm>>
    %dma_wait3A_140 = tpu.memref_squeeze %dma_wait3A_139 : memref<1x4096xf32, #tpu.memory_space<hbm>> -> memref<4096xf32, #tpu.memory_space<hbm>>
    %dma_wait3A_141 = arith.constant 4096 : i32
    %dma_wait3A_142 = tpu.memref_slice %arg6[%dma_wait3A_141] : memref<32768xf32, #tpu.memory_space<vmem>> -> memref<4096xf32, #tpu.memory_space<vmem>>
    %dma_wait3A_143 = arith.constant 0 : i32
    %dma_wait3A_144 = tpu.memref_slice %arg3[%add3A_32, %dma_wait3A_143] : memref<256x4096xf32, #tpu.memory_space<hbm>> -> memref<1x4096xf32, #tpu.memory_space<hbm>>
    %dma_wait3A_145 = tpu.memref_squeeze %dma_wait3A_144 : memref<1x4096xf32, #tpu.memory_space<hbm>> -> memref<4096xf32, #tpu.memory_space<hbm>>
    tpu.wait_dma2 semaphore(%arg8 : memref<!tpu.dma_semaphore, #tpu.memory_space<semaphore_mem>>) src(%dma_wait3A_145 : memref<4096xf32, #tpu.memory_space<hbm>>) dst(%dma_wait3A_142 : memref<4096xf32, #tpu.memory_space<vmem>>)
    %dma_wait3A_146 = arith.constant 8192 : i32
    %dma_wait3A_147 = tpu.memref_slice %arg6[%dma_wait3A_146] : memref<32768xf32, #tpu.memory_space<vmem>> -> memref<4096xf32, #tpu.memory_space<vmem>>
    %dma_wait3A_148 = arith.constant 0 : i32
    %dma_wait3A_149 = tpu.memref_slice %arg3[%add3A_46, %dma_wait3A_148] : memref<256x4096xf32, #tpu.memory_space<hbm>> -> memref<1x4096xf32, #tpu.memory_space<hbm>>
    %dma_wait3A_150 = tpu.memref_squeeze %dma_wait3A_149 : memref<1x4096xf32, #tpu.memory_space<hbm>> -> memref<4096xf32, #tpu.memory_space<hbm>>
    %dma_wait3A_151 = arith.constant 8192 : i32
    %dma_wait3A_152 = tpu.memref_slice %arg6[%dma_wait3A_151] : memref<32768xf32, #tpu.memory_space<vmem>> -> memref<4096xf32, #tpu.memory_space<vmem>>
    %dma_wait3A_153 = arith.constant 0 : i32
    %dma_wait3A_154 = tpu.memref_slice %arg3[%add3A_46, %dma_wait3A_153] : memref<256x4096xf32, #tpu.memory_space<hbm>> -> memref<1x4096xf32, #tpu.memory_space<hbm>>
    %dma_wait3A_155 = tpu.memref_squeeze %dma_wait3A_154 : memref<1x4096xf32, #tpu.memory_space<hbm>> -> memref<4096xf32, #tpu.memory_space<hbm>>
    tpu.wait_dma2 semaphore(%arg8 : memref<!tpu.dma_semaphore, #tpu.memory_space<semaphore_mem>>) src(%dma_wait3A_155 : memref<4096xf32, #tpu.memory_space<hbm>>) dst(%dma_wait3A_152 : memref<4096xf32, #tpu.memory_space<vmem>>)
    %dma_wait3A_156 = arith.constant 12288 : i32
    %dma_wait3A_157 = tpu.memref_slice %arg6[%dma_wait3A_156] : memref<32768xf32, #tpu.memory_space<vmem>> -> memref<4096xf32, #tpu.memory_space<vmem>>
    %dma_wait3A_158 = arith.constant 0 : i32
    %dma_wait3A_159 = tpu.memref_slice %arg3[%add3A_60, %dma_wait3A_158] : memref<256x4096xf32, #tpu.memory_space<hbm>> -> memref<1x4096xf32, #tpu.memory_space<hbm>>
    %dma_wait3A_160 = tpu.memref_squeeze %dma_wait3A_159 : memref<1x4096xf32, #tpu.memory_space<hbm>> -> memref<4096xf32, #tpu.memory_space<hbm>>
    %dma_wait3A_161 = arith.constant 12288 : i32
    %dma_wait3A_162 = tpu.memref_slice %arg6[%dma_wait3A_161] : memref<32768xf32, #tpu.memory_space<vmem>> -> memref<4096xf32, #tpu.memory_space<vmem>>
    %dma_wait3A_163 = arith.constant 0 : i32
    %dma_wait3A_164 = tpu.memref_slice %arg3[%add3A_60, %dma_wait3A_163] : memref<256x4096xf32, #tpu.memory_space<hbm>> -> memref<1x4096xf32, #tpu.memory_space<hbm>>
    %dma_wait3A_165 = tpu.memref_squeeze %dma_wait3A_164 : memref<1x4096xf32, #tpu.memory_space<hbm>> -> memref<4096xf32, #tpu.memory_space<hbm>>
    tpu.wait_dma2 semaphore(%arg8 : memref<!tpu.dma_semaphore, #tpu.memory_space<semaphore_mem>>) src(%dma_wait3A_165 : memref<4096xf32, #tpu.memory_space<hbm>>) dst(%dma_wait3A_162 : memref<4096xf32, #tpu.memory_space<vmem>>)
    %dma_wait3A_166 = arith.constant 16384 : i32
    %dma_wait3A_167 = tpu.memref_slice %arg6[%dma_wait3A_166] : memref<32768xf32, #tpu.memory_space<vmem>> -> memref<4096xf32, #tpu.memory_space<vmem>>
    %dma_wait3A_168 = arith.constant 0 : i32
    %dma_wait3A_169 = tpu.memref_slice %arg3[%add3A_74, %dma_wait3A_168] : memref<256x4096xf32, #tpu.memory_space<hbm>> -> memref<1x4096xf32, #tpu.memory_space<hbm>>
    %dma_wait3A_170 = tpu.memref_squeeze %dma_wait3A_169 : memref<1x4096xf32, #tpu.memory_space<hbm>> -> memref<4096xf32, #tpu.memory_space<hbm>>
    %dma_wait3A_171 = arith.constant 16384 : i32
    %dma_wait3A_172 = tpu.memref_slice %arg6[%dma_wait3A_171] : memref<32768xf32, #tpu.memory_space<vmem>> -> memref<4096xf32, #tpu.memory_space<vmem>>
    %dma_wait3A_173 = arith.constant 0 : i32
    %dma_wait3A_174 = tpu.memref_slice %arg3[%add3A_74, %dma_wait3A_173] : memref<256x4096xf32, #tpu.memory_space<hbm>> -> memref<1x4096xf32, #tpu.memory_space<hbm>>
    %dma_wait3A_175 = tpu.memref_squeeze %dma_wait3A_174 : memref<1x4096xf32, #tpu.memory_space<hbm>> -> memref<4096xf32, #tpu.memory_space<hbm>>
    tpu.wait_dma2 semaphore(%arg8 : memref<!tpu.dma_semaphore, #tpu.memory_space<semaphore_mem>>) src(%dma_wait3A_175 : memref<4096xf32, #tpu.memory_space<hbm>>) dst(%dma_wait3A_172 : memref<4096xf32, #tpu.memory_space<vmem>>)
    %dma_wait3A_176 = arith.constant 20480 : i32
    %dma_wait3A_177 = tpu.memref_slice %arg6[%dma_wait3A_176] : memref<32768xf32, #tpu.memory_space<vmem>> -> memref<4096xf32, #tpu.memory_space<vmem>>
    %dma_wait3A_178 = arith.constant 0 : i32
    %dma_wait3A_179 = tpu.memref_slice %arg3[%add3A_88, %dma_wait3A_178] : memref<256x4096xf32, #tpu.memory_space<hbm>> -> memref<1x4096xf32, #tpu.memory_space<hbm>>
    %dma_wait3A_180 = tpu.memref_squeeze %dma_wait3A_179 : memref<1x4096xf32, #tpu.memory_space<hbm>> -> memref<4096xf32, #tpu.memory_space<hbm>>
    %dma_wait3A_181 = arith.constant 20480 : i32
    %dma_wait3A_182 = tpu.memref_slice %arg6[%dma_wait3A_181] : memref<32768xf32, #tpu.memory_space<vmem>> -> memref<4096xf32, #tpu.memory_space<vmem>>
    %dma_wait3A_183 = arith.constant 0 : i32
    %dma_wait3A_184 = tpu.memref_slice %arg3[%add3A_88, %dma_wait3A_183] : memref<256x4096xf32, #tpu.memory_space<hbm>> -> memref<1x4096xf32, #tpu.memory_space<hbm>>
    %dma_wait3A_185 = tpu.memref_squeeze %dma_wait3A_184 : memref<1x4096xf32, #tpu.memory_space<hbm>> -> memref<4096xf32, #tpu.memory_space<hbm>>
    tpu.wait_dma2 semaphore(%arg8 : memref<!tpu.dma_semaphore, #tpu.memory_space<semaphore_mem>>) src(%dma_wait3A_185 : memref<4096xf32, #tpu.memory_space<hbm>>) dst(%dma_wait3A_182 : memref<4096xf32, #tpu.memory_space<vmem>>)
    %dma_wait3A_186 = arith.constant 24576 : i32
    %dma_wait3A_187 = tpu.memref_slice %arg6[%dma_wait3A_186] : memref<32768xf32, #tpu.memory_space<vmem>> -> memref<4096xf32, #tpu.memory_space<vmem>>
    %dma_wait3A_188 = arith.constant 0 : i32
    %dma_wait3A_189 = tpu.memref_slice %arg3[%add3A_102, %dma_wait3A_188] : memref<256x4096xf32, #tpu.memory_space<hbm>> -> memref<1x4096xf32, #tpu.memory_space<hbm>>
    %dma_wait3A_190 = tpu.memref_squeeze %dma_wait3A_189 : memref<1x4096xf32, #tpu.memory_space<hbm>> -> memref<4096xf32, #tpu.memory_space<hbm>>
    %dma_wait3A_191 = arith.constant 24576 : i32
    %dma_wait3A_192 = tpu.memref_slice %arg6[%dma_wait3A_191] : memref<32768xf32, #tpu.memory_space<vmem>> -> memref<4096xf32, #tpu.memory_space<vmem>>
    %dma_wait3A_193 = arith.constant 0 : i32
    %dma_wait3A_194 = tpu.memref_slice %arg3[%add3A_102, %dma_wait3A_193] : memref<256x4096xf32, #tpu.memory_space<hbm>> -> memref<1x4096xf32, #tpu.memory_space<hbm>>
    %dma_wait3A_195 = tpu.memref_squeeze %dma_wait3A_194 : memref<1x4096xf32, #tpu.memory_space<hbm>> -> memref<4096xf32, #tpu.memory_space<hbm>>
    tpu.wait_dma2 semaphore(%arg8 : memref<!tpu.dma_semaphore, #tpu.memory_space<semaphore_mem>>) src(%dma_wait3A_195 : memref<4096xf32, #tpu.memory_space<hbm>>) dst(%dma_wait3A_192 : memref<4096xf32, #tpu.memory_space<vmem>>)
    %dma_wait3A_196 = arith.constant 28672 : i32
    %dma_wait3A_197 = tpu.memref_slice %arg6[%dma_wait3A_196] : memref<32768xf32, #tpu.memory_space<vmem>> -> memref<4096xf32, #tpu.memory_space<vmem>>
    %dma_wait3A_198 = arith.constant 0 : i32
    %dma_wait3A_199 = tpu.memref_slice %arg3[%add3A_116, %dma_wait3A_198] : memref<256x4096xf32, #tpu.memory_space<hbm>> -> memref<1x4096xf32, #tpu.memory_space<hbm>>
    %dma_wait3A_200 = tpu.memref_squeeze %dma_wait3A_199 : memref<1x4096xf32, #tpu.memory_space<hbm>> -> memref<4096xf32, #tpu.memory_space<hbm>>
    %dma_wait3A_201 = arith.constant 28672 : i32
    %dma_wait3A_202 = tpu.memref_slice %arg6[%dma_wait3A_201] : memref<32768xf32, #tpu.memory_space<vmem>> -> memref<4096xf32, #tpu.memory_space<vmem>>
    %dma_wait3A_203 = arith.constant 0 : i32
    %dma_wait3A_204 = tpu.memref_slice %arg3[%add3A_116, %dma_wait3A_203] : memref<256x4096xf32, #tpu.memory_space<hbm>> -> memref<1x4096xf32, #tpu.memory_space<hbm>>
    %dma_wait3A_205 = tpu.memref_squeeze %dma_wait3A_204 : memref<1x4096xf32, #tpu.memory_space<hbm>> -> memref<4096xf32, #tpu.memory_space<hbm>>
    tpu.wait_dma2 semaphore(%arg8 : memref<!tpu.dma_semaphore, #tpu.memory_space<semaphore_mem>>) src(%dma_wait3A_205 : memref<4096xf32, #tpu.memory_space<hbm>>) dst(%dma_wait3A_202 : memref<4096xf32, #tpu.memory_space<vmem>>)
    %scan3A = arith.constant 0 : i32
    %scan3A_206 = arith.constant 0 : i32
    %scan3A_207 = arith.constant 8 : i32
    %scan3A_208 = arith.addi %scan3A_206, %scan3A_207 : i32
    %scan3A_209 = arith.constant 1 : i32
    scf.for %scan3A_245 = %scan3A_206 to %scan3A_208 step %scan3A_209  : i32 {
      %jit3A = arith.constant 2 : i32
      %eq3A = arith.constant 0 : i32
      %eq3A_246 = arith.cmpi eq, %jit3A, %eq3A : i32
      %jit3A_247 = arith.constant 1 : i32
      %select_n3A = arith.select %eq3A_246, %jit3A_247, %jit3A : i32
      %rem3A = arith.remsi %scan3A_245, %select_n3A : i32
      %ne3A = arith.constant 0 : i32
      %ne3A_248 = arith.cmpi ne, %rem3A, %ne3A : i32
      %lt3A = arith.constant 0 : i32
      %lt3A_249 = arith.cmpi slt, %rem3A, %lt3A : i32
      %lt3A_250 = arith.constant 0 : i32
      %lt3A_251 = arith.cmpi slt, %select_n3A, %lt3A_250 : i32
      %ne3A_252 = arith.xori %lt3A_249, %lt3A_251 : i1
      %and3A = arith.andi %ne3A_252, %ne3A_248 : i1
      %add3A_253 = arith.addi %rem3A, %select_n3A : i32
      %select_n3A_254 = arith.select %and3A, %add3A_253, %rem3A : i32
      %mul3A_255 = arith.constant 8 : i32
      %mul3A_256 = arith.muli %add3A, %mul3A_255 : i32
      %mul3A_257 = arith.constant 128 : i32
      %mul3A_258 = arith.muli %scan3A_245, %mul3A_257 : i32
      "tpu.region"() ({
        %run_scoped3A = tpu.sem_alloc : memref<!tpu.dma_semaphore, #tpu.memory_space<semaphore_mem>>
        %dma_start3A_283 = arith.constant 0 : i32
        %dma_start3A_284 = tpu.memref_slice %arg2[%mul3A_256, %dma_start3A_283, %mul3A_258] : memref<256x8x1024xf32, #tpu.memory_space<hbm>> -> memref<8x8x128xf32, #tpu.memory_space<hbm>>
        %dma_start3A_285 = arith.constant 0 : i32
        %dma_start3A_286 = tpu.memref_slice %arg2[%mul3A_256, %dma_start3A_285, %mul3A_258] : memref<256x8x1024xf32, #tpu.memory_space<hbm>> -> memref<8x8x128xf32, #tpu.memory_space<hbm>>
        tpu.enqueue_dma source(%dma_start3A_286 : memref<8x8x128xf32, #tpu.memory_space<hbm>>) target(%arg5 : memref<8x8x128xf32, #tpu.memory_space<vmem>>) target_semaphore(%run_scoped3A : memref<!tpu.dma_semaphore, #tpu.memory_space<semaphore_mem>>)
        %dma_wait3A_287 = arith.constant 0 : i32
        %dma_wait3A_288 = tpu.memref_slice %arg2[%mul3A_256, %dma_wait3A_287, %mul3A_258] : memref<256x8x1024xf32, #tpu.memory_space<hbm>> -> memref<8x8x128xf32, #tpu.memory_space<hbm>>
        %dma_wait3A_289 = arith.constant 0 : i32
        %dma_wait3A_290 = tpu.memref_slice %arg2[%mul3A_256, %dma_wait3A_289, %mul3A_258] : memref<256x8x1024xf32, #tpu.memory_space<hbm>> -> memref<8x8x128xf32, #tpu.memory_space<hbm>>
        tpu.wait_dma2 semaphore(%run_scoped3A : memref<!tpu.dma_semaphore, #tpu.memory_space<semaphore_mem>>) src(%dma_wait3A_290 : memref<8x8x128xf32, #tpu.memory_space<hbm>>) dst(%arg5 : memref<8x8x128xf32, #tpu.memory_space<vmem>>)
        tpu.yield
      }) : () -> ()
      %ge3A = arith.constant 2 : i32
      %ge3A_259 = arith.cmpi sge, %scan3A_245, %ge3A : i32
      %convert_element_type3A = arith.extui %ge3A_259 : i1 to i32
      %cond3A = arith.constant 0 : i32
      %cond3A_260 = arith.cmpi ne, %convert_element_type3A, %cond3A : i32
      scf.if %cond3A_260 {
        %sub3A = arith.constant 2 : i32
        %sub3A_283 = arith.subi %scan3A_245, %sub3A : i32
        %mul3A_284 = arith.constant 128 : i32
        %mul3A_285 = arith.muli %sub3A_283, %mul3A_284 : i32
        %mul3A_286 = arith.constant 8 : i32
        %mul3A_287 = arith.muli %add3A, %mul3A_286 : i32
        %mul3A_288 = arith.constant 16 : i32
        %mul3A_289 = arith.muli %mul3A_287, %mul3A_288 : i32
        %dma_wait3A_290 = arith.constant 0 : i32
        %dma_wait3A_291 = arith.constant 0 : i32
        %dma_wait3A_292 = tpu.memref_slice %arg7[%select_n3A_254, %dma_wait3A_290, %dma_wait3A_291] : memref<2x128x128xf32, #tpu.memory_space<vmem>> -> memref<1x128x128xf32, #tpu.memory_space<vmem>>
        %dma_wait3A_293 = tpu.memref_squeeze %dma_wait3A_292 : memref<1x128x128xf32, #tpu.memory_space<vmem>> -> memref<128x128xf32, #tpu.memory_space<vmem>>
        %dma_wait3A_294 = tpu.memref_slice %arg4[%mul3A_285, %mul3A_289] : memref<1024x4096xf32, #tpu.memory_space<hbm>> -> memref<128x128xf32, #tpu.memory_space<hbm>>
        %dma_wait3A_295 = tpu.memref_slice %arg4[%mul3A_285, %mul3A_289] : memref<1024x4096xf32, #tpu.memory_space<hbm>> -> memref<128x128xf32, #tpu.memory_space<hbm>>
        %dma_wait3A_296 = arith.constant 0 : i32
        %dma_wait3A_297 = arith.constant 0 : i32
        %dma_wait3A_298 = tpu.memref_slice %arg7[%select_n3A_254, %dma_wait3A_296, %dma_wait3A_297] : memref<2x128x128xf32, #tpu.memory_space<vmem>> -> memref<1x128x128xf32, #tpu.memory_space<vmem>>
        %dma_wait3A_299 = tpu.memref_squeeze %dma_wait3A_298 : memref<1x128x128xf32, #tpu.memory_space<vmem>> -> memref<128x128xf32, #tpu.memory_space<vmem>>
        tpu.wait_dma2 semaphore(%arg9 : memref<!tpu.dma_semaphore, #tpu.memory_space<semaphore_mem>>) src(%dma_wait3A_299 : memref<128x128xf32, #tpu.memory_space<vmem>>) dst(%dma_wait3A_295 : memref<128x128xf32, #tpu.memory_space<hbm>>)
      } else {
      }
      %scan3A_261 = arith.constant 0 : i32
      %scan3A_262 = arith.constant 0 : i32
      %scan3A_263 = arith.constant 8 : i32
      %scan3A_264 = arith.addi %scan3A_262, %scan3A_263 : i32
      %scan3A_265 = arith.constant 1 : i32
      scf.for %scan3A_283 = %scan3A_262 to %scan3A_264 step %scan3A_265  : i32 {
        %broadcast_in_dim3A_284 = arith.constant 4080 : i32
        %broadcast_in_dim3A_285 = vector.broadcast %broadcast_in_dim3A_284 : i32 to vector<16xi32>
        %mul3A_286 = arith.constant 4096 : i32
        %mul3A_287 = arith.muli %scan3A_283, %mul3A_286 : i32
        %broadcast_in_dim3A_288 = vector.broadcast %mul3A_287 : i32 to vector<16xi32>
        %add3A_289 = arith.addi %broadcast_in_dim3A_285, %broadcast_in_dim3A_288 : vector<16xi32>
        %add3A_290 = arith.addi %add3A_289, %iota3A : vector<16xi32>
        %gather3A = tpu.vector_load_idx %arg6[%add3A_290] : memref<32768xf32, #tpu.memory_space<vmem>>[vector<16xi32>], vector<16xf32>,
        %scan3A_291 = arith.constant 0 : i32
        %scan3A_292 = arith.constant 0 : i32
        %scan3A_293 = arith.constant 8 : i32
        %scan3A_294 = arith.addi %scan3A_292, %scan3A_293 : i32
        %scan3A_295 = arith.constant 1 : i32
        scf.for %scan3A_297 = %scan3A_292 to %scan3A_294 step %scan3A_295  : i32 {
          %mul3A_298 = arith.constant 16 : i32
          %mul3A_299 = arith.muli %scan3A_297, %mul3A_298 : i32
          %get3A = arith.constant 0 : i32
          %get3A_300 = arith.index_cast %scan3A_283 : i32 to index
          %get3A_301 = arith.index_cast %get3A : i32 to index
          %get3A_302 = arith.index_cast %mul3A_299 : i32 to index
          %get3A_303 = tpu.vector_load %arg5[%get3A_300, %get3A_301, %get3A_302] {strides = array<i32>} : memref<8x8x128xf32, #tpu.memory_space<vmem>>, vector<16xf32>,
          %mul3A_304 = arith.constant 16 : i32
          %mul3A_305 = arith.muli %scan3A_297, %mul3A_304 : i32
          %get3A_306 = arith.constant 1 : i32
          %get3A_307 = arith.index_cast %scan3A_283 : i32 to index
          %get3A_308 = arith.index_cast %get3A_306 : i32 to index
          %get3A_309 = arith.index_cast %mul3A_305 : i32 to index
          %get3A_310 = tpu.vector_load %arg5[%get3A_307, %get3A_308, %get3A_309] {strides = array<i32>} : memref<8x8x128xf32, #tpu.memory_space<vmem>>, vector<16xf32>,
          %mul3A_311 = arith.constant 16 : i32
          %mul3A_312 = arith.muli %scan3A_297, %mul3A_311 : i32
          %get3A_313 = arith.constant 2 : i32
          %get3A_314 = arith.index_cast %scan3A_283 : i32 to index
          %get3A_315 = arith.index_cast %get3A_313 : i32 to index
          %get3A_316 = arith.index_cast %mul3A_312 : i32 to index
          %get3A_317 = tpu.vector_load %arg5[%get3A_314, %get3A_315, %get3A_316] {strides = array<i32>} : memref<8x8x128xf32, #tpu.memory_space<vmem>>, vector<16xf32>,
          %mul3A_318 = arith.constant 16 : i32
          %mul3A_319 = arith.muli %scan3A_297, %mul3A_318 : i32
          %get3A_320 = arith.constant 3 : i32
          %get3A_321 = arith.index_cast %scan3A_283 : i32 to index
          %get3A_322 = arith.index_cast %get3A_320 : i32 to index
          %get3A_323 = arith.index_cast %mul3A_319 : i32 to index
          %get3A_324 = tpu.vector_load %arg5[%get3A_321, %get3A_322, %get3A_323] {strides = array<i32>} : memref<8x8x128xf32, #tpu.memory_space<vmem>>, vector<16xf32>,
          %mul3A_325 = arith.constant 16 : i32
          %mul3A_326 = arith.muli %scan3A_297, %mul3A_325 : i32
          %get3A_327 = arith.constant 4 : i32
          %get3A_328 = arith.index_cast %scan3A_283 : i32 to index
          %get3A_329 = arith.index_cast %get3A_327 : i32 to index
          %get3A_330 = arith.index_cast %mul3A_326 : i32 to index
          %get3A_331 = tpu.vector_load %arg5[%get3A_328, %get3A_329, %get3A_330] {strides = array<i32>} : memref<8x8x128xf32, #tpu.memory_space<vmem>>, vector<16xf32>,
          %mul3A_332 = arith.constant 16 : i32
          %mul3A_333 = arith.muli %scan3A_297, %mul3A_332 : i32
          %get3A_334 = arith.constant 5 : i32
          %get3A_335 = arith.index_cast %scan3A_283 : i32 to index
          %get3A_336 = arith.index_cast %get3A_334 : i32 to index
          %get3A_337 = arith.index_cast %mul3A_333 : i32 to index
          %get3A_338 = tpu.vector_load %arg5[%get3A_335, %get3A_336, %get3A_337] {strides = array<i32>} : memref<8x8x128xf32, #tpu.memory_space<vmem>>, vector<16xf32>,
          %mul3A_339 = arith.constant 16 : i32
          %mul3A_340 = arith.muli %scan3A_297, %mul3A_339 : i32
          %get3A_341 = arith.constant 6 : i32
          %get3A_342 = arith.index_cast %scan3A_283 : i32 to index
          %get3A_343 = arith.index_cast %get3A_341 : i32 to index
          %get3A_344 = arith.index_cast %mul3A_340 : i32 to index
          %get3A_345 = tpu.vector_load %arg5[%get3A_342, %get3A_343, %get3A_344] {strides = array<i32>} : memref<8x8x128xf32, #tpu.memory_space<vmem>>, vector<16xf32>,
          %mul3A_346 = arith.constant 16 : i32
          %mul3A_347 = arith.muli %scan3A_297, %mul3A_346 : i32
          %get3A_348 = arith.constant 7 : i32
          %get3A_349 = arith.index_cast %scan3A_283 : i32 to index
          %get3A_350 = arith.index_cast %get3A_348 : i32 to index
          %get3A_351 = arith.index_cast %mul3A_347 : i32 to index
          %get3A_352 = tpu.vector_load %arg5[%get3A_349, %get3A_350, %get3A_351] {strides = array<i32>} : memref<8x8x128xf32, #tpu.memory_space<vmem>>, vector<16xf32>,
          %le3A = arith.cmpf ole, %get3A_303, %get3A_310 : vector<16xf32>
          %min3A = arith.minimumf %get3A_303, %get3A_310 : vector<16xf32>
          %max3A = arith.maximumf %get3A_303, %get3A_310 : vector<16xf32>
          %select_n3A_353 = arith.select %le3A, %broadcast_in_dim3A_1, %broadcast_in_dim3A_3 : vector<16xi1>, vector<16xi32>
          %select_n3A_354 = arith.select %le3A, %broadcast_in_dim3A_3, %broadcast_in_dim3A_1 : vector<16xi1>, vector<16xi32>
          %le3A_355 = arith.cmpf ole, %get3A_317, %get3A_324 : vector<16xf32>
          %min3A_356 = arith.minimumf %get3A_317, %get3A_324 : vector<16xf32>
          %max3A_357 = arith.maximumf %get3A_317, %get3A_324 : vector<16xf32>
          %select_n3A_358 = arith.select %le3A_355, %broadcast_in_dim3A_5, %broadcast_in_dim3A_7 : vector<16xi1>, vector<16xi32>
          %select_n3A_359 = arith.select %le3A_355, %broadcast_in_dim3A_7, %broadcast_in_dim3A_5 : vector<16xi1>, vector<16xi32>
          %le3A_360 = arith.cmpf ole, %get3A_331, %get3A_338 : vector<16xf32>
          %min3A_361 = arith.minimumf %get3A_331, %get3A_338 : vector<16xf32>
          %max3A_362 = arith.maximumf %get3A_331, %get3A_338 : vector<16xf32>
          %select_n3A_363 = arith.select %le3A_360, %broadcast_in_dim3A_9, %broadcast_in_dim3A_11 : vector<16xi1>, vector<16xi32>
          %select_n3A_364 = arith.select %le3A_360, %broadcast_in_dim3A_11, %broadcast_in_dim3A_9 : vector<16xi1>, vector<16xi32>
          %le3A_365 = arith.cmpf ole, %get3A_345, %get3A_352 : vector<16xf32>
          %min3A_366 = arith.minimumf %get3A_345, %get3A_352 : vector<16xf32>
          %max3A_367 = arith.maximumf %get3A_345, %get3A_352 : vector<16xf32>
          %select_n3A_368 = arith.select %le3A_365, %broadcast_in_dim3A_13, %broadcast_in_dim3A_15 : vector<16xi1>, vector<16xi32>
          %select_n3A_369 = arith.select %le3A_365, %broadcast_in_dim3A_15, %broadcast_in_dim3A_13 : vector<16xi1>, vector<16xi32>
          %le3A_370 = arith.cmpf ole, %min3A, %min3A_356 : vector<16xf32>
          %min3A_371 = arith.minimumf %min3A, %min3A_356 : vector<16xf32>
          %max3A_372 = arith.maximumf %min3A, %min3A_356 : vector<16xf32>
          %select_n3A_373 = arith.select %le3A_370, %select_n3A_353, %select_n3A_358 : vector<16xi1>, vector<16xi32>
          %select_n3A_374 = arith.select %le3A_370, %select_n3A_358, %select_n3A_353 : vector<16xi1>, vector<16xi32>
          %le3A_375 = arith.cmpf ole, %max3A, %max3A_357 : vector<16xf32>
          %min3A_376 = arith.minimumf %max3A, %max3A_357 : vector<16xf32>
          %max3A_377 = arith.maximumf %max3A, %max3A_357 : vector<16xf32>
          %select_n3A_378 = arith.select %le3A_375, %select_n3A_354, %select_n3A_359 : vector<16xi1>, vector<16xi32>
          %select_n3A_379 = arith.select %le3A_375, %select_n3A_359, %select_n3A_354 : vector<16xi1>, vector<16xi32>
          %le3A_380 = arith.cmpf ole, %min3A_361, %min3A_366 : vector<16xf32>
          %min3A_381 = arith.minimumf %min3A_361, %min3A_366 : vector<16xf32>
          %max3A_382 = arith.maximumf %min3A_361, %min3A_366 : vector<16xf32>
          %select_n3A_383 = arith.select %le3A_380, %select_n3A_363, %select_n3A_368 : vector<16xi1>, vector<16xi32>
          %select_n3A_384 = arith.select %le3A_380, %select_n3A_368, %select_n3A_363 : vector<16xi1>, vector<16xi32>
          %le3A_385 = arith.cmpf ole, %max3A_362, %max3A_367 : vector<16xf32>
          %min3A_386 = arith.minimumf %max3A_362, %max3A_367 : vector<16xf32>
          %max3A_387 = arith.maximumf %max3A_362, %max3A_367 : vector<16xf32>
          %select_n3A_388 = arith.select %le3A_385, %select_n3A_364, %select_n3A_369 : vector<16xi1>, vector<16xi32>
          %select_n3A_389 = arith.select %le3A_385, %select_n3A_369, %select_n3A_364 : vector<16xi1>, vector<16xi32>
          %le3A_390 = arith.cmpf ole, %min3A_376, %max3A_372 : vector<16xf32>
          %min3A_391 = arith.minimumf %min3A_376, %max3A_372 : vector<16xf32>
          %max3A_392 = arith.maximumf %min3A_376, %max3A_372 : vector<16xf32>
          %select_n3A_393 = arith.select %le3A_390, %select_n3A_378, %select_n3A_374 : vector<16xi1>, vector<16xi32>
          %select_n3A_394 = arith.select %le3A_390, %select_n3A_374, %select_n3A_378 : vector<16xi1>, vector<16xi32>
          %le3A_395 = arith.cmpf ole, %min3A_386, %max3A_382 : vector<16xf32>
          %min3A_396 = arith.minimumf %min3A_386, %max3A_382 : vector<16xf32>
          %max3A_397 = arith.maximumf %min3A_386, %max3A_382 : vector<16xf32>
          %select_n3A_398 = arith.select %le3A_395, %select_n3A_388, %select_n3A_384 : vector<16xi1>, vector<16xi32>
          %select_n3A_399 = arith.select %le3A_395, %select_n3A_384, %select_n3A_388 : vector<16xi1>, vector<16xi32>
          %le3A_400 = arith.cmpf ole, %min3A_371, %min3A_381 : vector<16xf32>
          %min3A_401 = arith.minimumf %min3A_371, %min3A_381 : vector<16xf32>
          %max3A_402 = arith.maximumf %min3A_371, %min3A_381 : vector<16xf32>
          %select_n3A_403 = arith.select %le3A_400, %select_n3A_373, %select_n3A_383 : vector<16xi1>, vector<16xi32>
          %select_n3A_404 = arith.select %le3A_400, %select_n3A_383, %select_n3A_373 : vector<16xi1>, vector<16xi32>
          %le3A_405 = arith.cmpf ole, %max3A_377, %max3A_387 : vector<16xf32>
          %min3A_406 = arith.minimumf %max3A_377, %max3A_387 : vector<16xf32>
          %max3A_407 = arith.maximumf %max3A_377, %max3A_387 : vector<16xf32>
          %select_n3A_408 = arith.select %le3A_405, %select_n3A_379, %select_n3A_389 : vector<16xi1>, vector<16xi32>
          %select_n3A_409 = arith.select %le3A_405, %select_n3A_389, %select_n3A_379 : vector<16xi1>, vector<16xi32>
          %le3A_410 = arith.cmpf ole, %min3A_391, %min3A_396 : vector<16xf32>
          %min3A_411 = arith.minimumf %min3A_391, %min3A_396 : vector<16xf32>
          %max3A_412 = arith.maximumf %min3A_391, %min3A_396 : vector<16xf32>
          %select_n3A_413 = arith.select %le3A_410, %select_n3A_393, %select_n3A_398 : vector<16xi1>, vector<16xi32>
          %select_n3A_414 = arith.select %le3A_410, %select_n3A_398, %select_n3A_393 : vector<16xi1>, vector<16xi32>
          %le3A_415 = arith.cmpf ole, %max3A_392, %max3A_397 : vector<16xf32>
          %min3A_416 = arith.minimumf %max3A_392, %max3A_397 : vector<16xf32>
          %max3A_417 = arith.maximumf %max3A_392, %max3A_397 : vector<16xf32>
          %select_n3A_418 = arith.select %le3A_415, %select_n3A_394, %select_n3A_399 : vector<16xi1>, vector<16xi32>
          %select_n3A_419 = arith.select %le3A_415, %select_n3A_399, %select_n3A_394 : vector<16xi1>, vector<16xi32>
          %le3A_420 = arith.cmpf ole, %min3A_411, %max3A_402 : vector<16xf32>
          %min3A_421 = arith.minimumf %min3A_411, %max3A_402 : vector<16xf32>
          %max3A_422 = arith.maximumf %min3A_411, %max3A_402 : vector<16xf32>
          %select_n3A_423 = arith.select %le3A_420, %select_n3A_413, %select_n3A_404 : vector<16xi1>, vector<16xi32>
          %select_n3A_424 = arith.select %le3A_420, %select_n3A_404, %select_n3A_413 : vector<16xi1>, vector<16xi32>
          %le3A_425 = arith.cmpf ole, %min3A_406, %max3A_417 : vector<16xf32>
          %min3A_426 = arith.minimumf %min3A_406, %max3A_417 : vector<16xf32>
          %max3A_427 = arith.maximumf %min3A_406, %max3A_417 : vector<16xf32>
          %select_n3A_428 = arith.select %le3A_425, %select_n3A_408, %select_n3A_419 : vector<16xi1>, vector<16xi32>
          %select_n3A_429 = arith.select %le3A_425, %select_n3A_419, %select_n3A_408 : vector<16xi1>, vector<16xi32>
          %le3A_430 = arith.cmpf ole, %min3A_416, %max3A_422 : vector<16xf32>
          %min3A_431 = arith.minimumf %min3A_416, %max3A_422 : vector<16xf32>
          %max3A_432 = arith.maximumf %min3A_416, %max3A_422 : vector<16xf32>
          %select_n3A_433 = arith.select %le3A_430, %select_n3A_418, %select_n3A_424 : vector<16xi1>, vector<16xi32>
          %select_n3A_434 = arith.select %le3A_430, %select_n3A_424, %select_n3A_418 : vector<16xi1>, vector<16xi32>
          %le3A_435 = arith.cmpf ole, %min3A_426, %max3A_412 : vector<16xf32>
          %min3A_436 = arith.minimumf %min3A_426, %max3A_412 : vector<16xf32>
          %max3A_437 = arith.maximumf %min3A_426, %max3A_412 : vector<16xf32>
          %select_n3A_438 = arith.select %le3A_435, %select_n3A_428, %select_n3A_414 : vector<16xi1>, vector<16xi32>
          %select_n3A_439 = arith.select %le3A_435, %select_n3A_414, %select_n3A_428 : vector<16xi1>, vector<16xi32>
          %le3A_440 = arith.cmpf ole, %min3A_436, %max3A_432 : vector<16xf32>
          %min3A_441 = arith.minimumf %min3A_436, %max3A_432 : vector<16xf32>
          %max3A_442 = arith.maximumf %min3A_436, %max3A_432 : vector<16xf32>
          %select_n3A_443 = arith.select %le3A_440, %select_n3A_438, %select_n3A_434 : vector<16xi1>, vector<16xi32>
          %select_n3A_444 = arith.select %le3A_440, %select_n3A_434, %select_n3A_438 : vector<16xi1>, vector<16xi32>
          %sub3A = arith.subi %add3A_289, %select_n3A_403 : vector<16xi32>
          %sub3A_445 = arith.subf %min3A_421, %min3A_401 : vector<16xf32>
          %sub3A_446 = arith.subi %sub3A, %select_n3A_423 : vector<16xi32>
          %sub3A_447 = arith.subf %min3A_431, %min3A_421 : vector<16xf32>
          %sub3A_448 = arith.subi %sub3A_446, %select_n3A_433 : vector<16xi32>
          %sub3A_449 = arith.subf %min3A_441, %min3A_431 : vector<16xf32>
          %sub3A_450 = arith.subi %sub3A_448, %select_n3A_443 : vector<16xi32>
          %sub3A_451 = arith.subf %max3A_442, %min3A_441 : vector<16xf32>
          %sub3A_452 = arith.subi %sub3A_450, %select_n3A_444 : vector<16xi32>
          %sub3A_453 = arith.subf %max3A_437, %max3A_442 : vector<16xf32>
          %sub3A_454 = arith.subi %sub3A_452, %select_n3A_439 : vector<16xi32>
          %sub3A_455 = arith.subf %max3A_427, %max3A_437 : vector<16xf32>
          %sub3A_456 = arith.subi %sub3A_454, %select_n3A_429 : vector<16xi32>
          %sub3A_457 = arith.subf %max3A_407, %max3A_427 : vector<16xf32>
          %mul3A_458 = arith.constant 16 : i32
          %mul3A_459 = arith.muli %scan3A_297, %mul3A_458 : i32
          %slice3A = vector.extract_strided_slice %sub3A {offsets = [0], sizes = [1], strides = [1]} : vector<16xi32> to vector<1xi32>
          %squeeze3A = vector.extract %slice3A[0] : i32 from vector<1xi32>
          %broadcast_in_dim3A_460 = vector.broadcast %squeeze3A : i32 to vector<16xi32>
          %add3A_461 = arith.addi %broadcast_in_dim3A_460, %iota3A : vector<16xi32>
          %gather3A_462 = tpu.vector_load_idx %arg6[%add3A_461] : memref<32768xf32, #tpu.memory_space<vmem>>[vector<16xi32>], vector<16xf32>,
          %slice3A_463 = vector.extract_strided_slice %sub3A_446 {offsets = [0], sizes = [1], strides = [1]} : vector<16xi32> to vector<1xi32>
          %squeeze3A_464 = vector.extract %slice3A_463[0] : i32 from vector<1xi32>
          %broadcast_in_dim3A_465 = vector.broadcast %squeeze3A_464 : i32 to vector<16xi32>
          %add3A_466 = arith.addi %broadcast_in_dim3A_465, %iota3A : vector<16xi32>
          %gather3A_467 = tpu.vector_load_idx %arg6[%add3A_466] : memref<32768xf32, #tpu.memory_space<vmem>>[vector<16xi32>], vector<16xf32>,
          %slice3A_468 = vector.extract_strided_slice %sub3A_448 {offsets = [0], sizes = [1], strides = [1]} : vector<16xi32> to vector<1xi32>
          %squeeze3A_469 = vector.extract %slice3A_468[0] : i32 from vector<1xi32>
          %broadcast_in_dim3A_470 = vector.broadcast %squeeze3A_469 : i32 to vector<16xi32>
          %add3A_471 = arith.addi %broadcast_in_dim3A_470, %iota3A : vector<16xi32>
          %gather3A_472 = tpu.vector_load_idx %arg6[%add3A_471] : memref<32768xf32, #tpu.memory_space<vmem>>[vector<16xi32>], vector<16xf32>,
          %slice3A_473 = vector.extract_strided_slice %sub3A_450 {offsets = [0], sizes = [1], strides = [1]} : vector<16xi32> to vector<1xi32>
          %squeeze3A_474 = vector.extract %slice3A_473[0] : i32 from vector<1xi32>
          %broadcast_in_dim3A_475 = vector.broadcast %squeeze3A_474 : i32 to vector<16xi32>
          %add3A_476 = arith.addi %broadcast_in_dim3A_475, %iota3A : vector<16xi32>
          %gather3A_477 = tpu.vector_load_idx %arg6[%add3A_476] : memref<32768xf32, #tpu.memory_space<vmem>>[vector<16xi32>], vector<16xf32>,
          %slice3A_478 = vector.extract_strided_slice %sub3A_452 {offsets = [0], sizes = [1], strides = [1]} : vector<16xi32> to vector<1xi32>
          %squeeze3A_479 = vector.extract %slice3A_478[0] : i32 from vector<1xi32>
          %broadcast_in_dim3A_480 = vector.broadcast %squeeze3A_479 : i32 to vector<16xi32>
          %add3A_481 = arith.addi %broadcast_in_dim3A_480, %iota3A : vector<16xi32>
          %gather3A_482 = tpu.vector_load_idx %arg6[%add3A_481] : memref<32768xf32, #tpu.memory_space<vmem>>[vector<16xi32>], vector<16xf32>,
          %slice3A_483 = vector.extract_strided_slice %sub3A_454 {offsets = [0], sizes = [1], strides = [1]} : vector<16xi32> to vector<1xi32>
          %squeeze3A_484 = vector.extract %slice3A_483[0] : i32 from vector<1xi32>
          %broadcast_in_dim3A_485 = vector.broadcast %squeeze3A_484 : i32 to vector<16xi32>
          %add3A_486 = arith.addi %broadcast_in_dim3A_485, %iota3A : vector<16xi32>
          %gather3A_487 = tpu.vector_load_idx %arg6[%add3A_486] : memref<32768xf32, #tpu.memory_space<vmem>>[vector<16xi32>], vector<16xf32>,
          %slice3A_488 = vector.extract_strided_slice %sub3A_456 {offsets = [0], sizes = [1], strides = [1]} : vector<16xi32> to vector<1xi32>
          %squeeze3A_489 = vector.extract %slice3A_488[0] : i32 from vector<1xi32>
          %broadcast_in_dim3A_490 = vector.broadcast %squeeze3A_489 : i32 to vector<16xi32>
          %add3A_491 = arith.addi %broadcast_in_dim3A_490, %iota3A : vector<16xi32>
          %gather3A_492 = tpu.vector_load_idx %arg6[%add3A_491] : memref<32768xf32, #tpu.memory_space<vmem>>[vector<16xi32>], vector<16xf32>,
          %slice3A_493 = vector.extract_strided_slice %sub3A {offsets = [1], sizes = [1], strides = [1]} : vector<16xi32> to vector<1xi32>
          %squeeze3A_494 = vector.extract %slice3A_493[0] : i32 from vector<1xi32>
          %broadcast_in_dim3A_495 = vector.broadcast %squeeze3A_494 : i32 to vector<16xi32>
          %add3A_496 = arith.addi %broadcast_in_dim3A_495, %iota3A : vector<16xi32>
          %gather3A_497 = tpu.vector_load_idx %arg6[%add3A_496] : memref<32768xf32, #tpu.memory_space<vmem>>[vector<16xi32>], vector<16xf32>,
          %slice3A_498 = vector.extract_strided_slice %sub3A_446 {offsets = [1], sizes = [1], strides = [1]} : vector<16xi32> to vector<1xi32>
          %squeeze3A_499 = vector.extract %slice3A_498[0] : i32 from vector<1xi32>
          %broadcast_in_dim3A_500 = vector.broadcast %squeeze3A_499 : i32 to vector<16xi32>
          %add3A_501 = arith.addi %broadcast_in_dim3A_500, %iota3A : vector<16xi32>
          %gather3A_502 = tpu.vector_load_idx %arg6[%add3A_501] : memref<32768xf32, #tpu.memory_space<vmem>>[vector<16xi32>], vector<16xf32>,
          %slice3A_503 = vector.extract_strided_slice %sub3A_448 {offsets = [1], sizes = [1], strides = [1]} : vector<16xi32> to vector<1xi32>
          %squeeze3A_504 = vector.extract %slice3A_503[0] : i32 from vector<1xi32>
          %broadcast_in_dim3A_505 = vector.broadcast %squeeze3A_504 : i32 to vector<16xi32>
          %add3A_506 = arith.addi %broadcast_in_dim3A_505, %iota3A : vector<16xi32>
          %gather3A_507 = tpu.vector_load_idx %arg6[%add3A_506] : memref<32768xf32, #tpu.memory_space<vmem>>[vector<16xi32>], vector<16xf32>,
          %slice3A_508 = vector.extract_strided_slice %sub3A_450 {offsets = [1], sizes = [1], strides = [1]} : vector<16xi32> to vector<1xi32>
          %squeeze3A_509 = vector.extract %slice3A_508[0] : i32 from vector<1xi32>
          %broadcast_in_dim3A_510 = vector.broadcast %squeeze3A_509 : i32 to vector<16xi32>
          %add3A_511 = arith.addi %broadcast_in_dim3A_510, %iota3A : vector<16xi32>
          %gather3A_512 = tpu.vector_load_idx %arg6[%add3A_511] : memref<32768xf32, #tpu.memory_space<vmem>>[vector<16xi32>], vector<16xf32>,
          %slice3A_513 = vector.extract_strided_slice %sub3A_452 {offsets = [1], sizes = [1], strides = [1]} : vector<16xi32> to vector<1xi32>
          %squeeze3A_514 = vector.extract %slice3A_513[0] : i32 from vector<1xi32>
          %broadcast_in_dim3A_515 = vector.broadcast %squeeze3A_514 : i32 to vector<16xi32>
          %add3A_516 = arith.addi %broadcast_in_dim3A_515, %iota3A : vector<16xi32>
          %gather3A_517 = tpu.vector_load_idx %arg6[%add3A_516] : memref<32768xf32, #tpu.memory_space<vmem>>[vector<16xi32>], vector<16xf32>,
          %slice3A_518 = vector.extract_strided_slice %sub3A_454 {offsets = [1], sizes = [1], strides = [1]} : vector<16xi32> to vector<1xi32>
          %squeeze3A_519 = vector.extract %slice3A_518[0] : i32 from vector<1xi32>
          %broadcast_in_dim3A_520 = vector.broadcast %squeeze3A_519 : i32 to vector<16xi32>
          %add3A_521 = arith.addi %broadcast_in_dim3A_520, %iota3A : vector<16xi32>
          %gather3A_522 = tpu.vector_load_idx %arg6[%add3A_521] : memref<32768xf32, #tpu.memory_space<vmem>>[vector<16xi32>], vector<16xf32>,
          %slice3A_523 = vector.extract_strided_slice %sub3A_456 {offsets = [1], sizes = [1], strides = [1]} : vector<16xi32> to vector<1xi32>
          %squeeze3A_524 = vector.extract %slice3A_523[0] : i32 from vector<1xi32>
          %broadcast_in_dim3A_525 = vector.broadcast %squeeze3A_524 : i32 to vector<16xi32>
          %add3A_526 = arith.addi %broadcast_in_dim3A_525, %iota3A : vector<16xi32>
          %gather3A_527 = tpu.vector_load_idx %arg6[%add3A_526] : memref<32768xf32, #tpu.memory_space<vmem>>[vector<16xi32>], vector<16xf32>,
          %slice3A_528 = vector.extract_strided_slice %sub3A {offsets = [2], sizes = [1], strides = [1]} : vector<16xi32> to vector<1xi32>
          %squeeze3A_529 = vector.extract %slice3A_528[0] : i32 from vector<1xi32>
          %broadcast_in_dim3A_530 = vector.broadcast %squeeze3A_529 : i32 to vector<16xi32>
          %add3A_531 = arith.addi %broadcast_in_dim3A_530, %iota3A : vector<16xi32>
          %gather3A_532 = tpu.vector_load_idx %arg6[%add3A_531] : memref<32768xf32, #tpu.memory_space<vmem>>[vector<16xi32>], vector<16xf32>,
          %slice3A_533 = vector.extract_strided_slice %sub3A_446 {offsets = [2], sizes = [1], strides = [1]} : vector<16xi32> to vector<1xi32>
          %squeeze3A_534 = vector.extract %slice3A_533[0] : i32 from vector<1xi32>
          %broadcast_in_dim3A_535 = vector.broadcast %squeeze3A_534 : i32 to vector<16xi32>
          %add3A_536 = arith.addi %broadcast_in_dim3A_535, %iota3A : vector<16xi32>
          %gather3A_537 = tpu.vector_load_idx %arg6[%add3A_536] : memref<32768xf32, #tpu.memory_space<vmem>>[vector<16xi32>], vector<16xf32>,
          %slice3A_538 = vector.extract_strided_slice %sub3A_448 {offsets = [2], sizes = [1], strides = [1]} : vector<16xi32> to vector<1xi32>
          %squeeze3A_539 = vector.extract %slice3A_538[0] : i32 from vector<1xi32>
          %broadcast_in_dim3A_540 = vector.broadcast %squeeze3A_539 : i32 to vector<16xi32>
          %add3A_541 = arith.addi %broadcast_in_dim3A_540, %iota3A : vector<16xi32>
          %gather3A_542 = tpu.vector_load_idx %arg6[%add3A_541] : memref<32768xf32, #tpu.memory_space<vmem>>[vector<16xi32>], vector<16xf32>,
          %slice3A_543 = vector.extract_strided_slice %sub3A_450 {offsets = [2], sizes = [1], strides = [1]} : vector<16xi32> to vector<1xi32>
          %squeeze3A_544 = vector.extract %slice3A_543[0] : i32 from vector<1xi32>
          %broadcast_in_dim3A_545 = vector.broadcast %squeeze3A_544 : i32 to vector<16xi32>
          %add3A_546 = arith.addi %broadcast_in_dim3A_545, %iota3A : vector<16xi32>
          %gather3A_547 = tpu.vector_load_idx %arg6[%add3A_546] : memref<32768xf32, #tpu.memory_space<vmem>>[vector<16xi32>], vector<16xf32>,
          %slice3A_548 = vector.extract_strided_slice %sub3A_452 {offsets = [2], sizes = [1], strides = [1]} : vector<16xi32> to vector<1xi32>
          %squeeze3A_549 = vector.extract %slice3A_548[0] : i32 from vector<1xi32>
          %broadcast_in_dim3A_550 = vector.broadcast %squeeze3A_549 : i32 to vector<16xi32>
          %add3A_551 = arith.addi %broadcast_in_dim3A_550, %iota3A : vector<16xi32>
          %gather3A_552 = tpu.vector_load_idx %arg6[%add3A_551] : memref<32768xf32, #tpu.memory_space<vmem>>[vector<16xi32>], vector<16xf32>,
          %slice3A_553 = vector.extract_strided_slice %sub3A_454 {offsets = [2], sizes = [1], strides = [1]} : vector<16xi32> to vector<1xi32>
          %squeeze3A_554 = vector.extract %slice3A_553[0] : i32 from vector<1xi32>
          %broadcast_in_dim3A_555 = vector.broadcast %squeeze3A_554 : i32 to vector<16xi32>
          %add3A_556 = arith.addi %broadcast_in_dim3A_555, %iota3A : vector<16xi32>
          %gather3A_557 = tpu.vector_load_idx %arg6[%add3A_556] : memref<32768xf32, #tpu.memory_space<vmem>>[vector<16xi32>], vector<16xf32>,
          %slice3A_558 = vector.extract_strided_slice %sub3A_456 {offsets = [2], sizes = [1], strides = [1]} : vector<16xi32> to vector<1xi32>
          %squeeze3A_559 = vector.extract %slice3A_558[0] : i32 from vector<1xi32>
          %broadcast_in_dim3A_560 = vector.broadcast %squeeze3A_559 : i32 to vector<16xi32>
          %add3A_561 = arith.addi %broadcast_in_dim3A_560, %iota3A : vector<16xi32>
          %gather3A_562 = tpu.vector_load_idx %arg6[%add3A_561] : memref<32768xf32, #tpu.memory_space<vmem>>[vector<16xi32>], vector<16xf32>,
          %slice3A_563 = vector.extract_strided_slice %sub3A {offsets = [3], sizes = [1], strides = [1]} : vector<16xi32> to vector<1xi32>
          %squeeze3A_564 = vector.extract %slice3A_563[0] : i32 from vector<1xi32>
          %broadcast_in_dim3A_565 = vector.broadcast %squeeze3A_564 : i32 to vector<16xi32>
          %add3A_566 = arith.addi %broadcast_in_dim3A_565, %iota3A : vector<16xi32>
          %gather3A_567 = tpu.vector_load_idx %arg6[%add3A_566] : memref<32768xf32, #tpu.memory_space<vmem>>[vector<16xi32>], vector<16xf32>,
          %slice3A_568 = vector.extract_strided_slice %sub3A_446 {offsets = [3], sizes = [1], strides = [1]} : vector<16xi32> to vector<1xi32>
          %squeeze3A_569 = vector.extract %slice3A_568[0] : i32 from vector<1xi32>
          %broadcast_in_dim3A_570 = vector.broadcast %squeeze3A_569 : i32 to vector<16xi32>
          %add3A_571 = arith.addi %broadcast_in_dim3A_570, %iota3A : vector<16xi32>
          %gather3A_572 = tpu.vector_load_idx %arg6[%add3A_571] : memref<32768xf32, #tpu.memory_space<vmem>>[vector<16xi32>], vector<16xf32>,
          %slice3A_573 = vector.extract_strided_slice %sub3A_448 {offsets = [3], sizes = [1], strides = [1]} : vector<16xi32> to vector<1xi32>
          %squeeze3A_574 = vector.extract %slice3A_573[0] : i32 from vector<1xi32>
          %broadcast_in_dim3A_575 = vector.broadcast %squeeze3A_574 : i32 to vector<16xi32>
          %add3A_576 = arith.addi %broadcast_in_dim3A_575, %iota3A : vector<16xi32>
          %gather3A_577 = tpu.vector_load_idx %arg6[%add3A_576] : memref<32768xf32, #tpu.memory_space<vmem>>[vector<16xi32>], vector<16xf32>,
          %slice3A_578 = vector.extract_strided_slice %sub3A_450 {offsets = [3], sizes = [1], strides = [1]} : vector<16xi32> to vector<1xi32>
          %squeeze3A_579 = vector.extract %slice3A_578[0] : i32 from vector<1xi32>
          %broadcast_in_dim3A_580 = vector.broadcast %squeeze3A_579 : i32 to vector<16xi32>
          %add3A_581 = arith.addi %broadcast_in_dim3A_580, %iota3A : vector<16xi32>
          %gather3A_582 = tpu.vector_load_idx %arg6[%add3A_581] : memref<32768xf32, #tpu.memory_space<vmem>>[vector<16xi32>], vector<16xf32>,
          %slice3A_583 = vector.extract_strided_slice %sub3A_452 {offsets = [3], sizes = [1], strides = [1]} : vector<16xi32> to vector<1xi32>
          %squeeze3A_584 = vector.extract %slice3A_583[0] : i32 from vector<1xi32>
          %broadcast_in_dim3A_585 = vector.broadcast %squeeze3A_584 : i32 to vector<16xi32>
          %add3A_586 = arith.addi %broadcast_in_dim3A_585, %iota3A : vector<16xi32>
          %gather3A_587 = tpu.vector_load_idx %arg6[%add3A_586] : memref<32768xf32, #tpu.memory_space<vmem>>[vector<16xi32>], vector<16xf32>,
          %slice3A_588 = vector.extract_strided_slice %sub3A_454 {offsets = [3], sizes = [1], strides = [1]} : vector<16xi32> to vector<1xi32>
          %squeeze3A_589 = vector.extract %slice3A_588[0] : i32 from vector<1xi32>
          %broadcast_in_dim3A_590 = vector.broadcast %squeeze3A_589 : i32 to vector<16xi32>
          %add3A_591 = arith.addi %broadcast_in_dim3A_590, %iota3A : vector<16xi32>
          %gather3A_592 = tpu.vector_load_idx %arg6[%add3A_591] : memref<32768xf32, #tpu.memory_space<vmem>>[vector<16xi32>], vector<16xf32>,
          %slice3A_593 = vector.extract_strided_slice %sub3A_456 {offsets = [3], sizes = [1], strides = [1]} : vector<16xi32> to vector<1xi32>
          %squeeze3A_594 = vector.extract %slice3A_593[0] : i32 from vector<1xi32>
          %broadcast_in_dim3A_595 = vector.broadcast %squeeze3A_594 : i32 to vector<16xi32>
          %add3A_596 = arith.addi %broadcast_in_dim3A_595, %iota3A : vector<16xi32>
          %gather3A_597 = tpu.vector_load_idx %arg6[%add3A_596] : memref<32768xf32, #tpu.memory_space<vmem>>[vector<16xi32>], vector<16xf32>,
          %slice3A_598 = vector.extract_strided_slice %min3A_401 {offsets = [0], sizes = [1], strides = [1]} : vector<16xf32> to vector<1xf32>
          %squeeze3A_599 = vector.extract %slice3A_598[0] : f32 from vector<1xf32>
          %mul3A_600 = vector.broadcast %squeeze3A_599 : f32 to vector<16xf32>
          %mul3A_601 = arith.mulf %gather3A, %mul3A_600 : vector<16xf32>
          %slice3A_602 = vector.extract_strided_slice %sub3A_445 {offsets = [0], sizes = [1], strides = [1]} : vector<16xf32> to vector<1xf32>
          %squeeze3A_603 = vector.extract %slice3A_602[0] : f32 from vector<1xf32>
          %mul3A_604 = vector.broadcast %squeeze3A_603 : f32 to vector<16xf32>
          %mul3A_605 = arith.mulf %gather3A_462, %mul3A_604 : vector<16xf32>
          %slice3A_606 = vector.extract_strided_slice %sub3A_447 {offsets = [0], sizes = [1], strides = [1]} : vector<16xf32> to vector<1xf32>
          %squeeze3A_607 = vector.extract %slice3A_606[0] : f32 from vector<1xf32>
          %mul3A_608 = vector.broadcast %squeeze3A_607 : f32 to vector<16xf32>
          %mul3A_609 = arith.mulf %gather3A_467, %mul3A_608 : vector<16xf32>
          %slice3A_610 = vector.extract_strided_slice %sub3A_449 {offsets = [0], sizes = [1], strides = [1]} : vector<16xf32> to vector<1xf32>
          %squeeze3A_611 = vector.extract %slice3A_610[0] : f32 from vector<1xf32>
          %mul3A_612 = vector.broadcast %squeeze3A_611 : f32 to vector<16xf32>
          %mul3A_613 = arith.mulf %gather3A_472, %mul3A_612 : vector<16xf32>
          %slice3A_614 = vector.extract_strided_slice %sub3A_451 {offsets = [0], sizes = [1], strides = [1]} : vector<16xf32> to vector<1xf32>
          %squeeze3A_615 = vector.extract %slice3A_614[0] : f32 from vector<1xf32>
          %mul3A_616 = vector.broadcast %squeeze3A_615 : f32 to vector<16xf32>
          %mul3A_617 = arith.mulf %gather3A_477, %mul3A_616 : vector<16xf32>
          %slice3A_618 = vector.extract_strided_slice %sub3A_453 {offsets = [0], sizes = [1], strides = [1]} : vector<16xf32> to vector<1xf32>
          %squeeze3A_619 = vector.extract %slice3A_618[0] : f32 from vector<1xf32>
          %mul3A_620 = vector.broadcast %squeeze3A_619 : f32 to vector<16xf32>
          %mul3A_621 = arith.mulf %gather3A_482, %mul3A_620 : vector<16xf32>
          %slice3A_622 = vector.extract_strided_slice %sub3A_455 {offsets = [0], sizes = [1], strides = [1]} : vector<16xf32> to vector<1xf32>
          %squeeze3A_623 = vector.extract %slice3A_622[0] : f32 from vector<1xf32>
          %mul3A_624 = vector.broadcast %squeeze3A_623 : f32 to vector<16xf32>
          %mul3A_625 = arith.mulf %gather3A_487, %mul3A_624 : vector<16xf32>
          %slice3A_626 = vector.extract_strided_slice %sub3A_457 {offsets = [0], sizes = [1], strides = [1]} : vector<16xf32> to vector<1xf32>
          %squeeze3A_627 = vector.extract %slice3A_626[0] : f32 from vector<1xf32>
          %mul3A_628 = vector.broadcast %squeeze3A_627 : f32 to vector<16xf32>
          %mul3A_629 = arith.mulf %gather3A_492, %mul3A_628 : vector<16xf32>
          %add3A_630 = arith.addf %mul3A_601, %mul3A_605 : vector<16xf32>
          %add3A_631 = arith.addf %mul3A_609, %mul3A_613 : vector<16xf32>
          %add3A_632 = arith.addf %mul3A_617, %mul3A_621 : vector<16xf32>
          %add3A_633 = arith.addf %mul3A_625, %mul3A_629 : vector<16xf32>
          %add3A_634 = arith.addf %add3A_630, %add3A_631 : vector<16xf32>
          %add3A_635 = arith.addf %add3A_632, %add3A_633 : vector<16xf32>
          %add3A_636 = arith.addf %add3A_634, %add3A_635 : vector<16xf32>
          %add3A_637 = arith.constant 0 : i32
          %add3A_638 = arith.addi %mul3A_459, %add3A_637 : i32
          %mul3A_639 = arith.constant 16 : i32
          %mul3A_640 = arith.muli %scan3A_283, %mul3A_639 : i32
          %swap3A = arith.index_cast %select_n3A_254 : i32 to index
          %swap3A_641 = arith.index_cast %add3A_638 : i32 to index
          %swap3A_642 = arith.index_cast %mul3A_640 : i32 to index
          %swap3A_643 = tpu.vector_load %arg7[%swap3A, %swap3A_641, %swap3A_642] {strides = array<i32>} : memref<2x128x128xf32, #tpu.memory_space<vmem>>, vector<16xf32>,
          tpu.vector_store %arg7[%swap3A, %swap3A_641, %swap3A_642], %add3A_636 {strides = array<i32>} : memref<2x128x128xf32, #tpu.memory_space<vmem>>, vector<16xf32>,
          %slice3A_644 = vector.extract_strided_slice %min3A_401 {offsets = [1], sizes = [1], strides = [1]} : vector<16xf32> to vector<1xf32>
          %squeeze3A_645 = vector.extract %slice3A_644[0] : f32 from vector<1xf32>
          %mul3A_646 = vector.broadcast %squeeze3A_645 : f32 to vector<16xf32>
          %mul3A_647 = arith.mulf %gather3A, %mul3A_646 : vector<16xf32>
          %slice3A_648 = vector.extract_strided_slice %sub3A_445 {offsets = [1], sizes = [1], strides = [1]} : vector<16xf32> to vector<1xf32>
          %squeeze3A_649 = vector.extract %slice3A_648[0] : f32 from vector<1xf32>
          %mul3A_650 = vector.broadcast %squeeze3A_649 : f32 to vector<16xf32>
          %mul3A_651 = arith.mulf %gather3A_497, %mul3A_650 : vector<16xf32>
          %slice3A_652 = vector.extract_strided_slice %sub3A_447 {offsets = [1], sizes = [1], strides = [1]} : vector<16xf32> to vector<1xf32>
          %squeeze3A_653 = vector.extract %slice3A_652[0] : f32 from vector<1xf32>
          %mul3A_654 = vector.broadcast %squeeze3A_653 : f32 to vector<16xf32>
          %mul3A_655 = arith.mulf %gather3A_502, %mul3A_654 : vector<16xf32>
          %slice3A_656 = vector.extract_strided_slice %sub3A_449 {offsets = [1], sizes = [1], strides = [1]} : vector<16xf32> to vector<1xf32>
          %squeeze3A_657 = vector.extract %slice3A_656[0] : f32 from vector<1xf32>
          %mul3A_658 = vector.broadcast %squeeze3A_657 : f32 to vector<16xf32>
          %mul3A_659 = arith.mulf %gather3A_507, %mul3A_658 : vector<16xf32>
          %slice3A_660 = vector.extract_strided_slice %sub3A_451 {offsets = [1], sizes = [1], strides = [1]} : vector<16xf32> to vector<1xf32>
          %squeeze3A_661 = vector.extract %slice3A_660[0] : f32 from vector<1xf32>
          %mul3A_662 = vector.broadcast %squeeze3A_661 : f32 to vector<16xf32>
          %mul3A_663 = arith.mulf %gather3A_512, %mul3A_662 : vector<16xf32>
          %slice3A_664 = vector.extract_strided_slice %sub3A_453 {offsets = [1], sizes = [1], strides = [1]} : vector<16xf32> to vector<1xf32>
          %squeeze3A_665 = vector.extract %slice3A_664[0] : f32 from vector<1xf32>
          %mul3A_666 = vector.broadcast %squeeze3A_665 : f32 to vector<16xf32>
          %mul3A_667 = arith.mulf %gather3A_517, %mul3A_666 : vector<16xf32>
          %slice3A_668 = vector.extract_strided_slice %sub3A_455 {offsets = [1], sizes = [1], strides = [1]} : vector<16xf32> to vector<1xf32>
          %squeeze3A_669 = vector.extract %slice3A_668[0] : f32 from vector<1xf32>
          %mul3A_670 = vector.broadcast %squeeze3A_669 : f32 to vector<16xf32>
          %mul3A_671 = arith.mulf %gather3A_522, %mul3A_670 : vector<16xf32>
          %slice3A_672 = vector.extract_strided_slice %sub3A_457 {offsets = [1], sizes = [1], strides = [1]} : vector<16xf32> to vector<1xf32>
          %squeeze3A_673 = vector.extract %slice3A_672[0] : f32 from vector<1xf32>
          %mul3A_674 = vector.broadcast %squeeze3A_673 : f32 to vector<16xf32>
          %mul3A_675 = arith.mulf %gather3A_527, %mul3A_674 : vector<16xf32>
          %add3A_676 = arith.addf %mul3A_647, %mul3A_651 : vector<16xf32>
          %add3A_677 = arith.addf %mul3A_655, %mul3A_659 : vector<16xf32>
          %add3A_678 = arith.addf %mul3A_663, %mul3A_667 : vector<16xf32>
          %add3A_679 = arith.addf %mul3A_671, %mul3A_675 : vector<16xf32>
          %add3A_680 = arith.addf %add3A_676, %add3A_677 : vector<16xf32>
          %add3A_681 = arith.addf %add3A_678, %add3A_679 : vector<16xf32>
          %add3A_682 = arith.addf %add3A_680, %add3A_681 : vector<16xf32>
          %add3A_683 = arith.constant 1 : i32
          %add3A_684 = arith.addi %mul3A_459, %add3A_683 : i32
          %mul3A_685 = arith.constant 16 : i32
          %mul3A_686 = arith.muli %scan3A_283, %mul3A_685 : i32
          %swap3A_687 = arith.index_cast %select_n3A_254 : i32 to index
          %swap3A_688 = arith.index_cast %add3A_684 : i32 to index
          %swap3A_689 = arith.index_cast %mul3A_686 : i32 to index
          %swap3A_690 = tpu.vector_load %arg7[%swap3A_687, %swap3A_688, %swap3A_689] {strides = array<i32>} : memref<2x128x128xf32, #tpu.memory_space<vmem>>, vector<16xf32>,
          tpu.vector_store %arg7[%swap3A_687, %swap3A_688, %swap3A_689], %add3A_682 {strides = array<i32>} : memref<2x128x128xf32, #tpu.memory_space<vmem>>, vector<16xf32>,
          %slice3A_691 = vector.extract_strided_slice %min3A_401 {offsets = [2], sizes = [1], strides = [1]} : vector<16xf32> to vector<1xf32>
          %squeeze3A_692 = vector.extract %slice3A_691[0] : f32 from vector<1xf32>
          %mul3A_693 = vector.broadcast %squeeze3A_692 : f32 to vector<16xf32>
          %mul3A_694 = arith.mulf %gather3A, %mul3A_693 : vector<16xf32>
          %slice3A_695 = vector.extract_strided_slice %sub3A_445 {offsets = [2], sizes = [1], strides = [1]} : vector<16xf32> to vector<1xf32>
          %squeeze3A_696 = vector.extract %slice3A_695[0] : f32 from vector<1xf32>
          %mul3A_697 = vector.broadcast %squeeze3A_696 : f32 to vector<16xf32>
          %mul3A_698 = arith.mulf %gather3A_532, %mul3A_697 : vector<16xf32>
          %slice3A_699 = vector.extract_strided_slice %sub3A_447 {offsets = [2], sizes = [1], strides = [1]} : vector<16xf32> to vector<1xf32>
          %squeeze3A_700 = vector.extract %slice3A_699[0] : f32 from vector<1xf32>
          %mul3A_701 = vector.broadcast %squeeze3A_700 : f32 to vector<16xf32>
          %mul3A_702 = arith.mulf %gather3A_537, %mul3A_701 : vector<16xf32>
          %slice3A_703 = vector.extract_strided_slice %sub3A_449 {offsets = [2], sizes = [1], strides = [1]} : vector<16xf32> to vector<1xf32>
          %squeeze3A_704 = vector.extract %slice3A_703[0] : f32 from vector<1xf32>
          %mul3A_705 = vector.broadcast %squeeze3A_704 : f32 to vector<16xf32>
          %mul3A_706 = arith.mulf %gather3A_542, %mul3A_705 : vector<16xf32>
          %slice3A_707 = vector.extract_strided_slice %sub3A_451 {offsets = [2], sizes = [1], strides = [1]} : vector<16xf32> to vector<1xf32>
          %squeeze3A_708 = vector.extract %slice3A_707[0] : f32 from vector<1xf32>
          %mul3A_709 = vector.broadcast %squeeze3A_708 : f32 to vector<16xf32>
          %mul3A_710 = arith.mulf %gather3A_547, %mul3A_709 : vector<16xf32>
          %slice3A_711 = vector.extract_strided_slice %sub3A_453 {offsets = [2], sizes = [1], strides = [1]} : vector<16xf32> to vector<1xf32>
          %squeeze3A_712 = vector.extract %slice3A_711[0] : f32 from vector<1xf32>
          %mul3A_713 = vector.broadcast %squeeze3A_712 : f32 to vector<16xf32>
          %mul3A_714 = arith.mulf %gather3A_552, %mul3A_713 : vector<16xf32>
          %slice3A_715 = vector.extract_strided_slice %sub3A_455 {offsets = [2], sizes = [1], strides = [1]} : vector<16xf32> to vector<1xf32>
          %squeeze3A_716 = vector.extract %slice3A_715[0] : f32 from vector<1xf32>
          %mul3A_717 = vector.broadcast %squeeze3A_716 : f32 to vector<16xf32>
          %mul3A_718 = arith.mulf %gather3A_557, %mul3A_717 : vector<16xf32>
          %slice3A_719 = vector.extract_strided_slice %sub3A_457 {offsets = [2], sizes = [1], strides = [1]} : vector<16xf32> to vector<1xf32>
          %squeeze3A_720 = vector.extract %slice3A_719[0] : f32 from vector<1xf32>
          %mul3A_721 = vector.broadcast %squeeze3A_720 : f32 to vector<16xf32>
          %mul3A_722 = arith.mulf %gather3A_562, %mul3A_721 : vector<16xf32>
          %add3A_723 = arith.addf %mul3A_694, %mul3A_698 : vector<16xf32>
          %add3A_724 = arith.addf %mul3A_702, %mul3A_706 : vector<16xf32>
          %add3A_725 = arith.addf %mul3A_710, %mul3A_714 : vector<16xf32>
          %add3A_726 = arith.addf %mul3A_718, %mul3A_722 : vector<16xf32>
          %add3A_727 = arith.addf %add3A_723, %add3A_724 : vector<16xf32>
          %add3A_728 = arith.addf %add3A_725, %add3A_726 : vector<16xf32>
          %add3A_729 = arith.addf %add3A_727, %add3A_728 : vector<16xf32>
          %add3A_730 = arith.constant 2 : i32
          %add3A_731 = arith.addi %mul3A_459, %add3A_730 : i32
          %mul3A_732 = arith.constant 16 : i32
          %mul3A_733 = arith.muli %scan3A_283, %mul3A_732 : i32
          %swap3A_734 = arith.index_cast %select_n3A_254 : i32 to index
          %swap3A_735 = arith.index_cast %add3A_731 : i32 to index
          %swap3A_736 = arith.index_cast %mul3A_733 : i32 to index
          %swap3A_737 = tpu.vector_load %arg7[%swap3A_734, %swap3A_735, %swap3A_736] {strides = array<i32>} : memref<2x128x128xf32, #tpu.memory_space<vmem>>, vector<16xf32>,
          tpu.vector_store %arg7[%swap3A_734, %swap3A_735, %swap3A_736], %add3A_729 {strides = array<i32>} : memref<2x128x128xf32, #tpu.memory_space<vmem>>, vector<16xf32>,
          %slice3A_738 = vector.extract_strided_slice %min3A_401 {offsets = [3], sizes = [1], strides = [1]} : vector<16xf32> to vector<1xf32>
          %squeeze3A_739 = vector.extract %slice3A_738[0] : f32 from vector<1xf32>
          %mul3A_740 = vector.broadcast %squeeze3A_739 : f32 to vector<16xf32>
          %mul3A_741 = arith.mulf %gather3A, %mul3A_740 : vector<16xf32>
          %slice3A_742 = vector.extract_strided_slice %sub3A_445 {offsets = [3], sizes = [1], strides = [1]} : vector<16xf32> to vector<1xf32>
          %squeeze3A_743 = vector.extract %slice3A_742[0] : f32 from vector<1xf32>
          %mul3A_744 = vector.broadcast %squeeze3A_743 : f32 to vector<16xf32>
          %mul3A_745 = arith.mulf %gather3A_567, %mul3A_744 : vector<16xf32>
          %slice3A_746 = vector.extract_strided_slice %sub3A_447 {offsets = [3], sizes = [1], strides = [1]} : vector<16xf32> to vector<1xf32>
          %squeeze3A_747 = vector.extract %slice3A_746[0] : f32 from vector<1xf32>
          %mul3A_748 = vector.broadcast %squeeze3A_747 : f32 to vector<16xf32>
          %mul3A_749 = arith.mulf %gather3A_572, %mul3A_748 : vector<16xf32>
          %slice3A_750 = vector.extract_strided_slice %sub3A_449 {offsets = [3], sizes = [1], strides = [1]} : vector<16xf32> to vector<1xf32>
          %squeeze3A_751 = vector.extract %slice3A_750[0] : f32 from vector<1xf32>
          %mul3A_752 = vector.broadcast %squeeze3A_751 : f32 to vector<16xf32>
          %mul3A_753 = arith.mulf %gather3A_577, %mul3A_752 : vector<16xf32>
          %slice3A_754 = vector.extract_strided_slice %sub3A_451 {offsets = [3], sizes = [1], strides = [1]} : vector<16xf32> to vector<1xf32>
          %squeeze3A_755 = vector.extract %slice3A_754[0] : f32 from vector<1xf32>
          %mul3A_756 = vector.broadcast %squeeze3A_755 : f32 to vector<16xf32>
          %mul3A_757 = arith.mulf %gather3A_582, %mul3A_756 : vector<16xf32>
          %slice3A_758 = vector.extract_strided_slice %sub3A_453 {offsets = [3], sizes = [1], strides = [1]} : vector<16xf32> to vector<1xf32>
          %squeeze3A_759 = vector.extract %slice3A_758[0] : f32 from vector<1xf32>
          %mul3A_760 = vector.broadcast %squeeze3A_759 : f32 to vector<16xf32>
          %mul3A_761 = arith.mulf %gather3A_587, %mul3A_760 : vector<16xf32>
          %slice3A_762 = vector.extract_strided_slice %sub3A_455 {offsets = [3], sizes = [1], strides = [1]} : vector<16xf32> to vector<1xf32>
          %squeeze3A_763 = vector.extract %slice3A_762[0] : f32 from vector<1xf32>
          %mul3A_764 = vector.broadcast %squeeze3A_763 : f32 to vector<16xf32>
          %mul3A_765 = arith.mulf %gather3A_592, %mul3A_764 : vector<16xf32>
          %slice3A_766 = vector.extract_strided_slice %sub3A_457 {offsets = [3], sizes = [1], strides = [1]} : vector<16xf32> to vector<1xf32>
          %squeeze3A_767 = vector.extract %slice3A_766[0] : f32 from vector<1xf32>
          %mul3A_768 = vector.broadcast %squeeze3A_767 : f32 to vector<16xf32>
          %mul3A_769 = arith.mulf %gather3A_597, %mul3A_768 : vector<16xf32>
          %add3A_770 = arith.addf %mul3A_741, %mul3A_745 : vector<16xf32>
          %add3A_771 = arith.addf %mul3A_749, %mul3A_753 : vector<16xf32>
          %add3A_772 = arith.addf %mul3A_757, %mul3A_761 : vector<16xf32>
          %add3A_773 = arith.addf %mul3A_765, %mul3A_769 : vector<16xf32>
          %add3A_774 = arith.addf %add3A_770, %add3A_771 : vector<16xf32>
          %add3A_775 = arith.addf %add3A_772, %add3A_773 : vector<16xf32>
          %add3A_776 = arith.addf %add3A_774, %add3A_775 : vector<16xf32>
          %add3A_777 = arith.constant 3 : i32
          %add3A_778 = arith.addi %mul3A_459, %add3A_777 : i32
          %mul3A_779 = arith.constant 16 : i32
          %mul3A_780 = arith.muli %scan3A_283, %mul3A_779 : i32
          %swap3A_781 = arith.index_cast %select_n3A_254 : i32 to index
          %swap3A_782 = arith.index_cast %add3A_778 : i32 to index
          %swap3A_783 = arith.index_cast %mul3A_780 : i32 to index
          %swap3A_784 = tpu.vector_load %arg7[%swap3A_781, %swap3A_782, %swap3A_783] {strides = array<i32>} : memref<2x128x128xf32, #tpu.memory_space<vmem>>, vector<16xf32>,
          tpu.vector_store %arg7[%swap3A_781, %swap3A_782, %swap3A_783], %add3A_776 {strides = array<i32>} : memref<2x128x128xf32, #tpu.memory_space<vmem>>, vector<16xf32>,
          %slice3A_785 = vector.extract_strided_slice %sub3A {offsets = [4], sizes = [1], strides = [1]} : vector<16xi32> to vector<1xi32>
          %squeeze3A_786 = vector.extract %slice3A_785[0] : i32 from vector<1xi32>
          %broadcast_in_dim3A_787 = vector.broadcast %squeeze3A_786 : i32 to vector<16xi32>
          %add3A_788 = arith.addi %broadcast_in_dim3A_787, %iota3A : vector<16xi32>
          %gather3A_789 = tpu.vector_load_idx %arg6[%add3A_788] : memref<32768xf32, #tpu.memory_space<vmem>>[vector<16xi32>], vector<16xf32>,
          %slice3A_790 = vector.extract_strided_slice %sub3A_446 {offsets = [4], sizes = [1], strides = [1]} : vector<16xi32> to vector<1xi32>
          %squeeze3A_791 = vector.extract %slice3A_790[0] : i32 from vector<1xi32>
          %broadcast_in_dim3A_792 = vector.broadcast %squeeze3A_791 : i32 to vector<16xi32>
          %add3A_793 = arith.addi %broadcast_in_dim3A_792, %iota3A : vector<16xi32>
          %gather3A_794 = tpu.vector_load_idx %arg6[%add3A_793] : memref<32768xf32, #tpu.memory_space<vmem>>[vector<16xi32>], vector<16xf32>,
          %slice3A_795 = vector.extract_strided_slice %sub3A_448 {offsets = [4], sizes = [1], strides = [1]} : vector<16xi32> to vector<1xi32>
          %squeeze3A_796 = vector.extract %slice3A_795[0] : i32 from vector<1xi32>
          %broadcast_in_dim3A_797 = vector.broadcast %squeeze3A_796 : i32 to vector<16xi32>
          %add3A_798 = arith.addi %broadcast_in_dim3A_797, %iota3A : vector<16xi32>
          %gather3A_799 = tpu.vector_load_idx %arg6[%add3A_798] : memref<32768xf32, #tpu.memory_space<vmem>>[vector<16xi32>], vector<16xf32>,
          %slice3A_800 = vector.extract_strided_slice %sub3A_450 {offsets = [4], sizes = [1], strides = [1]} : vector<16xi32> to vector<1xi32>
          %squeeze3A_801 = vector.extract %slice3A_800[0] : i32 from vector<1xi32>
          %broadcast_in_dim3A_802 = vector.broadcast %squeeze3A_801 : i32 to vector<16xi32>
          %add3A_803 = arith.addi %broadcast_in_dim3A_802, %iota3A : vector<16xi32>
          %gather3A_804 = tpu.vector_load_idx %arg6[%add3A_803] : memref<32768xf32, #tpu.memory_space<vmem>>[vector<16xi32>], vector<16xf32>,
          %slice3A_805 = vector.extract_strided_slice %sub3A_452 {offsets = [4], sizes = [1], strides = [1]} : vector<16xi32> to vector<1xi32>
          %squeeze3A_806 = vector.extract %slice3A_805[0] : i32 from vector<1xi32>
          %broadcast_in_dim3A_807 = vector.broadcast %squeeze3A_806 : i32 to vector<16xi32>
          %add3A_808 = arith.addi %broadcast_in_dim3A_807, %iota3A : vector<16xi32>
          %gather3A_809 = tpu.vector_load_idx %arg6[%add3A_808] : memref<32768xf32, #tpu.memory_space<vmem>>[vector<16xi32>], vector<16xf32>,
          %slice3A_810 = vector.extract_strided_slice %sub3A_454 {offsets = [4], sizes = [1], strides = [1]} : vector<16xi32> to vector<1xi32>
          %squeeze3A_811 = vector.extract %slice3A_810[0] : i32 from vector<1xi32>
          %broadcast_in_dim3A_812 = vector.broadcast %squeeze3A_811 : i32 to vector<16xi32>
          %add3A_813 = arith.addi %broadcast_in_dim3A_812, %iota3A : vector<16xi32>
          %gather3A_814 = tpu.vector_load_idx %arg6[%add3A_813] : memref<32768xf32, #tpu.memory_space<vmem>>[vector<16xi32>], vector<16xf32>,
          %slice3A_815 = vector.extract_strided_slice %sub3A_456 {offsets = [4], sizes = [1], strides = [1]} : vector<16xi32> to vector<1xi32>
          %squeeze3A_816 = vector.extract %slice3A_815[0] : i32 from vector<1xi32>
          %broadcast_in_dim3A_817 = vector.broadcast %squeeze3A_816 : i32 to vector<16xi32>
          %add3A_818 = arith.addi %broadcast_in_dim3A_817, %iota3A : vector<16xi32>
          %gather3A_819 = tpu.vector_load_idx %arg6[%add3A_818] : memref<32768xf32, #tpu.memory_space<vmem>>[vector<16xi32>], vector<16xf32>,
          %slice3A_820 = vector.extract_strided_slice %sub3A {offsets = [5], sizes = [1], strides = [1]} : vector<16xi32> to vector<1xi32>
          %squeeze3A_821 = vector.extract %slice3A_820[0] : i32 from vector<1xi32>
          %broadcast_in_dim3A_822 = vector.broadcast %squeeze3A_821 : i32 to vector<16xi32>
          %add3A_823 = arith.addi %broadcast_in_dim3A_822, %iota3A : vector<16xi32>
          %gather3A_824 = tpu.vector_load_idx %arg6[%add3A_823] : memref<32768xf32, #tpu.memory_space<vmem>>[vector<16xi32>], vector<16xf32>,
          %slice3A_825 = vector.extract_strided_slice %sub3A_446 {offsets = [5], sizes = [1], strides = [1]} : vector<16xi32> to vector<1xi32>
          %squeeze3A_826 = vector.extract %slice3A_825[0] : i32 from vector<1xi32>
          %broadcast_in_dim3A_827 = vector.broadcast %squeeze3A_826 : i32 to vector<16xi32>
          %add3A_828 = arith.addi %broadcast_in_dim3A_827, %iota3A : vector<16xi32>
          %gather3A_829 = tpu.vector_load_idx %arg6[%add3A_828] : memref<32768xf32, #tpu.memory_space<vmem>>[vector<16xi32>], vector<16xf32>,
          %slice3A_830 = vector.extract_strided_slice %sub3A_448 {offsets = [5], sizes = [1], strides = [1]} : vector<16xi32> to vector<1xi32>
          %squeeze3A_831 = vector.extract %slice3A_830[0] : i32 from vector<1xi32>
          %broadcast_in_dim3A_832 = vector.broadcast %squeeze3A_831 : i32 to vector<16xi32>
          %add3A_833 = arith.addi %broadcast_in_dim3A_832, %iota3A : vector<16xi32>
          %gather3A_834 = tpu.vector_load_idx %arg6[%add3A_833] : memref<32768xf32, #tpu.memory_space<vmem>>[vector<16xi32>], vector<16xf32>,
          %slice3A_835 = vector.extract_strided_slice %sub3A_450 {offsets = [5], sizes = [1], strides = [1]} : vector<16xi32> to vector<1xi32>
          %squeeze3A_836 = vector.extract %slice3A_835[0] : i32 from vector<1xi32>
          %broadcast_in_dim3A_837 = vector.broadcast %squeeze3A_836 : i32 to vector<16xi32>
          %add3A_838 = arith.addi %broadcast_in_dim3A_837, %iota3A : vector<16xi32>
          %gather3A_839 = tpu.vector_load_idx %arg6[%add3A_838] : memref<32768xf32, #tpu.memory_space<vmem>>[vector<16xi32>], vector<16xf32>,
          %slice3A_840 = vector.extract_strided_slice %sub3A_452 {offsets = [5], sizes = [1], strides = [1]} : vector<16xi32> to vector<1xi32>
          %squeeze3A_841 = vector.extract %slice3A_840[0] : i32 from vector<1xi32>
          %broadcast_in_dim3A_842 = vector.broadcast %squeeze3A_841 : i32 to vector<16xi32>
          %add3A_843 = arith.addi %broadcast_in_dim3A_842, %iota3A : vector<16xi32>
          %gather3A_844 = tpu.vector_load_idx %arg6[%add3A_843] : memref<32768xf32, #tpu.memory_space<vmem>>[vector<16xi32>], vector<16xf32>,
          %slice3A_845 = vector.extract_strided_slice %sub3A_454 {offsets = [5], sizes = [1], strides = [1]} : vector<16xi32> to vector<1xi32>
          %squeeze3A_846 = vector.extract %slice3A_845[0] : i32 from vector<1xi32>
          %broadcast_in_dim3A_847 = vector.broadcast %squeeze3A_846 : i32 to vector<16xi32>
          %add3A_848 = arith.addi %broadcast_in_dim3A_847, %iota3A : vector<16xi32>
          %gather3A_849 = tpu.vector_load_idx %arg6[%add3A_848] : memref<32768xf32, #tpu.memory_space<vmem>>[vector<16xi32>], vector<16xf32>,
          %slice3A_850 = vector.extract_strided_slice %sub3A_456 {offsets = [5], sizes = [1], strides = [1]} : vector<16xi32> to vector<1xi32>
          %squeeze3A_851 = vector.extract %slice3A_850[0] : i32 from vector<1xi32>
          %broadcast_in_dim3A_852 = vector.broadcast %squeeze3A_851 : i32 to vector<16xi32>
          %add3A_853 = arith.addi %broadcast_in_dim3A_852, %iota3A : vector<16xi32>
          %gather3A_854 = tpu.vector_load_idx %arg6[%add3A_853] : memref<32768xf32, #tpu.memory_space<vmem>>[vector<16xi32>], vector<16xf32>,
          %slice3A_855 = vector.extract_strided_slice %sub3A {offsets = [6], sizes = [1], strides = [1]} : vector<16xi32> to vector<1xi32>
          %squeeze3A_856 = vector.extract %slice3A_855[0] : i32 from vector<1xi32>
          %broadcast_in_dim3A_857 = vector.broadcast %squeeze3A_856 : i32 to vector<16xi32>
          %add3A_858 = arith.addi %broadcast_in_dim3A_857, %iota3A : vector<16xi32>
          %gather3A_859 = tpu.vector_load_idx %arg6[%add3A_858] : memref<32768xf32, #tpu.memory_space<vmem>>[vector<16xi32>], vector<16xf32>,
          %slice3A_860 = vector.extract_strided_slice %sub3A_446 {offsets = [6], sizes = [1], strides = [1]} : vector<16xi32> to vector<1xi32>
          %squeeze3A_861 = vector.extract %slice3A_860[0] : i32 from vector<1xi32>
          %broadcast_in_dim3A_862 = vector.broadcast %squeeze3A_861 : i32 to vector<16xi32>
          %add3A_863 = arith.addi %broadcast_in_dim3A_862, %iota3A : vector<16xi32>
          %gather3A_864 = tpu.vector_load_idx %arg6[%add3A_863] : memref<32768xf32, #tpu.memory_space<vmem>>[vector<16xi32>], vector<16xf32>,
          %slice3A_865 = vector.extract_strided_slice %sub3A_448 {offsets = [6], sizes = [1], strides = [1]} : vector<16xi32> to vector<1xi32>
          %squeeze3A_866 = vector.extract %slice3A_865[0] : i32 from vector<1xi32>
          %broadcast_in_dim3A_867 = vector.broadcast %squeeze3A_866 : i32 to vector<16xi32>
          %add3A_868 = arith.addi %broadcast_in_dim3A_867, %iota3A : vector<16xi32>
          %gather3A_869 = tpu.vector_load_idx %arg6[%add3A_868] : memref<32768xf32, #tpu.memory_space<vmem>>[vector<16xi32>], vector<16xf32>,
          %slice3A_870 = vector.extract_strided_slice %sub3A_450 {offsets = [6], sizes = [1], strides = [1]} : vector<16xi32> to vector<1xi32>
          %squeeze3A_871 = vector.extract %slice3A_870[0] : i32 from vector<1xi32>
          %broadcast_in_dim3A_872 = vector.broadcast %squeeze3A_871 : i32 to vector<16xi32>
          %add3A_873 = arith.addi %broadcast_in_dim3A_872, %iota3A : vector<16xi32>
          %gather3A_874 = tpu.vector_load_idx %arg6[%add3A_873] : memref<32768xf32, #tpu.memory_space<vmem>>[vector<16xi32>], vector<16xf32>,
          %slice3A_875 = vector.extract_strided_slice %sub3A_452 {offsets = [6], sizes = [1], strides = [1]} : vector<16xi32> to vector<1xi32>
          %squeeze3A_876 = vector.extract %slice3A_875[0] : i32 from vector<1xi32>
          %broadcast_in_dim3A_877 = vector.broadcast %squeeze3A_876 : i32 to vector<16xi32>
          %add3A_878 = arith.addi %broadcast_in_dim3A_877, %iota3A : vector<16xi32>
          %gather3A_879 = tpu.vector_load_idx %arg6[%add3A_878] : memref<32768xf32, #tpu.memory_space<vmem>>[vector<16xi32>], vector<16xf32>,
          %slice3A_880 = vector.extract_strided_slice %sub3A_454 {offsets = [6], sizes = [1], strides = [1]} : vector<16xi32> to vector<1xi32>
          %squeeze3A_881 = vector.extract %slice3A_880[0] : i32 from vector<1xi32>
          %broadcast_in_dim3A_882 = vector.broadcast %squeeze3A_881 : i32 to vector<16xi32>
          %add3A_883 = arith.addi %broadcast_in_dim3A_882, %iota3A : vector<16xi32>
          %gather3A_884 = tpu.vector_load_idx %arg6[%add3A_883] : memref<32768xf32, #tpu.memory_space<vmem>>[vector<16xi32>], vector<16xf32>,
          %slice3A_885 = vector.extract_strided_slice %sub3A_456 {offsets = [6], sizes = [1], strides = [1]} : vector<16xi32> to vector<1xi32>
          %squeeze3A_886 = vector.extract %slice3A_885[0] : i32 from vector<1xi32>
          %broadcast_in_dim3A_887 = vector.broadcast %squeeze3A_886 : i32 to vector<16xi32>
          %add3A_888 = arith.addi %broadcast_in_dim3A_887, %iota3A : vector<16xi32>
          %gather3A_889 = tpu.vector_load_idx %arg6[%add3A_888] : memref<32768xf32, #tpu.memory_space<vmem>>[vector<16xi32>], vector<16xf32>,
          %slice3A_890 = vector.extract_strided_slice %sub3A {offsets = [7], sizes = [1], strides = [1]} : vector<16xi32> to vector<1xi32>
          %squeeze3A_891 = vector.extract %slice3A_890[0] : i32 from vector<1xi32>
          %broadcast_in_dim3A_892 = vector.broadcast %squeeze3A_891 : i32 to vector<16xi32>
          %add3A_893 = arith.addi %broadcast_in_dim3A_892, %iota3A : vector<16xi32>
          %gather3A_894 = tpu.vector_load_idx %arg6[%add3A_893] : memref<32768xf32, #tpu.memory_space<vmem>>[vector<16xi32>], vector<16xf32>,
          %slice3A_895 = vector.extract_strided_slice %sub3A_446 {offsets = [7], sizes = [1], strides = [1]} : vector<16xi32> to vector<1xi32>
          %squeeze3A_896 = vector.extract %slice3A_895[0] : i32 from vector<1xi32>
          %broadcast_in_dim3A_897 = vector.broadcast %squeeze3A_896 : i32 to vector<16xi32>
          %add3A_898 = arith.addi %broadcast_in_dim3A_897, %iota3A : vector<16xi32>
          %gather3A_899 = tpu.vector_load_idx %arg6[%add3A_898] : memref<32768xf32, #tpu.memory_space<vmem>>[vector<16xi32>], vector<16xf32>,
          %slice3A_900 = vector.extract_strided_slice %sub3A_448 {offsets = [7], sizes = [1], strides = [1]} : vector<16xi32> to vector<1xi32>
          %squeeze3A_901 = vector.extract %slice3A_900[0] : i32 from vector<1xi32>
          %broadcast_in_dim3A_902 = vector.broadcast %squeeze3A_901 : i32 to vector<16xi32>
          %add3A_903 = arith.addi %broadcast_in_dim3A_902, %iota3A : vector<16xi32>
          %gather3A_904 = tpu.vector_load_idx %arg6[%add3A_903] : memref<32768xf32, #tpu.memory_space<vmem>>[vector<16xi32>], vector<16xf32>,
          %slice3A_905 = vector.extract_strided_slice %sub3A_450 {offsets = [7], sizes = [1], strides = [1]} : vector<16xi32> to vector<1xi32>
          %squeeze3A_906 = vector.extract %slice3A_905[0] : i32 from vector<1xi32>
          %broadcast_in_dim3A_907 = vector.broadcast %squeeze3A_906 : i32 to vector<16xi32>
          %add3A_908 = arith.addi %broadcast_in_dim3A_907, %iota3A : vector<16xi32>
          %gather3A_909 = tpu.vector_load_idx %arg6[%add3A_908] : memref<32768xf32, #tpu.memory_space<vmem>>[vector<16xi32>], vector<16xf32>,
          %slice3A_910 = vector.extract_strided_slice %sub3A_452 {offsets = [7], sizes = [1], strides = [1]} : vector<16xi32> to vector<1xi32>
          %squeeze3A_911 = vector.extract %slice3A_910[0] : i32 from vector<1xi32>
          %broadcast_in_dim3A_912 = vector.broadcast %squeeze3A_911 : i32 to vector<16xi32>
          %add3A_913 = arith.addi %broadcast_in_dim3A_912, %iota3A : vector<16xi32>
          %gather3A_914 = tpu.vector_load_idx %arg6[%add3A_913] : memref<32768xf32, #tpu.memory_space<vmem>>[vector<16xi32>], vector<16xf32>,
          %slice3A_915 = vector.extract_strided_slice %sub3A_454 {offsets = [7], sizes = [1], strides = [1]} : vector<16xi32> to vector<1xi32>
          %squeeze3A_916 = vector.extract %slice3A_915[0] : i32 from vector<1xi32>
          %broadcast_in_dim3A_917 = vector.broadcast %squeeze3A_916 : i32 to vector<16xi32>
          %add3A_918 = arith.addi %broadcast_in_dim3A_917, %iota3A : vector<16xi32>
          %gather3A_919 = tpu.vector_load_idx %arg6[%add3A_918] : memref<32768xf32, #tpu.memory_space<vmem>>[vector<16xi32>], vector<16xf32>,
          %slice3A_920 = vector.extract_strided_slice %sub3A_456 {offsets = [7], sizes = [1], strides = [1]} : vector<16xi32> to vector<1xi32>
          %squeeze3A_921 = vector.extract %slice3A_920[0] : i32 from vector<1xi32>
          %broadcast_in_dim3A_922 = vector.broadcast %squeeze3A_921 : i32 to vector<16xi32>
          %add3A_923 = arith.addi %broadcast_in_dim3A_922, %iota3A : vector<16xi32>
          %gather3A_924 = tpu.vector_load_idx %arg6[%add3A_923] : memref<32768xf32, #tpu.memory_space<vmem>>[vector<16xi32>], vector<16xf32>,
          %slice3A_925 = vector.extract_strided_slice %min3A_401 {offsets = [4], sizes = [1], strides = [1]} : vector<16xf32> to vector<1xf32>
          %squeeze3A_926 = vector.extract %slice3A_925[0] : f32 from vector<1xf32>
          %mul3A_927 = vector.broadcast %squeeze3A_926 : f32 to vector<16xf32>
          %mul3A_928 = arith.mulf %gather3A, %mul3A_927 : vector<16xf32>
          %slice3A_929 = vector.extract_strided_slice %sub3A_445 {offsets = [4], sizes = [1], strides = [1]} : vector<16xf32> to vector<1xf32>
          %squeeze3A_930 = vector.extract %slice3A_929[0] : f32 from vector<1xf32>
          %mul3A_931 = vector.broadcast %squeeze3A_930 : f32 to vector<16xf32>
          %mul3A_932 = arith.mulf %gather3A_789, %mul3A_931 : vector<16xf32>
          %slice3A_933 = vector.extract_strided_slice %sub3A_447 {offsets = [4], sizes = [1], strides = [1]} : vector<16xf32> to vector<1xf32>
          %squeeze3A_934 = vector.extract %slice3A_933[0] : f32 from vector<1xf32>
          %mul3A_935 = vector.broadcast %squeeze3A_934 : f32 to vector<16xf32>
          %mul3A_936 = arith.mulf %gather3A_794, %mul3A_935 : vector<16xf32>
          %slice3A_937 = vector.extract_strided_slice %sub3A_449 {offsets = [4], sizes = [1], strides = [1]} : vector<16xf32> to vector<1xf32>
          %squeeze3A_938 = vector.extract %slice3A_937[0] : f32 from vector<1xf32>
          %mul3A_939 = vector.broadcast %squeeze3A_938 : f32 to vector<16xf32>
          %mul3A_940 = arith.mulf %gather3A_799, %mul3A_939 : vector<16xf32>
          %slice3A_941 = vector.extract_strided_slice %sub3A_451 {offsets = [4], sizes = [1], strides = [1]} : vector<16xf32> to vector<1xf32>
          %squeeze3A_942 = vector.extract %slice3A_941[0] : f32 from vector<1xf32>
          %mul3A_943 = vector.broadcast %squeeze3A_942 : f32 to vector<16xf32>
          %mul3A_944 = arith.mulf %gather3A_804, %mul3A_943 : vector<16xf32>
          %slice3A_945 = vector.extract_strided_slice %sub3A_453 {offsets = [4], sizes = [1], strides = [1]} : vector<16xf32> to vector<1xf32>
          %squeeze3A_946 = vector.extract %slice3A_945[0] : f32 from vector<1xf32>
          %mul3A_947 = vector.broadcast %squeeze3A_946 : f32 to vector<16xf32>
          %mul3A_948 = arith.mulf %gather3A_809, %mul3A_947 : vector<16xf32>
          %slice3A_949 = vector.extract_strided_slice %sub3A_455 {offsets = [4], sizes = [1], strides = [1]} : vector<16xf32> to vector<1xf32>
          %squeeze3A_950 = vector.extract %slice3A_949[0] : f32 from vector<1xf32>
          %mul3A_951 = vector.broadcast %squeeze3A_950 : f32 to vector<16xf32>
          %mul3A_952 = arith.mulf %gather3A_814, %mul3A_951 : vector<16xf32>
          %slice3A_953 = vector.extract_strided_slice %sub3A_457 {offsets = [4], sizes = [1], strides = [1]} : vector<16xf32> to vector<1xf32>
          %squeeze3A_954 = vector.extract %slice3A_953[0] : f32 from vector<1xf32>
          %mul3A_955 = vector.broadcast %squeeze3A_954 : f32 to vector<16xf32>
          %mul3A_956 = arith.mulf %gather3A_819, %mul3A_955 : vector<16xf32>
          %add3A_957 = arith.addf %mul3A_928, %mul3A_932 : vector<16xf32>
          %add3A_958 = arith.addf %mul3A_936, %mul3A_940 : vector<16xf32>
          %add3A_959 = arith.addf %mul3A_944, %mul3A_948 : vector<16xf32>
          %add3A_960 = arith.addf %mul3A_952, %mul3A_956 : vector<16xf32>
          %add3A_961 = arith.addf %add3A_957, %add3A_958 : vector<16xf32>
          %add3A_962 = arith.addf %add3A_959, %add3A_960 : vector<16xf32>
          %add3A_963 = arith.addf %add3A_961, %add3A_962 : vector<16xf32>
          %add3A_964 = arith.constant 4 : i32
          %add3A_965 = arith.addi %mul3A_459, %add3A_964 : i32
          %mul3A_966 = arith.constant 16 : i32
          %mul3A_967 = arith.muli %scan3A_283, %mul3A_966 : i32
          %swap3A_968 = arith.index_cast %select_n3A_254 : i32 to index
          %swap3A_969 = arith.index_cast %add3A_965 : i32 to index
          %swap3A_970 = arith.index_cast %mul3A_967 : i32 to index
          %swap3A_971 = tpu.vector_load %arg7[%swap3A_968, %swap3A_969, %swap3A_970] {strides = array<i32>} : memref<2x128x128xf32, #tpu.memory_space<vmem>>, vector<16xf32>,
          tpu.vector_store %arg7[%swap3A_968, %swap3A_969, %swap3A_970], %add3A_963 {strides = array<i32>} : memref<2x128x128xf32, #tpu.memory_space<vmem>>, vector<16xf32>,
          %slice3A_972 = vector.extract_strided_slice %min3A_401 {offsets = [5], sizes = [1], strides = [1]} : vector<16xf32> to vector<1xf32>
          %squeeze3A_973 = vector.extract %slice3A_972[0] : f32 from vector<1xf32>
          %mul3A_974 = vector.broadcast %squeeze3A_973 : f32 to vector<16xf32>
          %mul3A_975 = arith.mulf %gather3A, %mul3A_974 : vector<16xf32>
          %slice3A_976 = vector.extract_strided_slice %sub3A_445 {offsets = [5], sizes = [1], strides = [1]} : vector<16xf32> to vector<1xf32>
          %squeeze3A_977 = vector.extract %slice3A_976[0] : f32 from vector<1xf32>
          %mul3A_978 = vector.broadcast %squeeze3A_977 : f32 to vector<16xf32>
          %mul3A_979 = arith.mulf %gather3A_824, %mul3A_978 : vector<16xf32>
          %slice3A_980 = vector.extract_strided_slice %sub3A_447 {offsets = [5], sizes = [1], strides = [1]} : vector<16xf32> to vector<1xf32>
          %squeeze3A_981 = vector.extract %slice3A_980[0] : f32 from vector<1xf32>
          %mul3A_982 = vector.broadcast %squeeze3A_981 : f32 to vector<16xf32>
          %mul3A_983 = arith.mulf %gather3A_829, %mul3A_982 : vector<16xf32>
          %slice3A_984 = vector.extract_strided_slice %sub3A_449 {offsets = [5], sizes = [1], strides = [1]} : vector<16xf32> to vector<1xf32>
          %squeeze3A_985 = vector.extract %slice3A_984[0] : f32 from vector<1xf32>
          %mul3A_986 = vector.broadcast %squeeze3A_985 : f32 to vector<16xf32>
          %mul3A_987 = arith.mulf %gather3A_834, %mul3A_986 : vector<16xf32>
          %slice3A_988 = vector.extract_strided_slice %sub3A_451 {offsets = [5], sizes = [1], strides = [1]} : vector<16xf32> to vector<1xf32>
          %squeeze3A_989 = vector.extract %slice3A_988[0] : f32 from vector<1xf32>
          %mul3A_990 = vector.broadcast %squeeze3A_989 : f32 to vector<16xf32>
          %mul3A_991 = arith.mulf %gather3A_839, %mul3A_990 : vector<16xf32>
          %slice3A_992 = vector.extract_strided_slice %sub3A_453 {offsets = [5], sizes = [1], strides = [1]} : vector<16xf32> to vector<1xf32>
          %squeeze3A_993 = vector.extract %slice3A_992[0] : f32 from vector<1xf32>
          %mul3A_994 = vector.broadcast %squeeze3A_993 : f32 to vector<16xf32>
          %mul3A_995 = arith.mulf %gather3A_844, %mul3A_994 : vector<16xf32>
          %slice3A_996 = vector.extract_strided_slice %sub3A_455 {offsets = [5], sizes = [1], strides = [1]} : vector<16xf32> to vector<1xf32>
          %squeeze3A_997 = vector.extract %slice3A_996[0] : f32 from vector<1xf32>
          %mul3A_998 = vector.broadcast %squeeze3A_997 : f32 to vector<16xf32>
          %mul3A_999 = arith.mulf %gather3A_849, %mul3A_998 : vector<16xf32>
          %slice3A_1000 = vector.extract_strided_slice %sub3A_457 {offsets = [5], sizes = [1], strides = [1]} : vector<16xf32> to vector<1xf32>
          %squeeze3A_1001 = vector.extract %slice3A_1000[0] : f32 from vector<1xf32>
          %mul3A_1002 = vector.broadcast %squeeze3A_1001 : f32 to vector<16xf32>
          %mul3A_1003 = arith.mulf %gather3A_854, %mul3A_1002 : vector<16xf32>
          %add3A_1004 = arith.addf %mul3A_975, %mul3A_979 : vector<16xf32>
          %add3A_1005 = arith.addf %mul3A_983, %mul3A_987 : vector<16xf32>
          %add3A_1006 = arith.addf %mul3A_991, %mul3A_995 : vector<16xf32>
          %add3A_1007 = arith.addf %mul3A_999, %mul3A_1003 : vector<16xf32>
          %add3A_1008 = arith.addf %add3A_1004, %add3A_1005 : vector<16xf32>
          %add3A_1009 = arith.addf %add3A_1006, %add3A_1007 : vector<16xf32>
          %add3A_1010 = arith.addf %add3A_1008, %add3A_1009 : vector<16xf32>
          %add3A_1011 = arith.constant 5 : i32
          %add3A_1012 = arith.addi %mul3A_459, %add3A_1011 : i32
          %mul3A_1013 = arith.constant 16 : i32
          %mul3A_1014 = arith.muli %scan3A_283, %mul3A_1013 : i32
          %swap3A_1015 = arith.index_cast %select_n3A_254 : i32 to index
          %swap3A_1016 = arith.index_cast %add3A_1012 : i32 to index
          %swap3A_1017 = arith.index_cast %mul3A_1014 : i32 to index
          %swap3A_1018 = tpu.vector_load %arg7[%swap3A_1015, %swap3A_1016, %swap3A_1017] {strides = array<i32>} : memref<2x128x128xf32, #tpu.memory_space<vmem>>, vector<16xf32>,
          tpu.vector_store %arg7[%swap3A_1015, %swap3A_1016, %swap3A_1017], %add3A_1010 {strides = array<i32>} : memref<2x128x128xf32, #tpu.memory_space<vmem>>, vector<16xf32>,
          %slice3A_1019 = vector.extract_strided_slice %min3A_401 {offsets = [6], sizes = [1], strides = [1]} : vector<16xf32> to vector<1xf32>
          %squeeze3A_1020 = vector.extract %slice3A_1019[0] : f32 from vector<1xf32>
          %mul3A_1021 = vector.broadcast %squeeze3A_1020 : f32 to vector<16xf32>
          %mul3A_1022 = arith.mulf %gather3A, %mul3A_1021 : vector<16xf32>
          %slice3A_1023 = vector.extract_strided_slice %sub3A_445 {offsets = [6], sizes = [1], strides = [1]} : vector<16xf32> to vector<1xf32>
          %squeeze3A_1024 = vector.extract %slice3A_1023[0] : f32 from vector<1xf32>
          %mul3A_1025 = vector.broadcast %squeeze3A_1024 : f32 to vector<16xf32>
          %mul3A_1026 = arith.mulf %gather3A_859, %mul3A_1025 : vector<16xf32>
          %slice3A_1027 = vector.extract_strided_slice %sub3A_447 {offsets = [6], sizes = [1], strides = [1]} : vector<16xf32> to vector<1xf32>
          %squeeze3A_1028 = vector.extract %slice3A_1027[0] : f32 from vector<1xf32>
          %mul3A_1029 = vector.broadcast %squeeze3A_1028 : f32 to vector<16xf32>
          %mul3A_1030 = arith.mulf %gather3A_864, %mul3A_1029 : vector<16xf32>
          %slice3A_1031 = vector.extract_strided_slice %sub3A_449 {offsets = [6], sizes = [1], strides = [1]} : vector<16xf32> to vector<1xf32>
          %squeeze3A_1032 = vector.extract %slice3A_1031[0] : f32 from vector<1xf32>
          %mul3A_1033 = vector.broadcast %squeeze3A_1032 : f32 to vector<16xf32>
          %mul3A_1034 = arith.mulf %gather3A_869, %mul3A_1033 : vector<16xf32>
          %slice3A_1035 = vector.extract_strided_slice %sub3A_451 {offsets = [6], sizes = [1], strides = [1]} : vector<16xf32> to vector<1xf32>
          %squeeze3A_1036 = vector.extract %slice3A_1035[0] : f32 from vector<1xf32>
          %mul3A_1037 = vector.broadcast %squeeze3A_1036 : f32 to vector<16xf32>
          %mul3A_1038 = arith.mulf %gather3A_874, %mul3A_1037 : vector<16xf32>
          %slice3A_1039 = vector.extract_strided_slice %sub3A_453 {offsets = [6], sizes = [1], strides = [1]} : vector<16xf32> to vector<1xf32>
          %squeeze3A_1040 = vector.extract %slice3A_1039[0] : f32 from vector<1xf32>
          %mul3A_1041 = vector.broadcast %squeeze3A_1040 : f32 to vector<16xf32>
          %mul3A_1042 = arith.mulf %gather3A_879, %mul3A_1041 : vector<16xf32>
          %slice3A_1043 = vector.extract_strided_slice %sub3A_455 {offsets = [6], sizes = [1], strides = [1]} : vector<16xf32> to vector<1xf32>
          %squeeze3A_1044 = vector.extract %slice3A_1043[0] : f32 from vector<1xf32>
          %mul3A_1045 = vector.broadcast %squeeze3A_1044 : f32 to vector<16xf32>
          %mul3A_1046 = arith.mulf %gather3A_884, %mul3A_1045 : vector<16xf32>
          %slice3A_1047 = vector.extract_strided_slice %sub3A_457 {offsets = [6], sizes = [1], strides = [1]} : vector<16xf32> to vector<1xf32>
          %squeeze3A_1048 = vector.extract %slice3A_1047[0] : f32 from vector<1xf32>
          %mul3A_1049 = vector.broadcast %squeeze3A_1048 : f32 to vector<16xf32>
          %mul3A_1050 = arith.mulf %gather3A_889, %mul3A_1049 : vector<16xf32>
          %add3A_1051 = arith.addf %mul3A_1022, %mul3A_1026 : vector<16xf32>
          %add3A_1052 = arith.addf %mul3A_1030, %mul3A_1034 : vector<16xf32>
          %add3A_1053 = arith.addf %mul3A_1038, %mul3A_1042 : vector<16xf32>
          %add3A_1054 = arith.addf %mul3A_1046, %mul3A_1050 : vector<16xf32>
          %add3A_1055 = arith.addf %add3A_1051, %add3A_1052 : vector<16xf32>
          %add3A_1056 = arith.addf %add3A_1053, %add3A_1054 : vector<16xf32>
          %add3A_1057 = arith.addf %add3A_1055, %add3A_1056 : vector<16xf32>
          %add3A_1058 = arith.constant 6 : i32
          %add3A_1059 = arith.addi %mul3A_459, %add3A_1058 : i32
          %mul3A_1060 = arith.constant 16 : i32
          %mul3A_1061 = arith.muli %scan3A_283, %mul3A_1060 : i32
          %swap3A_1062 = arith.index_cast %select_n3A_254 : i32 to index
          %swap3A_1063 = arith.index_cast %add3A_1059 : i32 to index
          %swap3A_1064 = arith.index_cast %mul3A_1061 : i32 to index
          %swap3A_1065 = tpu.vector_load %arg7[%swap3A_1062, %swap3A_1063, %swap3A_1064] {strides = array<i32>} : memref<2x128x128xf32, #tpu.memory_space<vmem>>, vector<16xf32>,
          tpu.vector_store %arg7[%swap3A_1062, %swap3A_1063, %swap3A_1064], %add3A_1057 {strides = array<i32>} : memref<2x128x128xf32, #tpu.memory_space<vmem>>, vector<16xf32>,
          %slice3A_1066 = vector.extract_strided_slice %min3A_401 {offsets = [7], sizes = [1], strides = [1]} : vector<16xf32> to vector<1xf32>
          %squeeze3A_1067 = vector.extract %slice3A_1066[0] : f32 from vector<1xf32>
          %mul3A_1068 = vector.broadcast %squeeze3A_1067 : f32 to vector<16xf32>
          %mul3A_1069 = arith.mulf %gather3A, %mul3A_1068 : vector<16xf32>
          %slice3A_1070 = vector.extract_strided_slice %sub3A_445 {offsets = [7], sizes = [1], strides = [1]} : vector<16xf32> to vector<1xf32>
          %squeeze3A_1071 = vector.extract %slice3A_1070[0] : f32 from vector<1xf32>
          %mul3A_1072 = vector.broadcast %squeeze3A_1071 : f32 to vector<16xf32>
          %mul3A_1073 = arith.mulf %gather3A_894, %mul3A_1072 : vector<16xf32>
          %slice3A_1074 = vector.extract_strided_slice %sub3A_447 {offsets = [7], sizes = [1], strides = [1]} : vector<16xf32> to vector<1xf32>
          %squeeze3A_1075 = vector.extract %slice3A_1074[0] : f32 from vector<1xf32>
          %mul3A_1076 = vector.broadcast %squeeze3A_1075 : f32 to vector<16xf32>
          %mul3A_1077 = arith.mulf %gather3A_899, %mul3A_1076 : vector<16xf32>
          %slice3A_1078 = vector.extract_strided_slice %sub3A_449 {offsets = [7], sizes = [1], strides = [1]} : vector<16xf32> to vector<1xf32>
          %squeeze3A_1079 = vector.extract %slice3A_1078[0] : f32 from vector<1xf32>
          %mul3A_1080 = vector.broadcast %squeeze3A_1079 : f32 to vector<16xf32>
          %mul3A_1081 = arith.mulf %gather3A_904, %mul3A_1080 : vector<16xf32>
          %slice3A_1082 = vector.extract_strided_slice %sub3A_451 {offsets = [7], sizes = [1], strides = [1]} : vector<16xf32> to vector<1xf32>
          %squeeze3A_1083 = vector.extract %slice3A_1082[0] : f32 from vector<1xf32>
          %mul3A_1084 = vector.broadcast %squeeze3A_1083 : f32 to vector<16xf32>
          %mul3A_1085 = arith.mulf %gather3A_909, %mul3A_1084 : vector<16xf32>
          %slice3A_1086 = vector.extract_strided_slice %sub3A_453 {offsets = [7], sizes = [1], strides = [1]} : vector<16xf32> to vector<1xf32>
          %squeeze3A_1087 = vector.extract %slice3A_1086[0] : f32 from vector<1xf32>
          %mul3A_1088 = vector.broadcast %squeeze3A_1087 : f32 to vector<16xf32>
          %mul3A_1089 = arith.mulf %gather3A_914, %mul3A_1088 : vector<16xf32>
          %slice3A_1090 = vector.extract_strided_slice %sub3A_455 {offsets = [7], sizes = [1], strides = [1]} : vector<16xf32> to vector<1xf32>
          %squeeze3A_1091 = vector.extract %slice3A_1090[0] : f32 from vector<1xf32>
          %mul3A_1092 = vector.broadcast %squeeze3A_1091 : f32 to vector<16xf32>
          %mul3A_1093 = arith.mulf %gather3A_919, %mul3A_1092 : vector<16xf32>
          %slice3A_1094 = vector.extract_strided_slice %sub3A_457 {offsets = [7], sizes = [1], strides = [1]} : vector<16xf32> to vector<1xf32>
          %squeeze3A_1095 = vector.extract %slice3A_1094[0] : f32 from vector<1xf32>
          %mul3A_1096 = vector.broadcast %squeeze3A_1095 : f32 to vector<16xf32>
          %mul3A_1097 = arith.mulf %gather3A_924, %mul3A_1096 : vector<16xf32>
          %add3A_1098 = arith.addf %mul3A_1069, %mul3A_1073 : vector<16xf32>
          %add3A_1099 = arith.addf %mul3A_1077, %mul3A_1081 : vector<16xf32>
          %add3A_1100 = arith.addf %mul3A_1085, %mul3A_1089 : vector<16xf32>
          %add3A_1101 = arith.addf %mul3A_1093, %mul3A_1097 : vector<16xf32>
          %add3A_1102 = arith.addf %add3A_1098, %add3A_1099 : vector<16xf32>
          %add3A_1103 = arith.addf %add3A_1100, %add3A_1101 : vector<16xf32>
          %add3A_1104 = arith.addf %add3A_1102, %add3A_1103 : vector<16xf32>
          %add3A_1105 = arith.constant 7 : i32
          %add3A_1106 = arith.addi %mul3A_459, %add3A_1105 : i32
          %mul3A_1107 = arith.constant 16 : i32
          %mul3A_1108 = arith.muli %scan3A_283, %mul3A_1107 : i32
          %swap3A_1109 = arith.index_cast %select_n3A_254 : i32 to index
          %swap3A_1110 = arith.index_cast %add3A_1106 : i32 to index
          %swap3A_1111 = arith.index_cast %mul3A_1108 : i32 to index
          %swap3A_1112 = tpu.vector_load %arg7[%swap3A_1109, %swap3A_1110, %swap3A_1111] {strides = array<i32>} : memref<2x128x128xf32, #tpu.memory_space<vmem>>, vector<16xf32>,
          tpu.vector_store %arg7[%swap3A_1109, %swap3A_1110, %swap3A_1111], %add3A_1104 {strides = array<i32>} : memref<2x128x128xf32, #tpu.memory_space<vmem>>, vector<16xf32>,
          %slice3A_1113 = vector.extract_strided_slice %sub3A {offsets = [8], sizes = [1], strides = [1]} : vector<16xi32> to vector<1xi32>
          %squeeze3A_1114 = vector.extract %slice3A_1113[0] : i32 from vector<1xi32>
          %broadcast_in_dim3A_1115 = vector.broadcast %squeeze3A_1114 : i32 to vector<16xi32>
          %add3A_1116 = arith.addi %broadcast_in_dim3A_1115, %iota3A : vector<16xi32>
          %gather3A_1117 = tpu.vector_load_idx %arg6[%add3A_1116] : memref<32768xf32, #tpu.memory_space<vmem>>[vector<16xi32>], vector<16xf32>,
          %slice3A_1118 = vector.extract_strided_slice %sub3A_446 {offsets = [8], sizes = [1], strides = [1]} : vector<16xi32> to vector<1xi32>
          %squeeze3A_1119 = vector.extract %slice3A_1118[0] : i32 from vector<1xi32>
          %broadcast_in_dim3A_1120 = vector.broadcast %squeeze3A_1119 : i32 to vector<16xi32>
          %add3A_1121 = arith.addi %broadcast_in_dim3A_1120, %iota3A : vector<16xi32>
          %gather3A_1122 = tpu.vector_load_idx %arg6[%add3A_1121] : memref<32768xf32, #tpu.memory_space<vmem>>[vector<16xi32>], vector<16xf32>,
          %slice3A_1123 = vector.extract_strided_slice %sub3A_448 {offsets = [8], sizes = [1], strides = [1]} : vector<16xi32> to vector<1xi32>
          %squeeze3A_1124 = vector.extract %slice3A_1123[0] : i32 from vector<1xi32>
          %broadcast_in_dim3A_1125 = vector.broadcast %squeeze3A_1124 : i32 to vector<16xi32>
          %add3A_1126 = arith.addi %broadcast_in_dim3A_1125, %iota3A : vector<16xi32>
          %gather3A_1127 = tpu.vector_load_idx %arg6[%add3A_1126] : memref<32768xf32, #tpu.memory_space<vmem>>[vector<16xi32>], vector<16xf32>,
          %slice3A_1128 = vector.extract_strided_slice %sub3A_450 {offsets = [8], sizes = [1], strides = [1]} : vector<16xi32> to vector<1xi32>
          %squeeze3A_1129 = vector.extract %slice3A_1128[0] : i32 from vector<1xi32>
          %broadcast_in_dim3A_1130 = vector.broadcast %squeeze3A_1129 : i32 to vector<16xi32>
          %add3A_1131 = arith.addi %broadcast_in_dim3A_1130, %iota3A : vector<16xi32>
          %gather3A_1132 = tpu.vector_load_idx %arg6[%add3A_1131] : memref<32768xf32, #tpu.memory_space<vmem>>[vector<16xi32>], vector<16xf32>,
          %slice3A_1133 = vector.extract_strided_slice %sub3A_452 {offsets = [8], sizes = [1], strides = [1]} : vector<16xi32> to vector<1xi32>
          %squeeze3A_1134 = vector.extract %slice3A_1133[0] : i32 from vector<1xi32>
          %broadcast_in_dim3A_1135 = vector.broadcast %squeeze3A_1134 : i32 to vector<16xi32>
          %add3A_1136 = arith.addi %broadcast_in_dim3A_1135, %iota3A : vector<16xi32>
          %gather3A_1137 = tpu.vector_load_idx %arg6[%add3A_1136] : memref<32768xf32, #tpu.memory_space<vmem>>[vector<16xi32>], vector<16xf32>,
          %slice3A_1138 = vector.extract_strided_slice %sub3A_454 {offsets = [8], sizes = [1], strides = [1]} : vector<16xi32> to vector<1xi32>
          %squeeze3A_1139 = vector.extract %slice3A_1138[0] : i32 from vector<1xi32>
          %broadcast_in_dim3A_1140 = vector.broadcast %squeeze3A_1139 : i32 to vector<16xi32>
          %add3A_1141 = arith.addi %broadcast_in_dim3A_1140, %iota3A : vector<16xi32>
          %gather3A_1142 = tpu.vector_load_idx %arg6[%add3A_1141] : memref<32768xf32, #tpu.memory_space<vmem>>[vector<16xi32>], vector<16xf32>,
          %slice3A_1143 = vector.extract_strided_slice %sub3A_456 {offsets = [8], sizes = [1], strides = [1]} : vector<16xi32> to vector<1xi32>
          %squeeze3A_1144 = vector.extract %slice3A_1143[0] : i32 from vector<1xi32>
          %broadcast_in_dim3A_1145 = vector.broadcast %squeeze3A_1144 : i32 to vector<16xi32>
          %add3A_1146 = arith.addi %broadcast_in_dim3A_1145, %iota3A : vector<16xi32>
          %gather3A_1147 = tpu.vector_load_idx %arg6[%add3A_1146] : memref<32768xf32, #tpu.memory_space<vmem>>[vector<16xi32>], vector<16xf32>,
          %slice3A_1148 = vector.extract_strided_slice %sub3A {offsets = [9], sizes = [1], strides = [1]} : vector<16xi32> to vector<1xi32>
          %squeeze3A_1149 = vector.extract %slice3A_1148[0] : i32 from vector<1xi32>
          %broadcast_in_dim3A_1150 = vector.broadcast %squeeze3A_1149 : i32 to vector<16xi32>
          %add3A_1151 = arith.addi %broadcast_in_dim3A_1150, %iota3A : vector<16xi32>
          %gather3A_1152 = tpu.vector_load_idx %arg6[%add3A_1151] : memref<32768xf32, #tpu.memory_space<vmem>>[vector<16xi32>], vector<16xf32>,
          %slice3A_1153 = vector.extract_strided_slice %sub3A_446 {offsets = [9], sizes = [1], strides = [1]} : vector<16xi32> to vector<1xi32>
          %squeeze3A_1154 = vector.extract %slice3A_1153[0] : i32 from vector<1xi32>
          %broadcast_in_dim3A_1155 = vector.broadcast %squeeze3A_1154 : i32 to vector<16xi32>
          %add3A_1156 = arith.addi %broadcast_in_dim3A_1155, %iota3A : vector<16xi32>
          %gather3A_1157 = tpu.vector_load_idx %arg6[%add3A_1156] : memref<32768xf32, #tpu.memory_space<vmem>>[vector<16xi32>], vector<16xf32>,
          %slice3A_1158 = vector.extract_strided_slice %sub3A_448 {offsets = [9], sizes = [1], strides = [1]} : vector<16xi32> to vector<1xi32>
          %squeeze3A_1159 = vector.extract %slice3A_1158[0] : i32 from vector<1xi32>
          %broadcast_in_dim3A_1160 = vector.broadcast %squeeze3A_1159 : i32 to vector<16xi32>
          %add3A_1161 = arith.addi %broadcast_in_dim3A_1160, %iota3A : vector<16xi32>
          %gather3A_1162 = tpu.vector_load_idx %arg6[%add3A_1161] : memref<32768xf32, #tpu.memory_space<vmem>>[vector<16xi32>], vector<16xf32>,
          %slice3A_1163 = vector.extract_strided_slice %sub3A_450 {offsets = [9], sizes = [1], strides = [1]} : vector<16xi32> to vector<1xi32>
          %squeeze3A_1164 = vector.extract %slice3A_1163[0] : i32 from vector<1xi32>
          %broadcast_in_dim3A_1165 = vector.broadcast %squeeze3A_1164 : i32 to vector<16xi32>
          %add3A_1166 = arith.addi %broadcast_in_dim3A_1165, %iota3A : vector<16xi32>
          %gather3A_1167 = tpu.vector_load_idx %arg6[%add3A_1166] : memref<32768xf32, #tpu.memory_space<vmem>>[vector<16xi32>], vector<16xf32>,
          %slice3A_1168 = vector.extract_strided_slice %sub3A_452 {offsets = [9], sizes = [1], strides = [1]} : vector<16xi32> to vector<1xi32>
          %squeeze3A_1169 = vector.extract %slice3A_1168[0] : i32 from vector<1xi32>
          %broadcast_in_dim3A_1170 = vector.broadcast %squeeze3A_1169 : i32 to vector<16xi32>
          %add3A_1171 = arith.addi %broadcast_in_dim3A_1170, %iota3A : vector<16xi32>
          %gather3A_1172 = tpu.vector_load_idx %arg6[%add3A_1171] : memref<32768xf32, #tpu.memory_space<vmem>>[vector<16xi32>], vector<16xf32>,
          %slice3A_1173 = vector.extract_strided_slice %sub3A_454 {offsets = [9], sizes = [1], strides = [1]} : vector<16xi32> to vector<1xi32>
          %squeeze3A_1174 = vector.extract %slice3A_1173[0] : i32 from vector<1xi32>
          %broadcast_in_dim3A_1175 = vector.broadcast %squeeze3A_1174 : i32 to vector<16xi32>
          %add3A_1176 = arith.addi %broadcast_in_dim3A_1175, %iota3A : vector<16xi32>
          %gather3A_1177 = tpu.vector_load_idx %arg6[%add3A_1176] : memref<32768xf32, #tpu.memory_space<vmem>>[vector<16xi32>], vector<16xf32>,
          %slice3A_1178 = vector.extract_strided_slice %sub3A_456 {offsets = [9], sizes = [1], strides = [1]} : vector<16xi32> to vector<1xi32>
          %squeeze3A_1179 = vector.extract %slice3A_1178[0] : i32 from vector<1xi32>
          %broadcast_in_dim3A_1180 = vector.broadcast %squeeze3A_1179 : i32 to vector<16xi32>
          %add3A_1181 = arith.addi %broadcast_in_dim3A_1180, %iota3A : vector<16xi32>
          %gather3A_1182 = tpu.vector_load_idx %arg6[%add3A_1181] : memref<32768xf32, #tpu.memory_space<vmem>>[vector<16xi32>], vector<16xf32>,
          %slice3A_1183 = vector.extract_strided_slice %sub3A {offsets = [10], sizes = [1], strides = [1]} : vector<16xi32> to vector<1xi32>
          %squeeze3A_1184 = vector.extract %slice3A_1183[0] : i32 from vector<1xi32>
          %broadcast_in_dim3A_1185 = vector.broadcast %squeeze3A_1184 : i32 to vector<16xi32>
          %add3A_1186 = arith.addi %broadcast_in_dim3A_1185, %iota3A : vector<16xi32>
          %gather3A_1187 = tpu.vector_load_idx %arg6[%add3A_1186] : memref<32768xf32, #tpu.memory_space<vmem>>[vector<16xi32>], vector<16xf32>,
          %slice3A_1188 = vector.extract_strided_slice %sub3A_446 {offsets = [10], sizes = [1], strides = [1]} : vector<16xi32> to vector<1xi32>
          %squeeze3A_1189 = vector.extract %slice3A_1188[0] : i32 from vector<1xi32>
          %broadcast_in_dim3A_1190 = vector.broadcast %squeeze3A_1189 : i32 to vector<16xi32>
          %add3A_1191 = arith.addi %broadcast_in_dim3A_1190, %iota3A : vector<16xi32>
          %gather3A_1192 = tpu.vector_load_idx %arg6[%add3A_1191] : memref<32768xf32, #tpu.memory_space<vmem>>[vector<16xi32>], vector<16xf32>,
          %slice3A_1193 = vector.extract_strided_slice %sub3A_448 {offsets = [10], sizes = [1], strides = [1]} : vector<16xi32> to vector<1xi32>
          %squeeze3A_1194 = vector.extract %slice3A_1193[0] : i32 from vector<1xi32>
          %broadcast_in_dim3A_1195 = vector.broadcast %squeeze3A_1194 : i32 to vector<16xi32>
          %add3A_1196 = arith.addi %broadcast_in_dim3A_1195, %iota3A : vector<16xi32>
          %gather3A_1197 = tpu.vector_load_idx %arg6[%add3A_1196] : memref<32768xf32, #tpu.memory_space<vmem>>[vector<16xi32>], vector<16xf32>,
          %slice3A_1198 = vector.extract_strided_slice %sub3A_450 {offsets = [10], sizes = [1], strides = [1]} : vector<16xi32> to vector<1xi32>
          %squeeze3A_1199 = vector.extract %slice3A_1198[0] : i32 from vector<1xi32>
          %broadcast_in_dim3A_1200 = vector.broadcast %squeeze3A_1199 : i32 to vector<16xi32>
          %add3A_1201 = arith.addi %broadcast_in_dim3A_1200, %iota3A : vector<16xi32>
          %gather3A_1202 = tpu.vector_load_idx %arg6[%add3A_1201] : memref<32768xf32, #tpu.memory_space<vmem>>[vector<16xi32>], vector<16xf32>,
          %slice3A_1203 = vector.extract_strided_slice %sub3A_452 {offsets = [10], sizes = [1], strides = [1]} : vector<16xi32> to vector<1xi32>
          %squeeze3A_1204 = vector.extract %slice3A_1203[0] : i32 from vector<1xi32>
          %broadcast_in_dim3A_1205 = vector.broadcast %squeeze3A_1204 : i32 to vector<16xi32>
          %add3A_1206 = arith.addi %broadcast_in_dim3A_1205, %iota3A : vector<16xi32>
          %gather3A_1207 = tpu.vector_load_idx %arg6[%add3A_1206] : memref<32768xf32, #tpu.memory_space<vmem>>[vector<16xi32>], vector<16xf32>,
          %slice3A_1208 = vector.extract_strided_slice %sub3A_454 {offsets = [10], sizes = [1], strides = [1]} : vector<16xi32> to vector<1xi32>
          %squeeze3A_1209 = vector.extract %slice3A_1208[0] : i32 from vector<1xi32>
          %broadcast_in_dim3A_1210 = vector.broadcast %squeeze3A_1209 : i32 to vector<16xi32>
          %add3A_1211 = arith.addi %broadcast_in_dim3A_1210, %iota3A : vector<16xi32>
          %gather3A_1212 = tpu.vector_load_idx %arg6[%add3A_1211] : memref<32768xf32, #tpu.memory_space<vmem>>[vector<16xi32>], vector<16xf32>,
          %slice3A_1213 = vector.extract_strided_slice %sub3A_456 {offsets = [10], sizes = [1], strides = [1]} : vector<16xi32> to vector<1xi32>
          %squeeze3A_1214 = vector.extract %slice3A_1213[0] : i32 from vector<1xi32>
          %broadcast_in_dim3A_1215 = vector.broadcast %squeeze3A_1214 : i32 to vector<16xi32>
          %add3A_1216 = arith.addi %broadcast_in_dim3A_1215, %iota3A : vector<16xi32>
          %gather3A_1217 = tpu.vector_load_idx %arg6[%add3A_1216] : memref<32768xf32, #tpu.memory_space<vmem>>[vector<16xi32>], vector<16xf32>,
          %slice3A_1218 = vector.extract_strided_slice %sub3A {offsets = [11], sizes = [1], strides = [1]} : vector<16xi32> to vector<1xi32>
          %squeeze3A_1219 = vector.extract %slice3A_1218[0] : i32 from vector<1xi32>
          %broadcast_in_dim3A_1220 = vector.broadcast %squeeze3A_1219 : i32 to vector<16xi32>
          %add3A_1221 = arith.addi %broadcast_in_dim3A_1220, %iota3A : vector<16xi32>
          %gather3A_1222 = tpu.vector_load_idx %arg6[%add3A_1221] : memref<32768xf32, #tpu.memory_space<vmem>>[vector<16xi32>], vector<16xf32>,
          %slice3A_1223 = vector.extract_strided_slice %sub3A_446 {offsets = [11], sizes = [1], strides = [1]} : vector<16xi32> to vector<1xi32>
          %squeeze3A_1224 = vector.extract %slice3A_1223[0] : i32 from vector<1xi32>
          %broadcast_in_dim3A_1225 = vector.broadcast %squeeze3A_1224 : i32 to vector<16xi32>
          %add3A_1226 = arith.addi %broadcast_in_dim3A_1225, %iota3A : vector<16xi32>
          %gather3A_1227 = tpu.vector_load_idx %arg6[%add3A_1226] : memref<32768xf32, #tpu.memory_space<vmem>>[vector<16xi32>], vector<16xf32>,
          %slice3A_1228 = vector.extract_strided_slice %sub3A_448 {offsets = [11], sizes = [1], strides = [1]} : vector<16xi32> to vector<1xi32>
          %squeeze3A_1229 = vector.extract %slice3A_1228[0] : i32 from vector<1xi32>
          %broadcast_in_dim3A_1230 = vector.broadcast %squeeze3A_1229 : i32 to vector<16xi32>
          %add3A_1231 = arith.addi %broadcast_in_dim3A_1230, %iota3A : vector<16xi32>
          %gather3A_1232 = tpu.vector_load_idx %arg6[%add3A_1231] : memref<32768xf32, #tpu.memory_space<vmem>>[vector<16xi32>], vector<16xf32>,
          %slice3A_1233 = vector.extract_strided_slice %sub3A_450 {offsets = [11], sizes = [1], strides = [1]} : vector<16xi32> to vector<1xi32>
          %squeeze3A_1234 = vector.extract %slice3A_1233[0] : i32 from vector<1xi32>
          %broadcast_in_dim3A_1235 = vector.broadcast %squeeze3A_1234 : i32 to vector<16xi32>
          %add3A_1236 = arith.addi %broadcast_in_dim3A_1235, %iota3A : vector<16xi32>
          %gather3A_1237 = tpu.vector_load_idx %arg6[%add3A_1236] : memref<32768xf32, #tpu.memory_space<vmem>>[vector<16xi32>], vector<16xf32>,
          %slice3A_1238 = vector.extract_strided_slice %sub3A_452 {offsets = [11], sizes = [1], strides = [1]} : vector<16xi32> to vector<1xi32>
          %squeeze3A_1239 = vector.extract %slice3A_1238[0] : i32 from vector<1xi32>
          %broadcast_in_dim3A_1240 = vector.broadcast %squeeze3A_1239 : i32 to vector<16xi32>
          %add3A_1241 = arith.addi %broadcast_in_dim3A_1240, %iota3A : vector<16xi32>
          %gather3A_1242 = tpu.vector_load_idx %arg6[%add3A_1241] : memref<32768xf32, #tpu.memory_space<vmem>>[vector<16xi32>], vector<16xf32>,
          %slice3A_1243 = vector.extract_strided_slice %sub3A_454 {offsets = [11], sizes = [1], strides = [1]} : vector<16xi32> to vector<1xi32>
          %squeeze3A_1244 = vector.extract %slice3A_1243[0] : i32 from vector<1xi32>
          %broadcast_in_dim3A_1245 = vector.broadcast %squeeze3A_1244 : i32 to vector<16xi32>
          %add3A_1246 = arith.addi %broadcast_in_dim3A_1245, %iota3A : vector<16xi32>
          %gather3A_1247 = tpu.vector_load_idx %arg6[%add3A_1246] : memref<32768xf32, #tpu.memory_space<vmem>>[vector<16xi32>], vector<16xf32>,
          %slice3A_1248 = vector.extract_strided_slice %sub3A_456 {offsets = [11], sizes = [1], strides = [1]} : vector<16xi32> to vector<1xi32>
          %squeeze3A_1249 = vector.extract %slice3A_1248[0] : i32 from vector<1xi32>
          %broadcast_in_dim3A_1250 = vector.broadcast %squeeze3A_1249 : i32 to vector<16xi32>
          %add3A_1251 = arith.addi %broadcast_in_dim3A_1250, %iota3A : vector<16xi32>
          %gather3A_1252 = tpu.vector_load_idx %arg6[%add3A_1251] : memref<32768xf32, #tpu.memory_space<vmem>>[vector<16xi32>], vector<16xf32>,
          %slice3A_1253 = vector.extract_strided_slice %min3A_401 {offsets = [8], sizes = [1], strides = [1]} : vector<16xf32> to vector<1xf32>
          %squeeze3A_1254 = vector.extract %slice3A_1253[0] : f32 from vector<1xf32>
          %mul3A_1255 = vector.broadcast %squeeze3A_1254 : f32 to vector<16xf32>
          %mul3A_1256 = arith.mulf %gather3A, %mul3A_1255 : vector<16xf32>
          %slice3A_1257 = vector.extract_strided_slice %sub3A_445 {offsets = [8], sizes = [1], strides = [1]} : vector<16xf32> to vector<1xf32>
          %squeeze3A_1258 = vector.extract %slice3A_1257[0] : f32 from vector<1xf32>
          %mul3A_1259 = vector.broadcast %squeeze3A_1258 : f32 to vector<16xf32>
          %mul3A_1260 = arith.mulf %gather3A_1117, %mul3A_1259 : vector<16xf32>
          %slice3A_1261 = vector.extract_strided_slice %sub3A_447 {offsets = [8], sizes = [1], strides = [1]} : vector<16xf32> to vector<1xf32>
          %squeeze3A_1262 = vector.extract %slice3A_1261[0] : f32 from vector<1xf32>
          %mul3A_1263 = vector.broadcast %squeeze3A_1262 : f32 to vector<16xf32>
          %mul3A_1264 = arith.mulf %gather3A_1122, %mul3A_1263 : vector<16xf32>
          %slice3A_1265 = vector.extract_strided_slice %sub3A_449 {offsets = [8], sizes = [1], strides = [1]} : vector<16xf32> to vector<1xf32>
          %squeeze3A_1266 = vector.extract %slice3A_1265[0] : f32 from vector<1xf32>
          %mul3A_1267 = vector.broadcast %squeeze3A_1266 : f32 to vector<16xf32>
          %mul3A_1268 = arith.mulf %gather3A_1127, %mul3A_1267 : vector<16xf32>
          %slice3A_1269 = vector.extract_strided_slice %sub3A_451 {offsets = [8], sizes = [1], strides = [1]} : vector<16xf32> to vector<1xf32>
          %squeeze3A_1270 = vector.extract %slice3A_1269[0] : f32 from vector<1xf32>
          %mul3A_1271 = vector.broadcast %squeeze3A_1270 : f32 to vector<16xf32>
          %mul3A_1272 = arith.mulf %gather3A_1132, %mul3A_1271 : vector<16xf32>
          %slice3A_1273 = vector.extract_strided_slice %sub3A_453 {offsets = [8], sizes = [1], strides = [1]} : vector<16xf32> to vector<1xf32>
          %squeeze3A_1274 = vector.extract %slice3A_1273[0] : f32 from vector<1xf32>
          %mul3A_1275 = vector.broadcast %squeeze3A_1274 : f32 to vector<16xf32>
          %mul3A_1276 = arith.mulf %gather3A_1137, %mul3A_1275 : vector<16xf32>
          %slice3A_1277 = vector.extract_strided_slice %sub3A_455 {offsets = [8], sizes = [1], strides = [1]} : vector<16xf32> to vector<1xf32>
          %squeeze3A_1278 = vector.extract %slice3A_1277[0] : f32 from vector<1xf32>
          %mul3A_1279 = vector.broadcast %squeeze3A_1278 : f32 to vector<16xf32>
          %mul3A_1280 = arith.mulf %gather3A_1142, %mul3A_1279 : vector<16xf32>
          %slice3A_1281 = vector.extract_strided_slice %sub3A_457 {offsets = [8], sizes = [1], strides = [1]} : vector<16xf32> to vector<1xf32>
          %squeeze3A_1282 = vector.extract %slice3A_1281[0] : f32 from vector<1xf32>
          %mul3A_1283 = vector.broadcast %squeeze3A_1282 : f32 to vector<16xf32>
          %mul3A_1284 = arith.mulf %gather3A_1147, %mul3A_1283 : vector<16xf32>
          %add3A_1285 = arith.addf %mul3A_1256, %mul3A_1260 : vector<16xf32>
          %add3A_1286 = arith.addf %mul3A_1264, %mul3A_1268 : vector<16xf32>
          %add3A_1287 = arith.addf %mul3A_1272, %mul3A_1276 : vector<16xf32>
          %add3A_1288 = arith.addf %mul3A_1280, %mul3A_1284 : vector<16xf32>
          %add3A_1289 = arith.addf %add3A_1285, %add3A_1286 : vector<16xf32>
          %add3A_1290 = arith.addf %add3A_1287, %add3A_1288 : vector<16xf32>
          %add3A_1291 = arith.addf %add3A_1289, %add3A_1290 : vector<16xf32>
          %add3A_1292 = arith.constant 8 : i32
          %add3A_1293 = arith.addi %mul3A_459, %add3A_1292 : i32
          %mul3A_1294 = arith.constant 16 : i32
          %mul3A_1295 = arith.muli %scan3A_283, %mul3A_1294 : i32
          %swap3A_1296 = arith.index_cast %select_n3A_254 : i32 to index
          %swap3A_1297 = arith.index_cast %add3A_1293 : i32 to index
          %swap3A_1298 = arith.index_cast %mul3A_1295 : i32 to index
          %swap3A_1299 = tpu.vector_load %arg7[%swap3A_1296, %swap3A_1297, %swap3A_1298] {strides = array<i32>} : memref<2x128x128xf32, #tpu.memory_space<vmem>>, vector<16xf32>,
          tpu.vector_store %arg7[%swap3A_1296, %swap3A_1297, %swap3A_1298], %add3A_1291 {strides = array<i32>} : memref<2x128x128xf32, #tpu.memory_space<vmem>>, vector<16xf32>,
          %slice3A_1300 = vector.extract_strided_slice %min3A_401 {offsets = [9], sizes = [1], strides = [1]} : vector<16xf32> to vector<1xf32>
          %squeeze3A_1301 = vector.extract %slice3A_1300[0] : f32 from vector<1xf32>
          %mul3A_1302 = vector.broadcast %squeeze3A_1301 : f32 to vector<16xf32>
          %mul3A_1303 = arith.mulf %gather3A, %mul3A_1302 : vector<16xf32>
          %slice3A_1304 = vector.extract_strided_slice %sub3A_445 {offsets = [9], sizes = [1], strides = [1]} : vector<16xf32> to vector<1xf32>
          %squeeze3A_1305 = vector.extract %slice3A_1304[0] : f32 from vector<1xf32>
          %mul3A_1306 = vector.broadcast %squeeze3A_1305 : f32 to vector<16xf32>
          %mul3A_1307 = arith.mulf %gather3A_1152, %mul3A_1306 : vector<16xf32>
          %slice3A_1308 = vector.extract_strided_slice %sub3A_447 {offsets = [9], sizes = [1], strides = [1]} : vector<16xf32> to vector<1xf32>
          %squeeze3A_1309 = vector.extract %slice3A_1308[0] : f32 from vector<1xf32>
          %mul3A_1310 = vector.broadcast %squeeze3A_1309 : f32 to vector<16xf32>
          %mul3A_1311 = arith.mulf %gather3A_1157, %mul3A_1310 : vector<16xf32>
          %slice3A_1312 = vector.extract_strided_slice %sub3A_449 {offsets = [9], sizes = [1], strides = [1]} : vector<16xf32> to vector<1xf32>
          %squeeze3A_1313 = vector.extract %slice3A_1312[0] : f32 from vector<1xf32>
          %mul3A_1314 = vector.broadcast %squeeze3A_1313 : f32 to vector<16xf32>
          %mul3A_1315 = arith.mulf %gather3A_1162, %mul3A_1314 : vector<16xf32>
          %slice3A_1316 = vector.extract_strided_slice %sub3A_451 {offsets = [9], sizes = [1], strides = [1]} : vector<16xf32> to vector<1xf32>
          %squeeze3A_1317 = vector.extract %slice3A_1316[0] : f32 from vector<1xf32>
          %mul3A_1318 = vector.broadcast %squeeze3A_1317 : f32 to vector<16xf32>
          %mul3A_1319 = arith.mulf %gather3A_1167, %mul3A_1318 : vector<16xf32>
          %slice3A_1320 = vector.extract_strided_slice %sub3A_453 {offsets = [9], sizes = [1], strides = [1]} : vector<16xf32> to vector<1xf32>
          %squeeze3A_1321 = vector.extract %slice3A_1320[0] : f32 from vector<1xf32>
          %mul3A_1322 = vector.broadcast %squeeze3A_1321 : f32 to vector<16xf32>
          %mul3A_1323 = arith.mulf %gather3A_1172, %mul3A_1322 : vector<16xf32>
          %slice3A_1324 = vector.extract_strided_slice %sub3A_455 {offsets = [9], sizes = [1], strides = [1]} : vector<16xf32> to vector<1xf32>
          %squeeze3A_1325 = vector.extract %slice3A_1324[0] : f32 from vector<1xf32>
          %mul3A_1326 = vector.broadcast %squeeze3A_1325 : f32 to vector<16xf32>
          %mul3A_1327 = arith.mulf %gather3A_1177, %mul3A_1326 : vector<16xf32>
          %slice3A_1328 = vector.extract_strided_slice %sub3A_457 {offsets = [9], sizes = [1], strides = [1]} : vector<16xf32> to vector<1xf32>
          %squeeze3A_1329 = vector.extract %slice3A_1328[0] : f32 from vector<1xf32>
          %mul3A_1330 = vector.broadcast %squeeze3A_1329 : f32 to vector<16xf32>
          %mul3A_1331 = arith.mulf %gather3A_1182, %mul3A_1330 : vector<16xf32>
          %add3A_1332 = arith.addf %mul3A_1303, %mul3A_1307 : vector<16xf32>
          %add3A_1333 = arith.addf %mul3A_1311, %mul3A_1315 : vector<16xf32>
          %add3A_1334 = arith.addf %mul3A_1319, %mul3A_1323 : vector<16xf32>
          %add3A_1335 = arith.addf %mul3A_1327, %mul3A_1331 : vector<16xf32>
          %add3A_1336 = arith.addf %add3A_1332, %add3A_1333 : vector<16xf32>
          %add3A_1337 = arith.addf %add3A_1334, %add3A_1335 : vector<16xf32>
          %add3A_1338 = arith.addf %add3A_1336, %add3A_1337 : vector<16xf32>
          %add3A_1339 = arith.constant 9 : i32
          %add3A_1340 = arith.addi %mul3A_459, %add3A_1339 : i32
          %mul3A_1341 = arith.constant 16 : i32
          %mul3A_1342 = arith.muli %scan3A_283, %mul3A_1341 : i32
          %swap3A_1343 = arith.index_cast %select_n3A_254 : i32 to index
          %swap3A_1344 = arith.index_cast %add3A_1340 : i32 to index
          %swap3A_1345 = arith.index_cast %mul3A_1342 : i32 to index
          %swap3A_1346 = tpu.vector_load %arg7[%swap3A_1343, %swap3A_1344, %swap3A_1345] {strides = array<i32>} : memref<2x128x128xf32, #tpu.memory_space<vmem>>, vector<16xf32>,
          tpu.vector_store %arg7[%swap3A_1343, %swap3A_1344, %swap3A_1345], %add3A_1338 {strides = array<i32>} : memref<2x128x128xf32, #tpu.memory_space<vmem>>, vector<16xf32>,
          %slice3A_1347 = vector.extract_strided_slice %min3A_401 {offsets = [10], sizes = [1], strides = [1]} : vector<16xf32> to vector<1xf32>
          %squeeze3A_1348 = vector.extract %slice3A_1347[0] : f32 from vector<1xf32>
          %mul3A_1349 = vector.broadcast %squeeze3A_1348 : f32 to vector<16xf32>
          %mul3A_1350 = arith.mulf %gather3A, %mul3A_1349 : vector<16xf32>
          %slice3A_1351 = vector.extract_strided_slice %sub3A_445 {offsets = [10], sizes = [1], strides = [1]} : vector<16xf32> to vector<1xf32>
          %squeeze3A_1352 = vector.extract %slice3A_1351[0] : f32 from vector<1xf32>
          %mul3A_1353 = vector.broadcast %squeeze3A_1352 : f32 to vector<16xf32>
          %mul3A_1354 = arith.mulf %gather3A_1187, %mul3A_1353 : vector<16xf32>
          %slice3A_1355 = vector.extract_strided_slice %sub3A_447 {offsets = [10], sizes = [1], strides = [1]} : vector<16xf32> to vector<1xf32>
          %squeeze3A_1356 = vector.extract %slice3A_1355[0] : f32 from vector<1xf32>
          %mul3A_1357 = vector.broadcast %squeeze3A_1356 : f32 to vector<16xf32>
          %mul3A_1358 = arith.mulf %gather3A_1192, %mul3A_1357 : vector<16xf32>
          %slice3A_1359 = vector.extract_strided_slice %sub3A_449 {offsets = [10], sizes = [1], strides = [1]} : vector<16xf32> to vector<1xf32>
          %squeeze3A_1360 = vector.extract %slice3A_1359[0] : f32 from vector<1xf32>
          %mul3A_1361 = vector.broadcast %squeeze3A_1360 : f32 to vector<16xf32>
          %mul3A_1362 = arith.mulf %gather3A_1197, %mul3A_1361 : vector<16xf32>
          %slice3A_1363 = vector.extract_strided_slice %sub3A_451 {offsets = [10], sizes = [1], strides = [1]} : vector<16xf32> to vector<1xf32>
          %squeeze3A_1364 = vector.extract %slice3A_1363[0] : f32 from vector<1xf32>
          %mul3A_1365 = vector.broadcast %squeeze3A_1364 : f32 to vector<16xf32>
          %mul3A_1366 = arith.mulf %gather3A_1202, %mul3A_1365 : vector<16xf32>
          %slice3A_1367 = vector.extract_strided_slice %sub3A_453 {offsets = [10], sizes = [1], strides = [1]} : vector<16xf32> to vector<1xf32>
          %squeeze3A_1368 = vector.extract %slice3A_1367[0] : f32 from vector<1xf32>
          %mul3A_1369 = vector.broadcast %squeeze3A_1368 : f32 to vector<16xf32>
          %mul3A_1370 = arith.mulf %gather3A_1207, %mul3A_1369 : vector<16xf32>
          %slice3A_1371 = vector.extract_strided_slice %sub3A_455 {offsets = [10], sizes = [1], strides = [1]} : vector<16xf32> to vector<1xf32>
          %squeeze3A_1372 = vector.extract %slice3A_1371[0] : f32 from vector<1xf32>
          %mul3A_1373 = vector.broadcast %squeeze3A_1372 : f32 to vector<16xf32>
          %mul3A_1374 = arith.mulf %gather3A_1212, %mul3A_1373 : vector<16xf32>
          %slice3A_1375 = vector.extract_strided_slice %sub3A_457 {offsets = [10], sizes = [1], strides = [1]} : vector<16xf32> to vector<1xf32>
          %squeeze3A_1376 = vector.extract %slice3A_1375[0] : f32 from vector<1xf32>
          %mul3A_1377 = vector.broadcast %squeeze3A_1376 : f32 to vector<16xf32>
          %mul3A_1378 = arith.mulf %gather3A_1217, %mul3A_1377 : vector<16xf32>
          %add3A_1379 = arith.addf %mul3A_1350, %mul3A_1354 : vector<16xf32>
          %add3A_1380 = arith.addf %mul3A_1358, %mul3A_1362 : vector<16xf32>
          %add3A_1381 = arith.addf %mul3A_1366, %mul3A_1370 : vector<16xf32>
          %add3A_1382 = arith.addf %mul3A_1374, %mul3A_1378 : vector<16xf32>
          %add3A_1383 = arith.addf %add3A_1379, %add3A_1380 : vector<16xf32>
          %add3A_1384 = arith.addf %add3A_1381, %add3A_1382 : vector<16xf32>
          %add3A_1385 = arith.addf %add3A_1383, %add3A_1384 : vector<16xf32>
          %add3A_1386 = arith.constant 10 : i32
          %add3A_1387 = arith.addi %mul3A_459, %add3A_1386 : i32
          %mul3A_1388 = arith.constant 16 : i32
          %mul3A_1389 = arith.muli %scan3A_283, %mul3A_1388 : i32
          %swap3A_1390 = arith.index_cast %select_n3A_254 : i32 to index
          %swap3A_1391 = arith.index_cast %add3A_1387 : i32 to index
          %swap3A_1392 = arith.index_cast %mul3A_1389 : i32 to index
          %swap3A_1393 = tpu.vector_load %arg7[%swap3A_1390, %swap3A_1391, %swap3A_1392] {strides = array<i32>} : memref<2x128x128xf32, #tpu.memory_space<vmem>>, vector<16xf32>,
          tpu.vector_store %arg7[%swap3A_1390, %swap3A_1391, %swap3A_1392], %add3A_1385 {strides = array<i32>} : memref<2x128x128xf32, #tpu.memory_space<vmem>>, vector<16xf32>,
          %slice3A_1394 = vector.extract_strided_slice %min3A_401 {offsets = [11], sizes = [1], strides = [1]} : vector<16xf32> to vector<1xf32>
          %squeeze3A_1395 = vector.extract %slice3A_1394[0] : f32 from vector<1xf32>
          %mul3A_1396 = vector.broadcast %squeeze3A_1395 : f32 to vector<16xf32>
          %mul3A_1397 = arith.mulf %gather3A, %mul3A_1396 : vector<16xf32>
          %slice3A_1398 = vector.extract_strided_slice %sub3A_445 {offsets = [11], sizes = [1], strides = [1]} : vector<16xf32> to vector<1xf32>
          %squeeze3A_1399 = vector.extract %slice3A_1398[0] : f32 from vector<1xf32>
          %mul3A_1400 = vector.broadcast %squeeze3A_1399 : f32 to vector<16xf32>
          %mul3A_1401 = arith.mulf %gather3A_1222, %mul3A_1400 : vector<16xf32>
          %slice3A_1402 = vector.extract_strided_slice %sub3A_447 {offsets = [11], sizes = [1], strides = [1]} : vector<16xf32> to vector<1xf32>
          %squeeze3A_1403 = vector.extract %slice3A_1402[0] : f32 from vector<1xf32>
          %mul3A_1404 = vector.broadcast %squeeze3A_1403 : f32 to vector<16xf32>
          %mul3A_1405 = arith.mulf %gather3A_1227, %mul3A_1404 : vector<16xf32>
          %slice3A_1406 = vector.extract_strided_slice %sub3A_449 {offsets = [11], sizes = [1], strides = [1]} : vector<16xf32> to vector<1xf32>
          %squeeze3A_1407 = vector.extract %slice3A_1406[0] : f32 from vector<1xf32>
          %mul3A_1408 = vector.broadcast %squeeze3A_1407 : f32 to vector<16xf32>
          %mul3A_1409 = arith.mulf %gather3A_1232, %mul3A_1408 : vector<16xf32>
          %slice3A_1410 = vector.extract_strided_slice %sub3A_451 {offsets = [11], sizes = [1], strides = [1]} : vector<16xf32> to vector<1xf32>
          %squeeze3A_1411 = vector.extract %slice3A_1410[0] : f32 from vector<1xf32>
          %mul3A_1412 = vector.broadcast %squeeze3A_1411 : f32 to vector<16xf32>
          %mul3A_1413 = arith.mulf %gather3A_1237, %mul3A_1412 : vector<16xf32>
          %slice3A_1414 = vector.extract_strided_slice %sub3A_453 {offsets = [11], sizes = [1], strides = [1]} : vector<16xf32> to vector<1xf32>
          %squeeze3A_1415 = vector.extract %slice3A_1414[0] : f32 from vector<1xf32>
          %mul3A_1416 = vector.broadcast %squeeze3A_1415 : f32 to vector<16xf32>
          %mul3A_1417 = arith.mulf %gather3A_1242, %mul3A_1416 : vector<16xf32>
          %slice3A_1418 = vector.extract_strided_slice %sub3A_455 {offsets = [11], sizes = [1], strides = [1]} : vector<16xf32> to vector<1xf32>
          %squeeze3A_1419 = vector.extract %slice3A_1418[0] : f32 from vector<1xf32>
          %mul3A_1420 = vector.broadcast %squeeze3A_1419 : f32 to vector<16xf32>
          %mul3A_1421 = arith.mulf %gather3A_1247, %mul3A_1420 : vector<16xf32>
          %slice3A_1422 = vector.extract_strided_slice %sub3A_457 {offsets = [11], sizes = [1], strides = [1]} : vector<16xf32> to vector<1xf32>
          %squeeze3A_1423 = vector.extract %slice3A_1422[0] : f32 from vector<1xf32>
          %mul3A_1424 = vector.broadcast %squeeze3A_1423 : f32 to vector<16xf32>
          %mul3A_1425 = arith.mulf %gather3A_1252, %mul3A_1424 : vector<16xf32>
          %add3A_1426 = arith.addf %mul3A_1397, %mul3A_1401 : vector<16xf32>
          %add3A_1427 = arith.addf %mul3A_1405, %mul3A_1409 : vector<16xf32>
          %add3A_1428 = arith.addf %mul3A_1413, %mul3A_1417 : vector<16xf32>
          %add3A_1429 = arith.addf %mul3A_1421, %mul3A_1425 : vector<16xf32>
          %add3A_1430 = arith.addf %add3A_1426, %add3A_1427 : vector<16xf32>
          %add3A_1431 = arith.addf %add3A_1428, %add3A_1429 : vector<16xf32>
          %add3A_1432 = arith.addf %add3A_1430, %add3A_1431 : vector<16xf32>
          %add3A_1433 = arith.constant 11 : i32
          %add3A_1434 = arith.addi %mul3A_459, %add3A_1433 : i32
          %mul3A_1435 = arith.constant 16 : i32
          %mul3A_1436 = arith.muli %scan3A_283, %mul3A_1435 : i32
          %swap3A_1437 = arith.index_cast %select_n3A_254 : i32 to index
          %swap3A_1438 = arith.index_cast %add3A_1434 : i32 to index
          %swap3A_1439 = arith.index_cast %mul3A_1436 : i32 to index
          %swap3A_1440 = tpu.vector_load %arg7[%swap3A_1437, %swap3A_1438, %swap3A_1439] {strides = array<i32>} : memref<2x128x128xf32, #tpu.memory_space<vmem>>, vector<16xf32>,
          tpu.vector_store %arg7[%swap3A_1437, %swap3A_1438, %swap3A_1439], %add3A_1432 {strides = array<i32>} : memref<2x128x128xf32, #tpu.memory_space<vmem>>, vector<16xf32>,
          %slice3A_1441 = vector.extract_strided_slice %sub3A {offsets = [12], sizes = [1], strides = [1]} : vector<16xi32> to vector<1xi32>
          %squeeze3A_1442 = vector.extract %slice3A_1441[0] : i32 from vector<1xi32>
          %broadcast_in_dim3A_1443 = vector.broadcast %squeeze3A_1442 : i32 to vector<16xi32>
          %add3A_1444 = arith.addi %broadcast_in_dim3A_1443, %iota3A : vector<16xi32>
          %gather3A_1445 = tpu.vector_load_idx %arg6[%add3A_1444] : memref<32768xf32, #tpu.memory_space<vmem>>[vector<16xi32>], vector<16xf32>,
          %slice3A_1446 = vector.extract_strided_slice %sub3A_446 {offsets = [12], sizes = [1], strides = [1]} : vector<16xi32> to vector<1xi32>
          %squeeze3A_1447 = vector.extract %slice3A_1446[0] : i32 from vector<1xi32>
          %broadcast_in_dim3A_1448 = vector.broadcast %squeeze3A_1447 : i32 to vector<16xi32>
          %add3A_1449 = arith.addi %broadcast_in_dim3A_1448, %iota3A : vector<16xi32>
          %gather3A_1450 = tpu.vector_load_idx %arg6[%add3A_1449] : memref<32768xf32, #tpu.memory_space<vmem>>[vector<16xi32>], vector<16xf32>,
          %slice3A_1451 = vector.extract_strided_slice %sub3A_448 {offsets = [12], sizes = [1], strides = [1]} : vector<16xi32> to vector<1xi32>
          %squeeze3A_1452 = vector.extract %slice3A_1451[0] : i32 from vector<1xi32>
          %broadcast_in_dim3A_1453 = vector.broadcast %squeeze3A_1452 : i32 to vector<16xi32>
          %add3A_1454 = arith.addi %broadcast_in_dim3A_1453, %iota3A : vector<16xi32>
          %gather3A_1455 = tpu.vector_load_idx %arg6[%add3A_1454] : memref<32768xf32, #tpu.memory_space<vmem>>[vector<16xi32>], vector<16xf32>,
          %slice3A_1456 = vector.extract_strided_slice %sub3A_450 {offsets = [12], sizes = [1], strides = [1]} : vector<16xi32> to vector<1xi32>
          %squeeze3A_1457 = vector.extract %slice3A_1456[0] : i32 from vector<1xi32>
          %broadcast_in_dim3A_1458 = vector.broadcast %squeeze3A_1457 : i32 to vector<16xi32>
          %add3A_1459 = arith.addi %broadcast_in_dim3A_1458, %iota3A : vector<16xi32>
          %gather3A_1460 = tpu.vector_load_idx %arg6[%add3A_1459] : memref<32768xf32, #tpu.memory_space<vmem>>[vector<16xi32>], vector<16xf32>,
          %slice3A_1461 = vector.extract_strided_slice %sub3A_452 {offsets = [12], sizes = [1], strides = [1]} : vector<16xi32> to vector<1xi32>
          %squeeze3A_1462 = vector.extract %slice3A_1461[0] : i32 from vector<1xi32>
          %broadcast_in_dim3A_1463 = vector.broadcast %squeeze3A_1462 : i32 to vector<16xi32>
          %add3A_1464 = arith.addi %broadcast_in_dim3A_1463, %iota3A : vector<16xi32>
          %gather3A_1465 = tpu.vector_load_idx %arg6[%add3A_1464] : memref<32768xf32, #tpu.memory_space<vmem>>[vector<16xi32>], vector<16xf32>,
          %slice3A_1466 = vector.extract_strided_slice %sub3A_454 {offsets = [12], sizes = [1], strides = [1]} : vector<16xi32> to vector<1xi32>
          %squeeze3A_1467 = vector.extract %slice3A_1466[0] : i32 from vector<1xi32>
          %broadcast_in_dim3A_1468 = vector.broadcast %squeeze3A_1467 : i32 to vector<16xi32>
          %add3A_1469 = arith.addi %broadcast_in_dim3A_1468, %iota3A : vector<16xi32>
          %gather3A_1470 = tpu.vector_load_idx %arg6[%add3A_1469] : memref<32768xf32, #tpu.memory_space<vmem>>[vector<16xi32>], vector<16xf32>,
          %slice3A_1471 = vector.extract_strided_slice %sub3A_456 {offsets = [12], sizes = [1], strides = [1]} : vector<16xi32> to vector<1xi32>
          %squeeze3A_1472 = vector.extract %slice3A_1471[0] : i32 from vector<1xi32>
          %broadcast_in_dim3A_1473 = vector.broadcast %squeeze3A_1472 : i32 to vector<16xi32>
          %add3A_1474 = arith.addi %broadcast_in_dim3A_1473, %iota3A : vector<16xi32>
          %gather3A_1475 = tpu.vector_load_idx %arg6[%add3A_1474] : memref<32768xf32, #tpu.memory_space<vmem>>[vector<16xi32>], vector<16xf32>,
          %slice3A_1476 = vector.extract_strided_slice %sub3A {offsets = [13], sizes = [1], strides = [1]} : vector<16xi32> to vector<1xi32>
          %squeeze3A_1477 = vector.extract %slice3A_1476[0] : i32 from vector<1xi32>
          %broadcast_in_dim3A_1478 = vector.broadcast %squeeze3A_1477 : i32 to vector<16xi32>
          %add3A_1479 = arith.addi %broadcast_in_dim3A_1478, %iota3A : vector<16xi32>
          %gather3A_1480 = tpu.vector_load_idx %arg6[%add3A_1479] : memref<32768xf32, #tpu.memory_space<vmem>>[vector<16xi32>], vector<16xf32>,
          %slice3A_1481 = vector.extract_strided_slice %sub3A_446 {offsets = [13], sizes = [1], strides = [1]} : vector<16xi32> to vector<1xi32>
          %squeeze3A_1482 = vector.extract %slice3A_1481[0] : i32 from vector<1xi32>
          %broadcast_in_dim3A_1483 = vector.broadcast %squeeze3A_1482 : i32 to vector<16xi32>
          %add3A_1484 = arith.addi %broadcast_in_dim3A_1483, %iota3A : vector<16xi32>
          %gather3A_1485 = tpu.vector_load_idx %arg6[%add3A_1484] : memref<32768xf32, #tpu.memory_space<vmem>>[vector<16xi32>], vector<16xf32>,
          %slice3A_1486 = vector.extract_strided_slice %sub3A_448 {offsets = [13], sizes = [1], strides = [1]} : vector<16xi32> to vector<1xi32>
          %squeeze3A_1487 = vector.extract %slice3A_1486[0] : i32 from vector<1xi32>
          %broadcast_in_dim3A_1488 = vector.broadcast %squeeze3A_1487 : i32 to vector<16xi32>
          %add3A_1489 = arith.addi %broadcast_in_dim3A_1488, %iota3A : vector<16xi32>
          %gather3A_1490 = tpu.vector_load_idx %arg6[%add3A_1489] : memref<32768xf32, #tpu.memory_space<vmem>>[vector<16xi32>], vector<16xf32>,
          %slice3A_1491 = vector.extract_strided_slice %sub3A_450 {offsets = [13], sizes = [1], strides = [1]} : vector<16xi32> to vector<1xi32>
          %squeeze3A_1492 = vector.extract %slice3A_1491[0] : i32 from vector<1xi32>
          %broadcast_in_dim3A_1493 = vector.broadcast %squeeze3A_1492 : i32 to vector<16xi32>
          %add3A_1494 = arith.addi %broadcast_in_dim3A_1493, %iota3A : vector<16xi32>
          %gather3A_1495 = tpu.vector_load_idx %arg6[%add3A_1494] : memref<32768xf32, #tpu.memory_space<vmem>>[vector<16xi32>], vector<16xf32>,
          %slice3A_1496 = vector.extract_strided_slice %sub3A_452 {offsets = [13], sizes = [1], strides = [1]} : vector<16xi32> to vector<1xi32>
          %squeeze3A_1497 = vector.extract %slice3A_1496[0] : i32 from vector<1xi32>
          %broadcast_in_dim3A_1498 = vector.broadcast %squeeze3A_1497 : i32 to vector<16xi32>
          %add3A_1499 = arith.addi %broadcast_in_dim3A_1498, %iota3A : vector<16xi32>
          %gather3A_1500 = tpu.vector_load_idx %arg6[%add3A_1499] : memref<32768xf32, #tpu.memory_space<vmem>>[vector<16xi32>], vector<16xf32>,
          %slice3A_1501 = vector.extract_strided_slice %sub3A_454 {offsets = [13], sizes = [1], strides = [1]} : vector<16xi32> to vector<1xi32>
          %squeeze3A_1502 = vector.extract %slice3A_1501[0] : i32 from vector<1xi32>
          %broadcast_in_dim3A_1503 = vector.broadcast %squeeze3A_1502 : i32 to vector<16xi32>
          %add3A_1504 = arith.addi %broadcast_in_dim3A_1503, %iota3A : vector<16xi32>
          %gather3A_1505 = tpu.vector_load_idx %arg6[%add3A_1504] : memref<32768xf32, #tpu.memory_space<vmem>>[vector<16xi32>], vector<16xf32>,
          %slice3A_1506 = vector.extract_strided_slice %sub3A_456 {offsets = [13], sizes = [1], strides = [1]} : vector<16xi32> to vector<1xi32>
          %squeeze3A_1507 = vector.extract %slice3A_1506[0] : i32 from vector<1xi32>
          %broadcast_in_dim3A_1508 = vector.broadcast %squeeze3A_1507 : i32 to vector<16xi32>
          %add3A_1509 = arith.addi %broadcast_in_dim3A_1508, %iota3A : vector<16xi32>
          %gather3A_1510 = tpu.vector_load_idx %arg6[%add3A_1509] : memref<32768xf32, #tpu.memory_space<vmem>>[vector<16xi32>], vector<16xf32>,
          %slice3A_1511 = vector.extract_strided_slice %sub3A {offsets = [14], sizes = [1], strides = [1]} : vector<16xi32> to vector<1xi32>
          %squeeze3A_1512 = vector.extract %slice3A_1511[0] : i32 from vector<1xi32>
          %broadcast_in_dim3A_1513 = vector.broadcast %squeeze3A_1512 : i32 to vector<16xi32>
          %add3A_1514 = arith.addi %broadcast_in_dim3A_1513, %iota3A : vector<16xi32>
          %gather3A_1515 = tpu.vector_load_idx %arg6[%add3A_1514] : memref<32768xf32, #tpu.memory_space<vmem>>[vector<16xi32>], vector<16xf32>,
          %slice3A_1516 = vector.extract_strided_slice %sub3A_446 {offsets = [14], sizes = [1], strides = [1]} : vector<16xi32> to vector<1xi32>
          %squeeze3A_1517 = vector.extract %slice3A_1516[0] : i32 from vector<1xi32>
          %broadcast_in_dim3A_1518 = vector.broadcast %squeeze3A_1517 : i32 to vector<16xi32>
          %add3A_1519 = arith.addi %broadcast_in_dim3A_1518, %iota3A : vector<16xi32>
          %gather3A_1520 = tpu.vector_load_idx %arg6[%add3A_1519] : memref<32768xf32, #tpu.memory_space<vmem>>[vector<16xi32>], vector<16xf32>,
          %slice3A_1521 = vector.extract_strided_slice %sub3A_448 {offsets = [14], sizes = [1], strides = [1]} : vector<16xi32> to vector<1xi32>
          %squeeze3A_1522 = vector.extract %slice3A_1521[0] : i32 from vector<1xi32>
          %broadcast_in_dim3A_1523 = vector.broadcast %squeeze3A_1522 : i32 to vector<16xi32>
          %add3A_1524 = arith.addi %broadcast_in_dim3A_1523, %iota3A : vector<16xi32>
          %gather3A_1525 = tpu.vector_load_idx %arg6[%add3A_1524] : memref<32768xf32, #tpu.memory_space<vmem>>[vector<16xi32>], vector<16xf32>,
          %slice3A_1526 = vector.extract_strided_slice %sub3A_450 {offsets = [14], sizes = [1], strides = [1]} : vector<16xi32> to vector<1xi32>
          %squeeze3A_1527 = vector.extract %slice3A_1526[0] : i32 from vector<1xi32>
          %broadcast_in_dim3A_1528 = vector.broadcast %squeeze3A_1527 : i32 to vector<16xi32>
          %add3A_1529 = arith.addi %broadcast_in_dim3A_1528, %iota3A : vector<16xi32>
          %gather3A_1530 = tpu.vector_load_idx %arg6[%add3A_1529] : memref<32768xf32, #tpu.memory_space<vmem>>[vector<16xi32>], vector<16xf32>,
          %slice3A_1531 = vector.extract_strided_slice %sub3A_452 {offsets = [14], sizes = [1], strides = [1]} : vector<16xi32> to vector<1xi32>
          %squeeze3A_1532 = vector.extract %slice3A_1531[0] : i32 from vector<1xi32>
          %broadcast_in_dim3A_1533 = vector.broadcast %squeeze3A_1532 : i32 to vector<16xi32>
          %add3A_1534 = arith.addi %broadcast_in_dim3A_1533, %iota3A : vector<16xi32>
          %gather3A_1535 = tpu.vector_load_idx %arg6[%add3A_1534] : memref<32768xf32, #tpu.memory_space<vmem>>[vector<16xi32>], vector<16xf32>,
          %slice3A_1536 = vector.extract_strided_slice %sub3A_454 {offsets = [14], sizes = [1], strides = [1]} : vector<16xi32> to vector<1xi32>
          %squeeze3A_1537 = vector.extract %slice3A_1536[0] : i32 from vector<1xi32>
          %broadcast_in_dim3A_1538 = vector.broadcast %squeeze3A_1537 : i32 to vector<16xi32>
          %add3A_1539 = arith.addi %broadcast_in_dim3A_1538, %iota3A : vector<16xi32>
          %gather3A_1540 = tpu.vector_load_idx %arg6[%add3A_1539] : memref<32768xf32, #tpu.memory_space<vmem>>[vector<16xi32>], vector<16xf32>,
          %slice3A_1541 = vector.extract_strided_slice %sub3A_456 {offsets = [14], sizes = [1], strides = [1]} : vector<16xi32> to vector<1xi32>
          %squeeze3A_1542 = vector.extract %slice3A_1541[0] : i32 from vector<1xi32>
          %broadcast_in_dim3A_1543 = vector.broadcast %squeeze3A_1542 : i32 to vector<16xi32>
          %add3A_1544 = arith.addi %broadcast_in_dim3A_1543, %iota3A : vector<16xi32>
          %gather3A_1545 = tpu.vector_load_idx %arg6[%add3A_1544] : memref<32768xf32, #tpu.memory_space<vmem>>[vector<16xi32>], vector<16xf32>,
          %slice3A_1546 = vector.extract_strided_slice %sub3A {offsets = [15], sizes = [1], strides = [1]} : vector<16xi32> to vector<1xi32>
          %squeeze3A_1547 = vector.extract %slice3A_1546[0] : i32 from vector<1xi32>
          %broadcast_in_dim3A_1548 = vector.broadcast %squeeze3A_1547 : i32 to vector<16xi32>
          %add3A_1549 = arith.addi %broadcast_in_dim3A_1548, %iota3A : vector<16xi32>
          %gather3A_1550 = tpu.vector_load_idx %arg6[%add3A_1549] : memref<32768xf32, #tpu.memory_space<vmem>>[vector<16xi32>], vector<16xf32>,
          %slice3A_1551 = vector.extract_strided_slice %sub3A_446 {offsets = [15], sizes = [1], strides = [1]} : vector<16xi32> to vector<1xi32>
          %squeeze3A_1552 = vector.extract %slice3A_1551[0] : i32 from vector<1xi32>
          %broadcast_in_dim3A_1553 = vector.broadcast %squeeze3A_1552 : i32 to vector<16xi32>
          %add3A_1554 = arith.addi %broadcast_in_dim3A_1553, %iota3A : vector<16xi32>
          %gather3A_1555 = tpu.vector_load_idx %arg6[%add3A_1554] : memref<32768xf32, #tpu.memory_space<vmem>>[vector<16xi32>], vector<16xf32>,
          %slice3A_1556 = vector.extract_strided_slice %sub3A_448 {offsets = [15], sizes = [1], strides = [1]} : vector<16xi32> to vector<1xi32>
          %squeeze3A_1557 = vector.extract %slice3A_1556[0] : i32 from vector<1xi32>
          %broadcast_in_dim3A_1558 = vector.broadcast %squeeze3A_1557 : i32 to vector<16xi32>
          %add3A_1559 = arith.addi %broadcast_in_dim3A_1558, %iota3A : vector<16xi32>
          %gather3A_1560 = tpu.vector_load_idx %arg6[%add3A_1559] : memref<32768xf32, #tpu.memory_space<vmem>>[vector<16xi32>], vector<16xf32>,
          %slice3A_1561 = vector.extract_strided_slice %sub3A_450 {offsets = [15], sizes = [1], strides = [1]} : vector<16xi32> to vector<1xi32>
          %squeeze3A_1562 = vector.extract %slice3A_1561[0] : i32 from vector<1xi32>
          %broadcast_in_dim3A_1563 = vector.broadcast %squeeze3A_1562 : i32 to vector<16xi32>
          %add3A_1564 = arith.addi %broadcast_in_dim3A_1563, %iota3A : vector<16xi32>
          %gather3A_1565 = tpu.vector_load_idx %arg6[%add3A_1564] : memref<32768xf32, #tpu.memory_space<vmem>>[vector<16xi32>], vector<16xf32>,
          %slice3A_1566 = vector.extract_strided_slice %sub3A_452 {offsets = [15], sizes = [1], strides = [1]} : vector<16xi32> to vector<1xi32>
          %squeeze3A_1567 = vector.extract %slice3A_1566[0] : i32 from vector<1xi32>
          %broadcast_in_dim3A_1568 = vector.broadcast %squeeze3A_1567 : i32 to vector<16xi32>
          %add3A_1569 = arith.addi %broadcast_in_dim3A_1568, %iota3A : vector<16xi32>
          %gather3A_1570 = tpu.vector_load_idx %arg6[%add3A_1569] : memref<32768xf32, #tpu.memory_space<vmem>>[vector<16xi32>], vector<16xf32>,
          %slice3A_1571 = vector.extract_strided_slice %sub3A_454 {offsets = [15], sizes = [1], strides = [1]} : vector<16xi32> to vector<1xi32>
          %squeeze3A_1572 = vector.extract %slice3A_1571[0] : i32 from vector<1xi32>
          %broadcast_in_dim3A_1573 = vector.broadcast %squeeze3A_1572 : i32 to vector<16xi32>
          %add3A_1574 = arith.addi %broadcast_in_dim3A_1573, %iota3A : vector<16xi32>
          %gather3A_1575 = tpu.vector_load_idx %arg6[%add3A_1574] : memref<32768xf32, #tpu.memory_space<vmem>>[vector<16xi32>], vector<16xf32>,
          %slice3A_1576 = vector.extract_strided_slice %sub3A_456 {offsets = [15], sizes = [1], strides = [1]} : vector<16xi32> to vector<1xi32>
          %squeeze3A_1577 = vector.extract %slice3A_1576[0] : i32 from vector<1xi32>
          %broadcast_in_dim3A_1578 = vector.broadcast %squeeze3A_1577 : i32 to vector<16xi32>
          %add3A_1579 = arith.addi %broadcast_in_dim3A_1578, %iota3A : vector<16xi32>
          %gather3A_1580 = tpu.vector_load_idx %arg6[%add3A_1579] : memref<32768xf32, #tpu.memory_space<vmem>>[vector<16xi32>], vector<16xf32>,
          %slice3A_1581 = vector.extract_strided_slice %min3A_401 {offsets = [12], sizes = [1], strides = [1]} : vector<16xf32> to vector<1xf32>
          %squeeze3A_1582 = vector.extract %slice3A_1581[0] : f32 from vector<1xf32>
          %mul3A_1583 = vector.broadcast %squeeze3A_1582 : f32 to vector<16xf32>
          %mul3A_1584 = arith.mulf %gather3A, %mul3A_1583 : vector<16xf32>
          %slice3A_1585 = vector.extract_strided_slice %sub3A_445 {offsets = [12], sizes = [1], strides = [1]} : vector<16xf32> to vector<1xf32>
          %squeeze3A_1586 = vector.extract %slice3A_1585[0] : f32 from vector<1xf32>
          %mul3A_1587 = vector.broadcast %squeeze3A_1586 : f32 to vector<16xf32>
          %mul3A_1588 = arith.mulf %gather3A_1445, %mul3A_1587 : vector<16xf32>
          %slice3A_1589 = vector.extract_strided_slice %sub3A_447 {offsets = [12], sizes = [1], strides = [1]} : vector<16xf32> to vector<1xf32>
          %squeeze3A_1590 = vector.extract %slice3A_1589[0] : f32 from vector<1xf32>
          %mul3A_1591 = vector.broadcast %squeeze3A_1590 : f32 to vector<16xf32>
          %mul3A_1592 = arith.mulf %gather3A_1450, %mul3A_1591 : vector<16xf32>
          %slice3A_1593 = vector.extract_strided_slice %sub3A_449 {offsets = [12], sizes = [1], strides = [1]} : vector<16xf32> to vector<1xf32>
          %squeeze3A_1594 = vector.extract %slice3A_1593[0] : f32 from vector<1xf32>
          %mul3A_1595 = vector.broadcast %squeeze3A_1594 : f32 to vector<16xf32>
          %mul3A_1596 = arith.mulf %gather3A_1455, %mul3A_1595 : vector<16xf32>
          %slice3A_1597 = vector.extract_strided_slice %sub3A_451 {offsets = [12], sizes = [1], strides = [1]} : vector<16xf32> to vector<1xf32>
          %squeeze3A_1598 = vector.extract %slice3A_1597[0] : f32 from vector<1xf32>
          %mul3A_1599 = vector.broadcast %squeeze3A_1598 : f32 to vector<16xf32>
          %mul3A_1600 = arith.mulf %gather3A_1460, %mul3A_1599 : vector<16xf32>
          %slice3A_1601 = vector.extract_strided_slice %sub3A_453 {offsets = [12], sizes = [1], strides = [1]} : vector<16xf32> to vector<1xf32>
          %squeeze3A_1602 = vector.extract %slice3A_1601[0] : f32 from vector<1xf32>
          %mul3A_1603 = vector.broadcast %squeeze3A_1602 : f32 to vector<16xf32>
          %mul3A_1604 = arith.mulf %gather3A_1465, %mul3A_1603 : vector<16xf32>
          %slice3A_1605 = vector.extract_strided_slice %sub3A_455 {offsets = [12], sizes = [1], strides = [1]} : vector<16xf32> to vector<1xf32>
          %squeeze3A_1606 = vector.extract %slice3A_1605[0] : f32 from vector<1xf32>
          %mul3A_1607 = vector.broadcast %squeeze3A_1606 : f32 to vector<16xf32>
          %mul3A_1608 = arith.mulf %gather3A_1470, %mul3A_1607 : vector<16xf32>
          %slice3A_1609 = vector.extract_strided_slice %sub3A_457 {offsets = [12], sizes = [1], strides = [1]} : vector<16xf32> to vector<1xf32>
          %squeeze3A_1610 = vector.extract %slice3A_1609[0] : f32 from vector<1xf32>
          %mul3A_1611 = vector.broadcast %squeeze3A_1610 : f32 to vector<16xf32>
          %mul3A_1612 = arith.mulf %gather3A_1475, %mul3A_1611 : vector<16xf32>
          %add3A_1613 = arith.addf %mul3A_1584, %mul3A_1588 : vector<16xf32>
          %add3A_1614 = arith.addf %mul3A_1592, %mul3A_1596 : vector<16xf32>
          %add3A_1615 = arith.addf %mul3A_1600, %mul3A_1604 : vector<16xf32>
          %add3A_1616 = arith.addf %mul3A_1608, %mul3A_1612 : vector<16xf32>
          %add3A_1617 = arith.addf %add3A_1613, %add3A_1614 : vector<16xf32>
          %add3A_1618 = arith.addf %add3A_1615, %add3A_1616 : vector<16xf32>
          %add3A_1619 = arith.addf %add3A_1617, %add3A_1618 : vector<16xf32>
          %add3A_1620 = arith.constant 12 : i32
          %add3A_1621 = arith.addi %mul3A_459, %add3A_1620 : i32
          %mul3A_1622 = arith.constant 16 : i32
          %mul3A_1623 = arith.muli %scan3A_283, %mul3A_1622 : i32
          %swap3A_1624 = arith.index_cast %select_n3A_254 : i32 to index
          %swap3A_1625 = arith.index_cast %add3A_1621 : i32 to index
          %swap3A_1626 = arith.index_cast %mul3A_1623 : i32 to index
          %swap3A_1627 = tpu.vector_load %arg7[%swap3A_1624, %swap3A_1625, %swap3A_1626] {strides = array<i32>} : memref<2x128x128xf32, #tpu.memory_space<vmem>>, vector<16xf32>,
          tpu.vector_store %arg7[%swap3A_1624, %swap3A_1625, %swap3A_1626], %add3A_1619 {strides = array<i32>} : memref<2x128x128xf32, #tpu.memory_space<vmem>>, vector<16xf32>,
          %slice3A_1628 = vector.extract_strided_slice %min3A_401 {offsets = [13], sizes = [1], strides = [1]} : vector<16xf32> to vector<1xf32>
          %squeeze3A_1629 = vector.extract %slice3A_1628[0] : f32 from vector<1xf32>
          %mul3A_1630 = vector.broadcast %squeeze3A_1629 : f32 to vector<16xf32>
          %mul3A_1631 = arith.mulf %gather3A, %mul3A_1630 : vector<16xf32>
          %slice3A_1632 = vector.extract_strided_slice %sub3A_445 {offsets = [13], sizes = [1], strides = [1]} : vector<16xf32> to vector<1xf32>
          %squeeze3A_1633 = vector.extract %slice3A_1632[0] : f32 from vector<1xf32>
          %mul3A_1634 = vector.broadcast %squeeze3A_1633 : f32 to vector<16xf32>
          %mul3A_1635 = arith.mulf %gather3A_1480, %mul3A_1634 : vector<16xf32>
          %slice3A_1636 = vector.extract_strided_slice %sub3A_447 {offsets = [13], sizes = [1], strides = [1]} : vector<16xf32> to vector<1xf32>
          %squeeze3A_1637 = vector.extract %slice3A_1636[0] : f32 from vector<1xf32>
          %mul3A_1638 = vector.broadcast %squeeze3A_1637 : f32 to vector<16xf32>
          %mul3A_1639 = arith.mulf %gather3A_1485, %mul3A_1638 : vector<16xf32>
          %slice3A_1640 = vector.extract_strided_slice %sub3A_449 {offsets = [13], sizes = [1], strides = [1]} : vector<16xf32> to vector<1xf32>
          %squeeze3A_1641 = vector.extract %slice3A_1640[0] : f32 from vector<1xf32>
          %mul3A_1642 = vector.broadcast %squeeze3A_1641 : f32 to vector<16xf32>
          %mul3A_1643 = arith.mulf %gather3A_1490, %mul3A_1642 : vector<16xf32>
          %slice3A_1644 = vector.extract_strided_slice %sub3A_451 {offsets = [13], sizes = [1], strides = [1]} : vector<16xf32> to vector<1xf32>
          %squeeze3A_1645 = vector.extract %slice3A_1644[0] : f32 from vector<1xf32>
          %mul3A_1646 = vector.broadcast %squeeze3A_1645 : f32 to vector<16xf32>
          %mul3A_1647 = arith.mulf %gather3A_1495, %mul3A_1646 : vector<16xf32>
          %slice3A_1648 = vector.extract_strided_slice %sub3A_453 {offsets = [13], sizes = [1], strides = [1]} : vector<16xf32> to vector<1xf32>
          %squeeze3A_1649 = vector.extract %slice3A_1648[0] : f32 from vector<1xf32>
          %mul3A_1650 = vector.broadcast %squeeze3A_1649 : f32 to vector<16xf32>
          %mul3A_1651 = arith.mulf %gather3A_1500, %mul3A_1650 : vector<16xf32>
          %slice3A_1652 = vector.extract_strided_slice %sub3A_455 {offsets = [13], sizes = [1], strides = [1]} : vector<16xf32> to vector<1xf32>
          %squeeze3A_1653 = vector.extract %slice3A_1652[0] : f32 from vector<1xf32>
          %mul3A_1654 = vector.broadcast %squeeze3A_1653 : f32 to vector<16xf32>
          %mul3A_1655 = arith.mulf %gather3A_1505, %mul3A_1654 : vector<16xf32>
          %slice3A_1656 = vector.extract_strided_slice %sub3A_457 {offsets = [13], sizes = [1], strides = [1]} : vector<16xf32> to vector<1xf32>
          %squeeze3A_1657 = vector.extract %slice3A_1656[0] : f32 from vector<1xf32>
          %mul3A_1658 = vector.broadcast %squeeze3A_1657 : f32 to vector<16xf32>
          %mul3A_1659 = arith.mulf %gather3A_1510, %mul3A_1658 : vector<16xf32>
          %add3A_1660 = arith.addf %mul3A_1631, %mul3A_1635 : vector<16xf32>
          %add3A_1661 = arith.addf %mul3A_1639, %mul3A_1643 : vector<16xf32>
          %add3A_1662 = arith.addf %mul3A_1647, %mul3A_1651 : vector<16xf32>
          %add3A_1663 = arith.addf %mul3A_1655, %mul3A_1659 : vector<16xf32>
          %add3A_1664 = arith.addf %add3A_1660, %add3A_1661 : vector<16xf32>
          %add3A_1665 = arith.addf %add3A_1662, %add3A_1663 : vector<16xf32>
          %add3A_1666 = arith.addf %add3A_1664, %add3A_1665 : vector<16xf32>
          %add3A_1667 = arith.constant 13 : i32
          %add3A_1668 = arith.addi %mul3A_459, %add3A_1667 : i32
          %mul3A_1669 = arith.constant 16 : i32
          %mul3A_1670 = arith.muli %scan3A_283, %mul3A_1669 : i32
          %swap3A_1671 = arith.index_cast %select_n3A_254 : i32 to index
          %swap3A_1672 = arith.index_cast %add3A_1668 : i32 to index
          %swap3A_1673 = arith.index_cast %mul3A_1670 : i32 to index
          %swap3A_1674 = tpu.vector_load %arg7[%swap3A_1671, %swap3A_1672, %swap3A_1673] {strides = array<i32>} : memref<2x128x128xf32, #tpu.memory_space<vmem>>, vector<16xf32>,
          tpu.vector_store %arg7[%swap3A_1671, %swap3A_1672, %swap3A_1673], %add3A_1666 {strides = array<i32>} : memref<2x128x128xf32, #tpu.memory_space<vmem>>, vector<16xf32>,
          %slice3A_1675 = vector.extract_strided_slice %min3A_401 {offsets = [14], sizes = [1], strides = [1]} : vector<16xf32> to vector<1xf32>
          %squeeze3A_1676 = vector.extract %slice3A_1675[0] : f32 from vector<1xf32>
          %mul3A_1677 = vector.broadcast %squeeze3A_1676 : f32 to vector<16xf32>
          %mul3A_1678 = arith.mulf %gather3A, %mul3A_1677 : vector<16xf32>
          %slice3A_1679 = vector.extract_strided_slice %sub3A_445 {offsets = [14], sizes = [1], strides = [1]} : vector<16xf32> to vector<1xf32>
          %squeeze3A_1680 = vector.extract %slice3A_1679[0] : f32 from vector<1xf32>
          %mul3A_1681 = vector.broadcast %squeeze3A_1680 : f32 to vector<16xf32>
          %mul3A_1682 = arith.mulf %gather3A_1515, %mul3A_1681 : vector<16xf32>
          %slice3A_1683 = vector.extract_strided_slice %sub3A_447 {offsets = [14], sizes = [1], strides = [1]} : vector<16xf32> to vector<1xf32>
          %squeeze3A_1684 = vector.extract %slice3A_1683[0] : f32 from vector<1xf32>
          %mul3A_1685 = vector.broadcast %squeeze3A_1684 : f32 to vector<16xf32>
          %mul3A_1686 = arith.mulf %gather3A_1520, %mul3A_1685 : vector<16xf32>
          %slice3A_1687 = vector.extract_strided_slice %sub3A_449 {offsets = [14], sizes = [1], strides = [1]} : vector<16xf32> to vector<1xf32>
          %squeeze3A_1688 = vector.extract %slice3A_1687[0] : f32 from vector<1xf32>
          %mul3A_1689 = vector.broadcast %squeeze3A_1688 : f32 to vector<16xf32>
          %mul3A_1690 = arith.mulf %gather3A_1525, %mul3A_1689 : vector<16xf32>
          %slice3A_1691 = vector.extract_strided_slice %sub3A_451 {offsets = [14], sizes = [1], strides = [1]} : vector<16xf32> to vector<1xf32>
          %squeeze3A_1692 = vector.extract %slice3A_1691[0] : f32 from vector<1xf32>
          %mul3A_1693 = vector.broadcast %squeeze3A_1692 : f32 to vector<16xf32>
          %mul3A_1694 = arith.mulf %gather3A_1530, %mul3A_1693 : vector<16xf32>
          %slice3A_1695 = vector.extract_strided_slice %sub3A_453 {offsets = [14], sizes = [1], strides = [1]} : vector<16xf32> to vector<1xf32>
          %squeeze3A_1696 = vector.extract %slice3A_1695[0] : f32 from vector<1xf32>
          %mul3A_1697 = vector.broadcast %squeeze3A_1696 : f32 to vector<16xf32>
          %mul3A_1698 = arith.mulf %gather3A_1535, %mul3A_1697 : vector<16xf32>
          %slice3A_1699 = vector.extract_strided_slice %sub3A_455 {offsets = [14], sizes = [1], strides = [1]} : vector<16xf32> to vector<1xf32>
          %squeeze3A_1700 = vector.extract %slice3A_1699[0] : f32 from vector<1xf32>
          %mul3A_1701 = vector.broadcast %squeeze3A_1700 : f32 to vector<16xf32>
          %mul3A_1702 = arith.mulf %gather3A_1540, %mul3A_1701 : vector<16xf32>
          %slice3A_1703 = vector.extract_strided_slice %sub3A_457 {offsets = [14], sizes = [1], strides = [1]} : vector<16xf32> to vector<1xf32>
          %squeeze3A_1704 = vector.extract %slice3A_1703[0] : f32 from vector<1xf32>
          %mul3A_1705 = vector.broadcast %squeeze3A_1704 : f32 to vector<16xf32>
          %mul3A_1706 = arith.mulf %gather3A_1545, %mul3A_1705 : vector<16xf32>
          %add3A_1707 = arith.addf %mul3A_1678, %mul3A_1682 : vector<16xf32>
          %add3A_1708 = arith.addf %mul3A_1686, %mul3A_1690 : vector<16xf32>
          %add3A_1709 = arith.addf %mul3A_1694, %mul3A_1698 : vector<16xf32>
          %add3A_1710 = arith.addf %mul3A_1702, %mul3A_1706 : vector<16xf32>
          %add3A_1711 = arith.addf %add3A_1707, %add3A_1708 : vector<16xf32>
          %add3A_1712 = arith.addf %add3A_1709, %add3A_1710 : vector<16xf32>
          %add3A_1713 = arith.addf %add3A_1711, %add3A_1712 : vector<16xf32>
          %add3A_1714 = arith.constant 14 : i32
          %add3A_1715 = arith.addi %mul3A_459, %add3A_1714 : i32
          %mul3A_1716 = arith.constant 16 : i32
          %mul3A_1717 = arith.muli %scan3A_283, %mul3A_1716 : i32
          %swap3A_1718 = arith.index_cast %select_n3A_254 : i32 to index
          %swap3A_1719 = arith.index_cast %add3A_1715 : i32 to index
          %swap3A_1720 = arith.index_cast %mul3A_1717 : i32 to index
          %swap3A_1721 = tpu.vector_load %arg7[%swap3A_1718, %swap3A_1719, %swap3A_1720] {strides = array<i32>} : memref<2x128x128xf32, #tpu.memory_space<vmem>>, vector<16xf32>,
          tpu.vector_store %arg7[%swap3A_1718, %swap3A_1719, %swap3A_1720], %add3A_1713 {strides = array<i32>} : memref<2x128x128xf32, #tpu.memory_space<vmem>>, vector<16xf32>,
          %slice3A_1722 = vector.extract_strided_slice %min3A_401 {offsets = [15], sizes = [1], strides = [1]} : vector<16xf32> to vector<1xf32>
          %squeeze3A_1723 = vector.extract %slice3A_1722[0] : f32 from vector<1xf32>
          %mul3A_1724 = vector.broadcast %squeeze3A_1723 : f32 to vector<16xf32>
          %mul3A_1725 = arith.mulf %gather3A, %mul3A_1724 : vector<16xf32>
          %slice3A_1726 = vector.extract_strided_slice %sub3A_445 {offsets = [15], sizes = [1], strides = [1]} : vector<16xf32> to vector<1xf32>
          %squeeze3A_1727 = vector.extract %slice3A_1726[0] : f32 from vector<1xf32>
          %mul3A_1728 = vector.broadcast %squeeze3A_1727 : f32 to vector<16xf32>
          %mul3A_1729 = arith.mulf %gather3A_1550, %mul3A_1728 : vector<16xf32>
          %slice3A_1730 = vector.extract_strided_slice %sub3A_447 {offsets = [15], sizes = [1], strides = [1]} : vector<16xf32> to vector<1xf32>
          %squeeze3A_1731 = vector.extract %slice3A_1730[0] : f32 from vector<1xf32>
          %mul3A_1732 = vector.broadcast %squeeze3A_1731 : f32 to vector<16xf32>
          %mul3A_1733 = arith.mulf %gather3A_1555, %mul3A_1732 : vector<16xf32>
          %slice3A_1734 = vector.extract_strided_slice %sub3A_449 {offsets = [15], sizes = [1], strides = [1]} : vector<16xf32> to vector<1xf32>
          %squeeze3A_1735 = vector.extract %slice3A_1734[0] : f32 from vector<1xf32>
          %mul3A_1736 = vector.broadcast %squeeze3A_1735 : f32 to vector<16xf32>
          %mul3A_1737 = arith.mulf %gather3A_1560, %mul3A_1736 : vector<16xf32>
          %slice3A_1738 = vector.extract_strided_slice %sub3A_451 {offsets = [15], sizes = [1], strides = [1]} : vector<16xf32> to vector<1xf32>
          %squeeze3A_1739 = vector.extract %slice3A_1738[0] : f32 from vector<1xf32>
          %mul3A_1740 = vector.broadcast %squeeze3A_1739 : f32 to vector<16xf32>
          %mul3A_1741 = arith.mulf %gather3A_1565, %mul3A_1740 : vector<16xf32>
          %slice3A_1742 = vector.extract_strided_slice %sub3A_453 {offsets = [15], sizes = [1], strides = [1]} : vector<16xf32> to vector<1xf32>
          %squeeze3A_1743 = vector.extract %slice3A_1742[0] : f32 from vector<1xf32>
          %mul3A_1744 = vector.broadcast %squeeze3A_1743 : f32 to vector<16xf32>
          %mul3A_1745 = arith.mulf %gather3A_1570, %mul3A_1744 : vector<16xf32>
          %slice3A_1746 = vector.extract_strided_slice %sub3A_455 {offsets = [15], sizes = [1], strides = [1]} : vector<16xf32> to vector<1xf32>
          %squeeze3A_1747 = vector.extract %slice3A_1746[0] : f32 from vector<1xf32>
          %mul3A_1748 = vector.broadcast %squeeze3A_1747 : f32 to vector<16xf32>
          %mul3A_1749 = arith.mulf %gather3A_1575, %mul3A_1748 : vector<16xf32>
          %slice3A_1750 = vector.extract_strided_slice %sub3A_457 {offsets = [15], sizes = [1], strides = [1]} : vector<16xf32> to vector<1xf32>
          %squeeze3A_1751 = vector.extract %slice3A_1750[0] : f32 from vector<1xf32>
          %mul3A_1752 = vector.broadcast %squeeze3A_1751 : f32 to vector<16xf32>
          %mul3A_1753 = arith.mulf %gather3A_1580, %mul3A_1752 : vector<16xf32>
          %add3A_1754 = arith.addf %mul3A_1725, %mul3A_1729 : vector<16xf32>
          %add3A_1755 = arith.addf %mul3A_1733, %mul3A_1737 : vector<16xf32>
          %add3A_1756 = arith.addf %mul3A_1741, %mul3A_1745 : vector<16xf32>
          %add3A_1757 = arith.addf %mul3A_1749, %mul3A_1753 : vector<16xf32>
          %add3A_1758 = arith.addf %add3A_1754, %add3A_1755 : vector<16xf32>
          %add3A_1759 = arith.addf %add3A_1756, %add3A_1757 : vector<16xf32>
          %add3A_1760 = arith.addf %add3A_1758, %add3A_1759 : vector<16xf32>
          %add3A_1761 = arith.constant 15 : i32
          %add3A_1762 = arith.addi %mul3A_459, %add3A_1761 : i32
          %mul3A_1763 = arith.constant 16 : i32
          %mul3A_1764 = arith.muli %scan3A_283, %mul3A_1763 : i32
          %swap3A_1765 = arith.index_cast %select_n3A_254 : i32 to index
          %swap3A_1766 = arith.index_cast %add3A_1762 : i32 to index
          %swap3A_1767 = arith.index_cast %mul3A_1764 : i32 to index
          %swap3A_1768 = tpu.vector_load %arg7[%swap3A_1765, %swap3A_1766, %swap3A_1767] {strides = array<i32>} : memref<2x128x128xf32, #tpu.memory_space<vmem>>, vector<16xf32>,
          tpu.vector_store %arg7[%swap3A_1765, %swap3A_1766, %swap3A_1767], %add3A_1760 {strides = array<i32>} : memref<2x128x128xf32, #tpu.memory_space<vmem>>, vector<16xf32>,
        }
        %scan3A_296 = arith.constant 8 : i32
      }
      %scan3A_266 = arith.constant 8 : i32
      %mul3A_267 = arith.constant 128 : i32
      %mul3A_268 = arith.muli %scan3A_245, %mul3A_267 : i32
      %mul3A_269 = arith.constant 8 : i32
      %mul3A_270 = arith.muli %add3A, %mul3A_269 : i32
      %mul3A_271 = arith.constant 16 : i32
      %mul3A_272 = arith.muli %mul3A_270, %mul3A_271 : i32
      %dma_start3A_273 = arith.constant 0 : i32
      %dma_start3A_274 = arith.constant 0 : i32
      %dma_start3A_275 = tpu.memref_slice %arg7[%select_n3A_254, %dma_start3A_273, %dma_start3A_274] : memref<2x128x128xf32, #tpu.memory_space<vmem>> -> memref<1x128x128xf32, #tpu.memory_space<vmem>>
      %dma_start3A_276 = tpu.memref_squeeze %dma_start3A_275 : memref<1x128x128xf32, #tpu.memory_space<vmem>> -> memref<128x128xf32, #tpu.memory_space<vmem>>
      %dma_start3A_277 = tpu.memref_slice %arg4[%mul3A_268, %mul3A_272] : memref<1024x4096xf32, #tpu.memory_space<hbm>> -> memref<128x128xf32, #tpu.memory_space<hbm>>
      %dma_start3A_278 = tpu.memref_slice %arg4[%mul3A_268, %mul3A_272] : memref<1024x4096xf32, #tpu.memory_space<hbm>> -> memref<128x128xf32, #tpu.memory_space<hbm>>
      %dma_start3A_279 = arith.constant 0 : i32
      %dma_start3A_280 = arith.constant 0 : i32
      %dma_start3A_281 = tpu.memref_slice %arg7[%select_n3A_254, %dma_start3A_279, %dma_start3A_280] : memref<2x128x128xf32, #tpu.memory_space<vmem>> -> memref<1x128x128xf32, #tpu.memory_space<vmem>>
      %dma_start3A_282 = tpu.memref_squeeze %dma_start3A_281 : memref<1x128x128xf32, #tpu.memory_space<vmem>> -> memref<128x128xf32, #tpu.memory_space<vmem>>
      tpu.enqueue_dma source(%dma_start3A_282 : memref<128x128xf32, #tpu.memory_space<vmem>>) target(%dma_start3A_278 : memref<128x128xf32, #tpu.memory_space<hbm>>) target_semaphore(%arg9 : memref<!tpu.dma_semaphore, #tpu.memory_space<semaphore_mem>>)
    }
    %scan3A_210 = arith.constant 8 : i32
    %mul3A_211 = arith.constant 8 : i32
    %mul3A_212 = arith.muli %add3A, %mul3A_211 : i32
    %mul3A_213 = arith.constant 16 : i32
    %mul3A_214 = arith.muli %mul3A_212, %mul3A_213 : i32
    %dma_wait3A_215 = arith.constant 0 : i32
    %dma_wait3A_216 = arith.constant 0 : i32
    %dma_wait3A_217 = arith.constant 0 : i32
    %dma_wait3A_218 = tpu.memref_slice %arg7[%dma_wait3A_215, %dma_wait3A_216, %dma_wait3A_217] : memref<2x128x128xf32, #tpu.memory_space<vmem>> -> memref<1x128x128xf32, #tpu.memory_space<vmem>>
    %dma_wait3A_219 = tpu.memref_squeeze %dma_wait3A_218 : memref<1x128x128xf32, #tpu.memory_space<vmem>> -> memref<128x128xf32, #tpu.memory_space<vmem>>
    %dma_wait3A_220 = arith.constant 768 : i32
    %dma_wait3A_221 = tpu.memref_slice %arg4[%dma_wait3A_220, %mul3A_214] : memref<1024x4096xf32, #tpu.memory_space<hbm>> -> memref<128x128xf32, #tpu.memory_space<hbm>>
    %dma_wait3A_222 = arith.constant 768 : i32
    %dma_wait3A_223 = tpu.memref_slice %arg4[%dma_wait3A_222, %mul3A_214] : memref<1024x4096xf32, #tpu.memory_space<hbm>> -> memref<128x128xf32, #tpu.memory_space<hbm>>
    %dma_wait3A_224 = arith.constant 0 : i32
    %dma_wait3A_225 = arith.constant 0 : i32
    %dma_wait3A_226 = tpu.memref_slice %arg7[%dma_wait3A_215, %dma_wait3A_224, %dma_wait3A_225] : memref<2x128x128xf32, #tpu.memory_space<vmem>> -> memref<1x128x128xf32, #tpu.memory_space<vmem>>
    %dma_wait3A_227 = tpu.memref_squeeze %dma_wait3A_226 : memref<1x128x128xf32, #tpu.memory_space<vmem>> -> memref<128x128xf32, #tpu.memory_space<vmem>>
    tpu.wait_dma2 semaphore(%arg9 : memref<!tpu.dma_semaphore, #tpu.memory_space<semaphore_mem>>) src(%dma_wait3A_227 : memref<128x128xf32, #tpu.memory_space<vmem>>) dst(%dma_wait3A_223 : memref<128x128xf32, #tpu.memory_space<hbm>>)
    %mul3A_228 = arith.constant 8 : i32
    %mul3A_229 = arith.muli %add3A, %mul3A_228 : i32
    %mul3A_230 = arith.constant 16 : i32
    %mul3A_231 = arith.muli %mul3A_229, %mul3A_230 : i32
    %dma_wait3A_232 = arith.constant 1 : i32
    %dma_wait3A_233 = arith.constant 0 : i32
    %dma_wait3A_234 = arith.constant 0 : i32
    %dma_wait3A_235 = tpu.memref_slice %arg7[%dma_wait3A_232, %dma_wait3A_233, %dma_wait3A_234] : memref<2x128x128xf32, #tpu.memory_space<vmem>> -> memref<1x128x128xf32, #tpu.memory_space<vmem>>
    %dma_wait3A_236 = tpu.memref_squeeze %dma_wait3A_235 : memref<1x128x128xf32, #tpu.memory_space<vmem>> -> memref<128x128xf32, #tpu.memory_space<vmem>>
    %dma_wait3A_237 = arith.constant 896 : i32
    %dma_wait3A_238 = tpu.memref_slice %arg4[%dma_wait3A_237, %mul3A_231] : memref<1024x4096xf32, #tpu.memory_space<hbm>> -> memref<128x128xf32, #tpu.memory_space<hbm>>
    %dma_wait3A_239 = arith.constant 896 : i32
    %dma_wait3A_240 = tpu.memref_slice %arg4[%dma_wait3A_239, %mul3A_231] : memref<1024x4096xf32, #tpu.memory_space<hbm>> -> memref<128x128xf32, #tpu.memory_space<hbm>>
    %dma_wait3A_241 = arith.constant 0 : i32
    %dma_wait3A_242 = arith.constant 0 : i32
    %dma_wait3A_243 = tpu.memref_slice %arg7[%dma_wait3A_232, %dma_wait3A_241, %dma_wait3A_242] : memref<2x128x128xf32, #tpu.memory_space<vmem>> -> memref<1x128x128xf32, #tpu.memory_space<vmem>>
    %dma_wait3A_244 = tpu.memref_squeeze %dma_wait3A_243 : memref<1x128x128xf32, #tpu.memory_space<vmem>> -> memref<128x128xf32, #tpu.memory_space<vmem>>
    tpu.wait_dma2 semaphore(%arg9 : memref<!tpu.dma_semaphore, #tpu.memory_space<semaphore_mem>>) src(%dma_wait3A_244 : memref<128x128xf32, #tpu.memory_space<vmem>>) dst(%dma_wait3A_240 : memref<128x128xf32, #tpu.memory_space<hbm>>)
    return
  }
}

</mosaic_0001>

<sc_bundles>
// kernel: kernel.3.cloned.1.call-start
scs
__scs_entry_jumppad:
0x0: {  	(pc) =	sbr.rel $0x88, $3  }
0x1: {  	(tag) =	ssettag $0x0;
	lr =	simm.s32 $0x1  }
0x2: {  	[smem:$0x3F9F] =	sst lr;
	_ =	strace $0xD0000000  }
0x3: {  	_ = 	snop  }
0x4: {  	_ = 	snop  }
0x5: {  	_ = 	snop  }
0x6: {  	_ = 	snop  }
0x7: {  	_ = 	snop  }
__scs_overlays_trampoline_lowered:
0x8: {  	[smem:$0x3FAE] =	sst s0  }
0x9: {  	[smem:$0x3FAF] =	sst s1  }
0xa: {  	[smem:$0x3FB0] =	sst s2  }
0xb: {  	[smem:$0x3FB1] =	sst s3  }
0xc: {  	[smem:$0x3FB2] =	sst s4  }
0xd: {  	[smem:$0x3FB3] =	sst s5  }
0xe: {  	[smem:$0x3FB4] =	sst s6  }
0xf: {  	[smem:$0x3FB5] =	sst s7  }
0x10: {  	[smem:$0x3FB6] =	sst s8  }
0x11: {  	[smem:$0x3FB7] =	sst s9;
	s0 =	simm.s32 @!p0 $0x0  }
0x12: {  	s1 =	sld [smem:$0x3F9D];
	s0 =	simm.s32 @p0 $0x1  }
0x13: {  	[smem:$0x3FB8] =	sst s0;
	s0 =	simm.s32 @!p1 $0x0  }
0x14: {  	s2 =	sld [smem:$0x3F9C];
	s0 =	simm.s32 @p1 $0x1  }
0x15: {  	[smem:$0x3FB9] =	sst s0;
	s0 =	simm.s32 @!p2 $0x0  }
0x16: {  	s3 =	sld [smem:$0x3FDB];
	s0 =	simm.s32 @p2 $0x1  }
0x17: {  	s4 =	simm.s32 $0x1BF5;
	[smem:$0x3FBB] =	sst s0  }
0x18: {  	s0 =	sld [smem:$0x3F9E];
	_ =	swait.ge [sflag:s4], $0x0  }
0x19: {  	s7 =	sld [smem:$0x3F9F]  }
0x1a: {  	s8 =	sadd.s32 $0xFFFFE003, lr  }
0x1b: {  	s9 =	sadd.s32 $0xFFFFFEF7, lr;
	s5 =	simm.s32 $0xFFFFFFFF;
	p2 =	slt.u32 s8, $0xFFFFF086  }
0x1c: {  	p1 =	slt.u32 s9, $0xF7A;
	s5 =	simm.s32 @!p2 $0x0  }
0x1d: {  	s5 =	simm.s32 @p1 $0x1;
	p0 =	seq.s32 s7, s2  }
0x1e: {  	s7 =	smul.u32 @!p0 $0xF7A, s2;
	p2 =	seq.s32 @!p0 s5, $0x0  }
0x1f: {  	s9 =	smul.u32 $0xF7A, s1;
	s8 =	simm.s32 @!p0 $0x1BF5;
	p2 =	por !p2, p0  }
0x20: {  	[sflag:s8] =	ssyncset.s32 @!p0 $0xFFFFF086;
	s6 =	sadd.s32 @!p0 s3, s7;
	s7 =	simm.s32 @!p0 $0x108  }
0x21: {  	s3 =	sadd.s32 s3, s9;
	s6 =	sadd.s32 @!p0 $0x88, s6;
	s7 =	simm.s32 @p2 $0x1082  }
0x22: {  	[simem:s7], [sflag:s8] =	dma.local @!p0 [hbm:s6], $0xF7A  }
0x23: {  	s9 =	sor.u32 $0xD0000000, s2;
	s6 =	simm.s32 $0x108;
	_ =	swait.ge @!p0 [sflag:s8], $0x0  }
0x24: {  	s3 =	sadd.s32 $0x88, s3;
	s6 =	simm.s32 @!p1 $0x1082;
	[sflag:s4] =	ssyncset.s32 $0xFFFFF086  }
0x25: {  	[simem:s6], [sflag:s4] =	dma.local [hbm:s3], $0xF7A  }
0x26: {  	[smem:$0x3F9F] =	sst s1;
	(tag) =	ssettag s2;
	_ =	strace s9  }
0x27: {  	s1 =	sld [smem:$0x3FAF]  }
0x28: {  	s2 =	sld [smem:$0x3FB0]  }
0x29: {  	s4 =	sld [smem:$0x3FB2]  }
0x2a: {  	p0 =	seq.s32 s5, $0x0;
	s5 =	sld [smem:$0x3FB3]  }
0x2b: {  	s6 =	sld [smem:$0x3FB4]  }
0x2c: {  	s7 =	sld [smem:$0x3FB5]  }
0x2d: {  	s3 =	simm.s32 $0x108;
	s8 =	sld [smem:$0x3FB6]  }
0x2e: {  	s3 =	simm.s32 @!p0 $0x1082;
	s9 =	sld [smem:$0x3FB7]  }
0x2f: {  	lr =	sadd.s32 s0, s3;
	s0 =	sld [smem:$0x3FAE]  }
0x30: {  	s3 =	sld [smem:$0x3FB1]  }
0x31: {  	[smem:$0x3FBA] =	sst s10  }
0x32: {  	s10 =	sld [smem:$0x3FB8];
	_ =	sdelay $0x3  }
0x33: {  	p0 =	seq.s32 s10, $0x1;
	s10 =	sld [smem:$0x3FBA];
	_ =	sdelay $0x3  }
0x34: {  	[smem:$0x3FBA] =	sst s10  }
0x35: {  	s10 =	sld [smem:$0x3FB9];
	_ =	sdelay $0x3  }
0x36: {  	p1 =	seq.s32 s10, $0x1;
	s10 =	sld [smem:$0x3FBA];
	_ =	sdelay $0x3  }
0x37: {  	[smem:$0x3FBA] =	sst s10  }
0x38: {  	s10 =	sld [smem:$0x3FBB]  }
0x39: {  	_ = 	snop;
	(pc) =	sbr.ind lr, $3  }
0x3a: {  	_ = 	snop  }
0x3b: {  	_ = 	snop  }
0x3c: {  	p2 =	seq.s32 s10, $0x1;
	s10 =	sld [smem:$0x3FBA]  }
0x3d: {  	_ =	shalt  }
0x3e: {  	_ =	shalt  }
0x3f: {  	_ =	shalt  }
0x40: {  	_ =	shalt  }
0x41: {  	_ =	shalt  }
0x42: {  	_ =	shalt  }
0x43: {  	_ =	shalt  }
0x44: {  	_ =	shalt  }
0x45: {  	_ =	shalt  }
0x46: {  	_ =	shalt  }
0x47: {  	_ =	shalt  }
0x48: {  	_ =	shalt  }
0x49: {  	_ =	shalt  }
0x4a: {  	_ =	shalt  }
0x4b: {  	_ =	shalt  }
0x4c: {  	_ =	shalt  }
0x4d: {  	_ =	shalt  }
0x4e: {  	_ =	shalt  }
0x4f: {  	_ =	shalt  }
0x50: {  	_ =	shalt  }
0x51: {  	_ =	shalt  }
0x52: {  	_ =	shalt  }
0x53: {  	_ =	shalt  }
0x54: {  	_ =	shalt  }
0x55: {  	_ =	shalt  }
0x56: {  	_ =	shalt  }
0x57: {  	_ =	shalt  }
0x58: {  	_ =	shalt  }
0x59: {  	_ =	shalt  }
0x5a: {  	_ =	shalt  }
0x5b: {  	_ =	shalt  }
0x5c: {  	_ =	shalt  }
0x5d: {  	_ =	shalt  }
0x5e: {  	_ =	shalt  }
0x5f: {  	_ =	shalt  }
0x60: {  	_ =	shalt  }
0x61: {  	_ =	shalt  }
0x62: {  	_ =	shalt  }
0x63: {  	_ =	shalt  }
0x64: {  	_ =	shalt  }
0x65: {  	_ =	shalt  }
0x66: {  	_ =	shalt  }
0x67: {  	_ =	shalt  }
0x68: {  	_ =	shalt  }
0x69: {  	_ =	shalt  }
0x6a: {  	_ =	shalt  }
0x6b: {  	_ =	shalt  }
0x6c: {  	_ =	shalt  }
0x6d: {  	_ =	shalt  }
0x6e: {  	_ =	shalt  }
0x6f: {  	_ =	shalt  }
0x70: {  	_ =	shalt  }
0x71: {  	_ =	shalt  }
0x72: {  	_ =	shalt  }
0x73: {  	_ =	shalt  }
0x74: {  	_ =	shalt  }
0x75: {  	_ =	shalt  }
0x76: {  	_ =	shalt  }
0x77: {  	_ =	shalt  }
0x78: {  	_ =	shalt  }
0x79: {  	_ =	shalt  }
0x7a: {  	_ =	shalt  }
0x7b: {  	_ =	shalt  }
0x7c: {  	_ =	shalt  }
0x7d: {  	_ =	shalt  }
0x7e: {  	_ =	shalt  }
0x7f: {  	_ =	shalt  }
0x80: {  	_ =	shalt  }
0x81: {  	_ =	shalt  }
0x82: {  	_ =	shalt  }
0x83: {  	_ =	shalt  }
0x84: {  	_ =	shalt  }
0x85: {  	_ =	shalt  }
0x86: {  	_ =	shalt  }
0x87: {  	_ =	shalt  }
.Lfunc_end0:
.L_simem_size_0:
called_computation_lowered:
.L_overlay_start_0:
0x88: {  	s2 =	sld [smem:$0x3FD9]  }
0x89: {  	s3 =	sld [smem:$0x3FFE];
	_ =	sdelay $0x1  }
0x8a: {  	s1 =	srdreg.scid  }
0x8b: {  	s0 =	sand.u32 $0x1, s1  }
0x8c: {  	s17 =	sshll.u32 s0, $0xA;
	s2 =	sadd.s32 s3, s2  }
0x8d: {  	s2 =	sadd.s32 s2, s17  }
0x8e: {  	[smem:$0x3FC6] =	sst s2  }
0x8f: {  	_ = 	snop  }
0x90: {  	s2 =	sld [smem:$0x3FD0];
	(tm) =	ssettm $0x1  }
0x91: {  	s18 =	sld [smem:$0x3FFB];
	_ =	sdelay $0x3  }
0x92: {  	_ =	strace s18  }
0x93: {  	s3 =	sld [smem:$0x3FFC];
	_ =	sdelay $0x3  }
0x94: {  	_ =	strace s3  }
0x95: {  	s3 =	sld [smem:$0x3FFD];
	_ =	sdelay $0x3  }
0x96: {  	_ =	strace s3  }
0x97: {  	_ =	strace $0x8FFFFFFF  }
0x98: {  	s19 =	sld [smem:$0x3FDB];
	_ =	sdelay $0x1  }
0x99: {  	s4 =	simm.s32 $_scs_section_size  }
0x9a: {  	s5 =	simm.s32 $_size__tile_overlayer_lowered;
	s6 =	simm.s32 $_tile_overlayer_lowered  }
0x9b: {  	s22 =	simm.s32 $0x1BFF;
	s21 =	sshll.u32 s6, $0x1;
	s3 =	sadd.s32 s4, s19  }
0x9c: {  	s7 =	simm.s32 $0x0;
	s20 =	sshll.u32 s5, $0x1;
	s5 =	sadd.s32 s21, s3  }
0x9d: {  	[timem:s7], [sflag:s22] =	dma.local [hbm:s5], s20  }
0x9e: {  	_ =	swait.ge [sflag:s22], s20  }
0x9f: {  	s4 =	ssub.s32 $0x0, s20;
	[sflag:s22] =	ssyncset.done $0x0  }
0xa0: {  	[sflag:s22] =	ssyncadd.s32 s4;
	_ =	sdelay $0x1  }
0xa1: {  	s23 =	simm.s32 $0x1B8B  }
0xa2: {  	_ =	swait.ge [sflag:s23], $0x1  }
0xa3: {  	[sflag:s23] =	ssyncset.done $0x0  }
0xa4: {  	s25 =	simm.s32 $0x1B8E;
	s24 =	sld [smem:$0x3FFE];
	[sflag:s23] =	ssyncadd.s32 $0xFFFFFFFF  }
0xa5: {  	s26 =	simm.s32 $execute0_lowered;
	[smem:$0x3FD2] =	sst s25  }
0xa6: {  	s5 =	sshll.u32 s26, $0x1;
	_ =	strace $0x80000046;
	[dreg:$0x1] =	wrdreg $0xFFFFFFFF  }
0xa7: {  	s28 =	simm.s32 $_size_execute0_lowered;
	s3 =	sadd.s32 s3, s5;
	[dreg:$0x0] =	wrdreg $0x0  }
0xa8: {  	s5 =	sshll.u32 s28, $0x1;
	[dreg:$0x2] =	wrdreg s3  }
0xa9: {  	[dreg:$0x3] =	wrdreg s5  }
0xaa: {  	[dreg:$0x4] =	wrdreg $0xC0  }
0xab: {  	_ =	task [dreg:s7], $0x5FFFF  }
0xac: {  	[dreg:$0x1] =	wrdreg $0xFFFFFFFF  }
0xad: {  	[dreg:$0x0] =	wrdreg $0x60  }
0xae: {  	[dreg:$0x2] =	wrdreg s24  }
0xaf: {  	[dreg:$0x3] =	wrdreg s2  }
0xb0: {  	[dreg:$0x4] =	wrdreg $0x9  }
0xb1: {  	_ =	task.clear_ibuf [dreg:s7], $0x5FFFF;
	_ =	strace $0x90000046  }
0xb2: {  	s29 =	simm.s32 $0x9;
	_ =	strace $0x80000048  }
0xb3: {  	_ =	swait.ge [sflag:s29], $0x1  }
0xb4: {  	[sflag:s29] =	ssyncadd.s32 $0xFFFFFFFF  }
0xb5: {  	_ =	strace $0x90000048  }
0xb6: {  	_ =	sfence  }
0xb7: {  	s30 =	sld [smem:$0x0];
	_ =	sdelay $0x2  }
0xb8: {  	s31 =	sshll.u32 s1, $0xD;
	s1 =	sshrl.u32 s1, $0x2  }
0xb9: {  	s3 =	sand.u32 $0x4000, s31;
	s1 =	sadd.s32 s1, s30  }
0xba: {  	s0 =	sor.u32 s3, s0;
	s1 =	sshll.u32 s1, $0x11  }
0xbb: {  	s0 =	sor.u32 s1, s0  }
0xbc: {  	s0 =	sadd.s32 $0x8F2B, s0  }
0xbd: {  	[sflag:s0] =	ssyncadd.remote.s32 $0x1  }
0xbe: {  	_ =	sfence.sel $0xFFFF  }
0xbf: {  	[dreg:$0x0] =	wrdreg $0xFFFFFFFF;
	(pc) =	sbr.abs _section_cstart, $3  }
0xc0: {  	[dreg:$0x1] =	wrdreg $0xFFFFFFFF  }
0xc1: {  	_ =	task.clear_ibuf [dreg:s7], $0x2FFFF;
	_ =	strace $0x9FFFFFFF  }
0xc2: {  	(tm) =	ssettm $0x7FFFFFFF  }
0xc3: {  	_ =	shalt  }
tec
execute0_lowered:
.L_overlay_start_1:
0x0: {  	(tag) =	ssettag $0x1  }
0x1: {  	s0 =	rddreg [dreg:$0x0]  }
0x2: {  	s1 =	rddreg [dreg:$0x1];
	s3 =	srdreg.scid  }
0x3: {  	s2 =	simm.s32 $0x0;
	s5 =	stileid.u32;
	s14 =	simm.s32 $0x80  }
0x4: {  	s15 =	simm.s32 $0x400;
	s16 =	simm.s32 $0x2000;
	s21 =	simm.s32 $0x7000  }
0x5: {  	s22 =	simm.s32 $0x8000;
	s23 =	simm.s32 $0x9000;
	s24 =	simm.s32 $0x1  }
0x6: {  	s25 =	simm.s32 $0x3;
	s26 =	simm.s32 $0x2;
	s3 =	sand.u32 $0x1, s3  }
0x7: {  	s28 =	simm.s32 $0x0;
	[smem:$0x7FF] =	sst s2;
	s4 =	sshll.u32 s3, $0x4  }
0x8: {  	_ =	strace $0x80000047;
	s3 =	ssub.s32 $0x2, s3;
	s10 =	sor.u32 s5, s4  }
0x9: {  	s31 =	sshrl.u32 s3, $0x1;
	s4 =	sshll.u32 s10, $0xD;
	s5 =	sshll.u32 s10, $0xC  }
0xa: {  	s13 =	ssub.s32 s3, s31;
	s12 =	sshll.u32 s10, $0x7;
	s11 =	sadd.s32 s4, s0  }
0xb: {  	v0 =	vlaneseq.u32;
	s0 =	sadd.s32 s5, s0;
	s12 =	sadd.s32 s1, s12;
	s13 =	smax.u32 s13, $0x1  }
0xc: {  	v2 =	vimm.s32 $0x20;
	v3 =	vimm.s32 $0x10;
	v4 =	vimm.s32 $0x80;
	s3 =	sadd.s32 $0xC00, s0;
	s4 =	sadd.s32 $0xC10, s0;
	s5 =	sadd.s32 $0xC20, s0  }
0xd: {  	v5 =	vimm.s32 $0x40;
	v6 =	vimm.s32 $0x200;
	v7 =	vimm.s32 $0x100;
	s6 =	sadd.s32 $0xC30, s0;
	s7 =	sadd.s32 $0xC40, s0;
	s8 =	sadd.s32 $0xC50, s0  }
0xe: {  	v8 =	vimm.s32 $0x800;
	v9 =	vimm.s32 $0x400;
	v1 =	vor.u32 $0x70, v0;
	s9 =	sadd.s32 $0xC60, s0;
	s10 =	sadd.s32 $0xC70, s0;
	s11 =	sadd.s32 $0x20C00, s11  }
.LBB2_1:
0xf: {  	[tilespmem:s16], [sflag:$0x1] =	stream.strided.gather [hbm4b:s3+s14], $0x1000, s15, s14, $0x38;
	[tilespmem:$0x12000] =	vst v63  }
0x10: {  	s0 =	simm.s32 $0x3000  }
0x11: {  	[tilespmem:s0], [sflag:$0x1] =	stream.strided.gather [hbm4b:s4+s14], $0x1000, s15, s14, $0x38;
	[tilespmem:$0x12000] =	vst v63  }
0x12: {  	s20 =	simm.s32 $0x4000  }
0x13: {  	[tilespmem:s20], [sflag:$0x1] =	stream.strided.gather [hbm4b:s5+s14], $0x1000, s15, s14, $0x38;
	[tilespmem:$0x12000] =	vst v63  }
0x14: {  	s30 =	simm.s32 $0x5000  }
0x15: {  	[tilespmem:s30], [sflag:$0x1] =	stream.strided.gather [hbm4b:s6+s14], $0x1000, s15, s14, $0x38;
	[tilespmem:$0x12000] =	vst v63  }
0x16: {  	s31 =	simm.s32 $0x6000  }
0x17: {  	[tilespmem:s31], [sflag:$0x1] =	stream.strided.gather [hbm4b:s7+s14], $0x1000, s15, s14, $0x38;
	[tilespmem:$0x12000] =	vst v63  }
0x18: {  	_ = 	snop  }
0x19: {  	[tilespmem:s21], [sflag:$0x1] =	stream.strided.gather [hbm4b:s8+s14], $0x1000, s15, s14, $0x38;
	[tilespmem:$0x12000] =	vst v63  }
0x1a: {  	_ = 	snop  }
0x1b: {  	[tilespmem:s22], [sflag:$0x1] =	stream.strided.gather [hbm4b:s9+s14], $0x1000, s15, s14, $0x38;
	[tilespmem:$0x12000] =	vst v63  }
0x1c: {  	_ = 	snop  }
0x1d: {  	[tilespmem:s23], [sflag:$0x1] =	stream.strided.gather [hbm4b:s10+s14], $0x1000, s15, s14, $0x38;
	[tilespmem:$0x12000] =	vst v63  }
0x1e: {  	_ =	swait.ge [sflag:s24], $0x1000  }
0x1f: {  	[sflag:s24] =	ssyncset.done $0x0  }
0x20: {  	[sflag:s24] =	ssyncadd.s32 $0xFFFFF000  }
0x21: {  	_ =	swait.ge [sflag:s24], $0x1000  }
0x22: {  	[sflag:s24] =	ssyncset.done $0x0  }
0x23: {  	[sflag:s24] =	ssyncadd.s32 $0xFFFFF000  }
0x24: {  	_ =	swait.ge [sflag:s24], $0x1000  }
0x25: {  	[sflag:s24] =	ssyncset.done $0x0  }
0x26: {  	[sflag:s24] =	ssyncadd.s32 $0xFFFFF000  }
0x27: {  	_ =	swait.ge [sflag:s24], $0x1000  }
0x28: {  	[sflag:s24] =	ssyncset.done $0x0  }
0x29: {  	[sflag:s24] =	ssyncadd.s32 $0xFFFFF000  }
0x2a: {  	_ =	swait.ge [sflag:s24], $0x1000  }
0x2b: {  	[sflag:s24] =	ssyncset.done $0x0  }
0x2c: {  	[sflag:s24] =	ssyncadd.s32 $0xFFFFF000  }
0x2d: {  	_ =	swait.ge [sflag:s24], $0x1000  }
0x2e: {  	[sflag:s24] =	ssyncset.done $0x0  }
0x2f: {  	[sflag:s24] =	ssyncadd.s32 $0xFFFFF000  }
0x30: {  	_ =	swait.ge [sflag:s24], $0x1000  }
0x31: {  	[sflag:s24] =	ssyncset.done $0x0  }
0x32: {  	[sflag:s24] =	ssyncadd.s32 $0xFFFFF000  }
0x33: {  	_ =	swait.ge [sflag:s24], $0x1000  }
0x34: {  	[sflag:s24] =	ssyncset.done $0x0  }
0x35: {  	p0 =	por $0x0, $0x0;
	s29 =	simm.s32 $0x0;
	[sflag:s24] =	ssyncadd.s32 $0xFFFFF000  }
.LBB2_2:
0x36: {  	s0 =	sshll.u32 s29, $0x7  }
0x37: {  	s0 =	sadd.s32 s0, s11  }
0x38: {  	[tilespmem:s2], [sflag:$0x3] =	stream.strided.gather [hbm4b:s0+s15], $0x2000, s16, s15, $0x38;
	[tilespmem:$0x12000] =	vst v63  }
0x39: {  	p1 =	slt.u32 s29, $0x2;
	s30 =	sshll.u32 s29, $0xE;
	_ =	swait.ge [sflag:s25], $0x2000  }
0x3a: {  	s31 =	sshll.u32 s29, $0x10;
	s0 =	simm.s32 $0x1;
	[sflag:s25] =	ssyncset.done $0x0  }
0x3b: {  	s1 =	simm.s32 @!p1 $0x2;
	s0 =	simm.s32 @!p0 $0x0;
	[sflag:s25] =	ssyncadd.s32 $0xFFFFE000  }
0x3c: {  	s17 =	simm.s32 $0x0;
	s0 =	sshll.u32 s0, $0xE;
	_ =	swait.ge @!p1 [sflag:s1], $0x4000  }
0x3d: {  	s19 =	sor.u32 $0xA400, s0;
	s0 =	sand.u32 $0x4000, s30;
	[sflag:s1] =	ssyncset.done @!p1 $0x0  }
0x3e: {  	s0 =	sor.u32 $0xA000, s0;
	[sflag:s1] =	ssyncadd.s32 @!p1 $0xFFFFC000;
	s1 =	simm.s32 $0x0  }
.LBB2_3:
0x3f: {  	s18 =	sshll.u32 s17, $0xC  }
0x40: {  	v10 =	vmov s18  }
0x41: {  	v10 =	vor.u32 $0xFF0, v10  }
0x42: {  	v10 =	vbroadcast v10, $0x0;
	_ =	sdelay $0x1  }
0x43: {  	v11 =	vor.u32 v1, v10;
	_ =	sdelay $0x1  }
0x44: {  	v12 =	vmov s1;
	_ =	sdelay $0x2  }
0x45: {  	s30 =	smov.u32 s19;
	s18 =	simm.s32 $0x600;
	v11 =	vld.idx.msk [tilespmem:v11+s16+$0x0], $0xffff  }
.LBB2_4:
0x46: {  	s20 =	sshra.s32 s18, $0x2  }
0x47: {  	v13 =	vld.idx.msk [tilespmem:v12+s20+$0xFFFFFE80 ss:$0x1], $0xffff  }
0x48: {  	v14 =	vld.idx.msk [tilespmem:v12+s20+$0xFFFFFF00 ss:$0x1], $0xffff  }
0x49: {  	v15 =	vld.idx.msk [tilespmem:v12+s20+$0xFFFFFF80 ss:$0x1], $0xffff  }
0x4a: {  	v16 =	vld.idx.msk [tilespmem:v12+s20+$0x0 ss:$0x1], $0xffff  }
0x4b: {  	v17 =	vld.idx.msk [tilespmem:v12+s20+$0x80 ss:$0x1], $0xffff  }
0x4c: {  	v18 =	vld.idx.msk [tilespmem:v12+s20+$0x100 ss:$0x1], $0xffff  }
0x4d: {  	v19 =	vld.idx.msk [tilespmem:v12+s20+$0x180 ss:$0x1], $0xffff  }
0x4e: {  	v20 =	vld.idx.msk [tilespmem:v12+s20+$0x200 ss:$0x1], $0xffff;
	_ =	sdelay $0x1  }
0x4f: {  	vm0 =	vle.f32 v13, v14;
	v21 =	vmin.f32 v13, v14  }
0x50: {  	v13 =	vmax.f32 v13, v14;
	vm10 =	vle.f32 v15, v16;
	v23 =	vmin.f32 v15, v16  }
0x51: {  	v15 =	vmax.f32 v15, v16;
	vm11 =	vle.f32 v17, v18;
	v25 =	vmin.f32 v17, v18  }
0x52: {  	v17 =	vmax.f32 v17, v18;
	vm12 =	vle.f32 v19, v20;
	v27 =	vmin.f32 v19, v20  }
0x53: {  	v19 =	vmax.f32 v19, v20;
	v14 =	vsel vm0, $0x10, v2;
	v22 =	vsel vm0, $0x20, v3  }
0x54: {  	v60 =	vsel vm10, $0x40, v4;
	v24 =	vsel vm10, $0x80, v5;
	v61 =	vsel vm11, $0x100, v6  }
0x55: {  	v26 =	vsel vm11, $0x200, v7;
	v62 =	vsel vm12, $0x400, v8;
	v28 =	vsel vm12, $0x800, v9  }
0x56: {  	vm13 =	vle.f32 v21, v23;
	v29 =	vmin.f32 v21, v23;
	v21 =	vmax.f32 v21, v23  }
0x57: {  	vm14 =	vle.f32 v13, v15;
	v32 =	vmin.f32 v13, v15;
	v15 =	vmax.f32 v13, v15  }
0x58: {  	vm15 =	vle.f32 v25, v27;
	v33 =	vmin.f32 v25, v27;
	v25 =	vmax.f32 v25, v27  }
0x59: {  	vm4 =	vle.f32 v17, v19;
	v35 =	vmin.f32 v17, v19;
	v17 =	vmax.f32 v17, v19  }
0x5a: {  	v63 =	vsel vm13, v14, v60;
	v14 =	vsel vm13, v60, v14;
	v13 =	vsel vm14, v22, v24  }
0x5b: {  	v22 =	vsel vm14, v24, v22;
	v34 =	vsel vm15, v61, v62;
	v18 =	vsel vm15, v62, v61  }
0x5c: {  	v36 =	vsel vm4, v26, v28;
	v26 =	vsel vm4, v28, v26;
	vm5 =	vle.f32 v32, v21  }
0x5d: {  	v37 =	vmin.f32 v32, v21;
	v16 =	vmax.f32 v32, v21;
	vm6 =	vle.f32 v35, v25  }
0x5e: {  	v30 =	vmin.f32 v35, v25;
	v20 =	vmax.f32 v35, v25;
	vm7 =	vle.f32 v29, v33  }
0x5f: {  	v40 =	vmax.f32 v29, v33;
	vm8 =	vle.f32 v15, v17;
	v42 =	vmin.f32 v15, v17  }
0x60: {  	v17 =	vmax.f32 v15, v17;
	v38 =	vsel vm5, v13, v14;
	v14 =	vsel vm5, v14, v13  }
0x61: {  	v39 =	vsel vm6, v36, v18;
	v18 =	vsel vm6, v18, v36;
	v13 =	vmin.f32 v29, v33  }
0x62: {  	v41 =	vsel vm7, v63, v34;
	v23 =	vsel vm7, v34, v63;
	v15 =	vsel vm8, v22, v26  }
0x63: {  	vm9 =	vle.f32 v37, v30;
	v43 =	vmin.f32 v37, v30;
	v44 =	vmax.f32 v37, v30  }
0x64: {  	vm10 =	vle.f32 v16, v20;
	v46 =	vmin.f32 v16, v20;
	v16 =	vmax.f32 v16, v20  }
0x65: {  	v45 =	vsel vm9, v38, v39;
	v21 =	vsel vm9, v39, v38;
	v47 =	vsel vm10, v14, v18  }
0x66: {  	v14 =	vsel vm10, v18, v14;
	vm11 =	vle.f32 v43, v40;
	v48 =	vmin.f32 v43, v40  }
0x67: {  	v19 =	vmax.f32 v43, v40;
	vm12 =	vle.f32 v42, v16;
	v50 =	vmin.f32 v42, v16  }
0x68: {  	v51 =	vmax.f32 v42, v16;
	v49 =	vsel vm11, v45, v23;
	v23 =	vsel vm11, v23, v45  }
0x69: {  	v52 =	vsel vm12, v15, v14;
	v53 =	vsel vm12, v14, v15;
	vm13 =	vle.f32 v46, v19  }
0x6a: {  	v14 =	vmin.f32 v46, v19;
	v15 =	vmax.f32 v46, v19;
	vm14 =	vle.f32 v50, v44  }
0x6b: {  	v55 =	vmin.f32 v50, v44;
	v28 =	vmax.f32 v50, v44;
	v17 =	vsub.f32 v17, v51  }
0x6c: {  	v54 =	vsel vm13, v47, v23;
	v20 =	vsel vm13, v23, v47;
	v56 =	vsel vm14, v52, v21  }
0x6d: {  	v16 =	vsel vm14, v21, v52;
	v21 =	vsub.s32 v10, v41;
	vm15 =	vle.f32 v55, v15  }
0x6e: {  	v57 =	vmin.f32 v55, v15;
	v15 =	vmax.f32 v55, v15;
	v18 =	vsub.f32 v14, v48  }
0x6f: {  	v22 =	vsub.s32 v21, v49;
	v58 =	vsel vm15, v56, v20;
	v25 =	vsel vm15, v20, v56  }
0x70: {  	v20 =	vsub.f32 v48, v13;
	v59 =	vbroadcast v21, $0x0;
	v35 =	vbroadcast v21, $0x1  }
0x71: {  	v19 =	vsub.f32 v57, v14;
	v42 =	vbroadcast v21, $0x2;
	v49 =	vbroadcast v21, $0x3  }
0x72: {  	v14 =	vsub.f32 v15, v57;
	v60 =	vbroadcast v22, $0x0;
	v36 =	vbroadcast v22, $0x1  }
0x73: {  	v15 =	vsub.f32 v28, v15;
	v43 =	vbroadcast v22, $0x2;
	v50 =	vbroadcast v22, $0x3  }
0x74: {  	v23 =	vsub.s32 v22, v54;
	v54 =	vbroadcast v13, $0x0;
	v57 =	vbroadcast v18, $0x0  }
0x75: {  	v24 =	vsub.s32 v23, v58;
	v61 =	vbroadcast v23, $0x0;
	v37 =	vbroadcast v23, $0x1  }
0x76: {  	v44 =	vbroadcast v23, $0x2;
	v35 =	vor.u32 v0, v35;
	v56 =	vbroadcast v20, $0x0  }
0x77: {  	v42 =	vor.u32 v0, v42;
	v62 =	vbroadcast v19, $0x0;
	v63 =	vbroadcast v14, $0x0  }
0x78: {  	v49 =	vor.u32 v0, v49;
	v25 =	vsub.s32 v24, v25;
	v31 =	vbroadcast v24, $0x0  }
0x79: {  	v29 =	vadd.s32 v0, v60;
	v38 =	vbroadcast v24, $0x1;
	v45 =	vbroadcast v24, $0x2  }
0x7a: {  	v36 =	vadd.s32 v0, v36;
	v52 =	vbroadcast v24, $0x3;
	v50 =	vadd.s32 v0, v50  }
0x7b: {  	v26 =	vsub.s32 v25, v16;
	v16 =	vsub.f32 v51, v28;
	v28 =	vor.u32 v0, v59  }
0x7c: {  	v54 =	vmul.f32 v54, v11;
	v32 =	vbroadcast v25, $0x0;
	v30 =	vadd.s32 v0, v61  }
0x7d: {  	v60 =	vbroadcast v15, $0x0;
	v33 =	vbroadcast v26, $0x0;
	v31 =	vadd.s32 v0, v31  }
0x7e: {  	v39 =	vbroadcast v25, $0x1;
	v27 =	vsub.s32 v26, v53;
	v32 =	vadd.s32 v0, v32;
	v29 =	vld.idx.msk [tilespmem:v29+s16+$0x0], $0xffff  }
0x7f: {  	v46 =	vbroadcast v25, $0x2;
	v34 =	vbroadcast v27, $0x0;
	v33 =	vadd.s32 v0, v33;
	v58 =	vld.idx.msk [tilespmem:v50+s16+$0x0], $0xffff  }
0x80: {  	v43 =	vadd.s32 v0, v43;
	v51 =	vbroadcast v23, $0x3;
	v40 =	vbroadcast v26, $0x1;
	v28 =	vld.idx.msk [tilespmem:v28+s16+$0x0], $0xffff  }
0x81: {  	v47 =	vbroadcast v26, $0x2;
	v53 =	vbroadcast v25, $0x3;
	v34 =	vadd.s32 v0, v34;
	v30 =	vld.idx.msk [tilespmem:v30+s16+$0x0], $0xffff  }
0x82: {  	v37 =	vadd.s32 v0, v37;
	v55 =	vbroadcast v26, $0x3;
	v41 =	vbroadcast v27, $0x1;
	v31 =	vld.idx.msk [tilespmem:v31+s16+$0x0], $0xffff  }
0x83: {  	v44 =	vadd.s32 v0, v44;
	v48 =	vbroadcast v27, $0x2;
	v61 =	vbroadcast v16, $0x0;
	v32 =	vld.idx.msk [tilespmem:v32+s16+$0x0], $0xffff  }
0x84: {  	v39 =	vadd.s32 v0, v39;
	v59 =	vbroadcast v16, $0x2;
	v50 =	vbroadcast v24, $0x4;
	v33 =	vld.idx.msk [tilespmem:v33+s16+$0x0], $0xffff  }
0x85: {  	v38 =	vadd.s32 v0, v38;
	v35 =	vld.idx.msk [tilespmem:v35+s16+$0x0], $0xffff;
	v29 =	vmul.f32 v57, v29;
	v57 =	vbroadcast v15, $0x2  }
0x86: {  	v45 =	vadd.s32 v0, v45;
	v34 =	vld.idx.msk [tilespmem:v34+s16+$0x0], $0xffff;
	v28 =	vmul.f32 v56, v28;
	v30 =	vmul.f32 v62, v30  }
0x87: {  	v40 =	vadd.s32 v0, v40;
	v36 =	vld.idx.msk [tilespmem:v36+s16+$0x0], $0xffff;
	v62 =	vbroadcast v17, $0x0;
	v31 =	vmul.f32 v63, v31  }
0x88: {  	v47 =	vadd.s32 v0, v47;
	v37 =	vld.idx.msk [tilespmem:v37+s16+$0x0], $0xffff;
	v63 =	vbroadcast v20, $0x1;
	v32 =	vmul.f32 v60, v32  }
0x89: {  	v41 =	vadd.s32 v0, v41;
	v39 =	vld.idx.msk [tilespmem:v39+s16+$0x0], $0xffff;
	v60 =	vbroadcast v18, $0x1;
	v33 =	vmul.f32 v61, v33  }
0x8a: {  	v52 =	vadd.s32 v0, v52;
	v38 =	vld.idx.msk [tilespmem:v38+s16+$0x0], $0xffff;
	v35 =	vmul.f32 v35, v63;
	v61 =	vbroadcast v19, $0x1  }
0x8b: {  	v46 =	vadd.s32 v0, v46;
	v63 =	vbroadcast v15, $0x1;
	v34 =	vmul.f32 v62, v34  }
0x8c: {  	v51 =	vadd.s32 v0, v51;
	v40 =	vld.idx.msk [tilespmem:v40+s16+$0x0], $0xffff;
	v36 =	vmul.f32 v36, v60;
	v62 =	vbroadcast v14, $0x1  }
0x8d: {  	v53 =	vadd.s32 v0, v53;
	v47 =	vld.idx.msk [tilespmem:v47+s16+$0x0], $0xffff;
	v60 =	vbroadcast v27, $0x3;
	v37 =	vmul.f32 v37, v61  }
0x8e: {  	v48 =	vadd.s32 v0, v48;
	v41 =	vld.idx.msk [tilespmem:v41+s16+$0x0], $0xffff;
	v61 =	vbroadcast v13, $0x1;
	v39 =	vmul.f32 v39, v63  }
0x8f: {  	v28 =	vadd.f32 v28, v54;
	v63 =	vbroadcast v17, $0x1;
	v38 =	vmul.f32 v38, v62  }
0x90: {  	v62 =	vbroadcast v16, $0x1;
	v56 =	vadd.s32 v0, v60;
	v60 =	vbroadcast v13, $0x2  }
0x91: {  	v42 =	vld.idx.msk [tilespmem:v42+s16+$0x0], $0xffff;
	v29 =	vadd.f32 v30, v29;
	v54 =	vmul.f32 v61, v11;
	v61 =	vbroadcast v20, $0x2  }
0x92: {  	v43 =	vld.idx.msk [tilespmem:v43+s16+$0x0], $0xffff;
	v36 =	vadd.f32 v37, v36;
	v37 =	vmul.f32 v47, v59;
	v47 =	vbroadcast v21, $0x4  }
0x93: {  	v44 =	vld.idx.msk [tilespmem:v44+s16+$0x0], $0xffff;
	v31 =	vadd.f32 v32, v31;
	v30 =	vmul.f32 v40, v62;
	v40 =	vmul.f32 v41, v63  }
0x94: {  	v48 =	vld.idx.msk [tilespmem:v48+s16+$0x0], $0xffff;
	v28 =	vadd.f32 v29, v28;
	v62 =	vbroadcast v18, $0x2;
	v63 =	vbroadcast v19, $0x2  }
0x95: {  	v45 =	vld.idx.msk [tilespmem:v45+s16+$0x0], $0xffff;
	v33 =	vadd.f32 v33, v34;
	v29 =	vmul.f32 v60, v11;
	v60 =	vbroadcast v17, $0x2  }
0x96: {  	v32 =	vmul.f32 v42, v61;
	v42 =	vld.idx.msk [tilespmem:v49+s16+$0x0], $0xffff;
	v35 =	vadd.f32 v35, v54;
	v54 =	vbroadcast v14, $0x2  }
0x97: {  	v55 =	vadd.s32 v0, v55;
	v61 =	vld.idx.msk [tilespmem:v51+s16+$0x0], $0xffff;
	v49 =	vbroadcast v23, $0x4;
	v51 =	vbroadcast v25, $0x4  }
0x98: {  	v31 =	vadd.f32 v31, v33;
	v33 =	vmul.f32 v43, v62;
	v34 =	vmul.f32 v44, v63  }
0x99: {  	v41 =	vld.idx.msk [tilespmem:v46+s16+$0x0], $0xffff;
	v30 =	vadd.f32 v40, v30;
	v40 =	vmul.f32 v48, v60;
	v62 =	vbroadcast v13, $0x3  }
0x9a: {  	v38 =	vadd.f32 v39, v38;
	v44 =	vld.idx.msk [tilespmem:v53+s16+$0x0], $0xffff;
	v63 =	vbroadcast v20, $0x3;
	v53 =	vbroadcast v18, $0x3  }
0x9b: {  	v43 =	vld.idx.msk [tilespmem:v52+s16+$0x0], $0xffff;
	v28 =	vadd.f32 v31, v28;
	v60 =	vbroadcast v14, $0x3;
	v48 =	vbroadcast v22, $0x4  }
0x9c: {  	v52 =	vld.idx.msk [tilespmem:v55+s16+$0x0], $0xffff;
	v39 =	vmul.f32 v45, v54;
	v35 =	vadd.f32 v36, v35;
	v54 =	vbroadcast v19, $0x3  }
0x9d: {  	v55 =	vld.idx.msk [tilespmem:v56+s16+$0x0], $0xffff;
	v29 =	vadd.f32 v32, v29;
	v56 =	vmul.f32 v62, v11;
	v58 =	vmul.f32 v58, v53  }
0x9e: {  	v30 =	vadd.f32 v30, v38;
	v62 =	vbroadcast v16, $0x3;
	v53 =	vbroadcast v27, $0x4  }
0x9f: {  	v33 =	vadd.f32 v34, v33;
	v38 =	vbroadcast v23, $0x6;
	v41 =	vmul.f32 v41, v57  }
0xa0: {  	v37 =	vadd.f32 v40, v37;
	v57 =	vmul.f32 v42, v63;
	v59 =	vmul.f32 v61, v54  }
0xa1: {  	v61 =	vbroadcast v15, $0x3;
	v63 =	vbroadcast v17, $0x3;
	v29 =	vadd.f32 v33, v29  }
0xa2: {  	v33 =	vor.u32 v0, v47;
	v54 =	vbroadcast v21, $0x5;
	v47 =	vbroadcast v26, $0x6  }
0xa3: {  	v30 =	vadd.f32 v30, v35;
	v32 =	vmul.f32 v43, v60;
	v34 =	vmul.f32 v52, v62  }
0xa4: {  	v39 =	vadd.f32 v41, v39;
	v52 =	vbroadcast v26, $0x4;
	v60 =	vbroadcast v26, $0x5  }
0xa5: {  	v62 =	vadd.s32 v0, v53;
	v44 =	vmul.f32 v44, v61;
	v45 =	vmul.f32 v55, v63  }
0xa6: {  	v53 =	vbroadcast v25, $0x7;
	v31 =	vadd.f32 v57, v56;
	v35 =	vadd.f32 v59, v58  }
0xa7: {  	v55 =	vbroadcast v22, $0x5;
	v32 =	vadd.f32 v44, v32;
	v34 =	vadd.f32 v45, v34  }
0xa8: {  	v56 =	vbroadcast v23, $0x5;
	v57 =	vbroadcast v24, $0x5;
	v46 =	vadd.f32 v37, v39  }
0xa9: {  	v58 =	vbroadcast v25, $0x5;
	v31 =	vadd.f32 v35, v31;
	v32 =	vadd.f32 v34, v32  }
0xaa: {  	[tilespmem:s30+$0xFFFFFC00] =	vst v28;
	v59 =	vadd.s32 v0, v51;
	v29 =	vadd.f32 v46, v29;
	v34 =	vadd.s32 v0, v48  }
0xab: {  	[tilespmem:s30+$0xFFFFFC80] =	vst v30;
	v51 =	vbroadcast v23, $0x7;
	v35 =	vadd.s32 v0, v50;
	v31 =	vadd.f32 v32, v31  }
0xac: {  	v63 =	vbroadcast v20, $0x4;
	v61 =	vadd.s32 v0, v52;
	v37 =	vbroadcast v21, $0x6;
	[tilespmem:s30+$0xFFFFFD00] =	vst v29  }
0xad: {  	v39 =	vbroadcast v25, $0x6;
	v52 =	vbroadcast v24, $0x7;
	v36 =	vadd.s32 v0, v60;
	[tilespmem:s30+$0xFFFFFD80] =	vst v31  }
0xae: {  	v60 =	vbroadcast v18, $0x4;
	v44 =	vbroadcast v27, $0x5;
	v32 =	vadd.s32 v0, v49;
	v33 =	vld.idx.msk [tilespmem:v33+s16+$0x0], $0xffff  }
0xaf: {  	v45 =	vbroadcast v22, $0x6;
	v41 =	vadd.s32 v0, v56;
	v50 =	vbroadcast v22, $0x7;
	v34 =	vld.idx.msk [tilespmem:v34+s16+$0x0], $0xffff  }
0xb0: {  	v42 =	vadd.s32 v0, v57;
	v56 =	vbroadcast v13, $0x4;
	v57 =	vbroadcast v27, $0x7;
	v35 =	vld.idx.msk [tilespmem:v35+s16+$0x0], $0xffff  }
0xb1: {  	v43 =	vadd.s32 v0, v58;
	v58 =	vbroadcast v17, $0x6;
	v46 =	vbroadcast v24, $0x6;
	v28 =	vld.idx.msk [tilespmem:v59+s16+$0x0], $0xffff  }
0xb2: {  	v48 =	vbroadcast v27, $0x6;
	v56 =	vmul.f32 v56, v11;
	v31 =	vor.u32 v0, v54;
	v30 =	vld.idx.msk [tilespmem:v61+s16+$0x0], $0xffff  }
0xb3: {  	v40 =	vadd.s32 v0, v55;
	v49 =	vbroadcast v21, $0x7;
	v54 =	vbroadcast v26, $0x7;
	v32 =	vld.idx.msk [tilespmem:v32+s16+$0x0], $0xffff  }
0xb4: {  	v61 =	vbroadcast v19, $0x4;
	v29 =	vld.idx.msk [tilespmem:v62+s16+$0x0], $0xffff;
	v62 =	vbroadcast v14, $0x4  }
0xb5: {  	v38 =	vadd.s32 v0, v38;
	v59 =	vbroadcast v13, $0x7;
	v33 =	vmul.f32 v33, v63  }
0xb6: {  	v47 =	vadd.s32 v0, v47;
	v34 =	vmul.f32 v34, v60;
	v63 =	vbroadcast v15, $0x4  }
0xb7: {  	v53 =	vadd.s32 v0, v53;
	v31 =	vld.idx.msk [tilespmem:v31+s16+$0x0], $0xffff;
	v35 =	vmul.f32 v35, v62;
	v60 =	vbroadcast v16, $0x4  }
0xb8: {  	v44 =	vadd.s32 v0, v44;
	v40 =	vld.idx.msk [tilespmem:v40+s16+$0x0], $0xffff;
	v62 =	vbroadcast v20, $0x5;
	v32 =	vmul.f32 v32, v61  }
0xb9: {  	v37 =	vor.u32 v0, v37;
	v41 =	vld.idx.msk [tilespmem:v41+s16+$0x0], $0xffff;
	v28 =	vmul.f32 v28, v63;
	v61 =	vbroadcast v17, $0x4  }
0xba: {  	v48 =	vadd.s32 v0, v48;
	v42 =	vld.idx.msk [tilespmem:v42+s16+$0x0], $0xffff;
	v30 =	vmul.f32 v30, v60;
	v63 =	vbroadcast v18, $0x5  }
0xbb: {  	v43 =	vld.idx.msk [tilespmem:v43+s16+$0x0], $0xffff;
	v33 =	vadd.f32 v33, v56;
	v60 =	vbroadcast v19, $0x5;
	v56 =	vbroadcast v16, $0x6  }
0xbc: {  	v51 =	vadd.s32 v0, v51;
	v36 =	vld.idx.msk [tilespmem:v36+s16+$0x0], $0xffff;
	v29 =	vmul.f32 v29, v61;
	v31 =	vmul.f32 v31, v62  }
0xbd: {  	v45 =	vadd.s32 v0, v45;
	v44 =	vld.idx.msk [tilespmem:v44+s16+$0x0], $0xffff;
	v40 =	vmul.f32 v40, v63;
	v61 =	vbroadcast v14, $0x5  }
0xbe: {  	v39 =	vadd.s32 v0, v39;
	v41 =	vmul.f32 v41, v60;
	v62 =	vbroadcast v15, $0x5  }
0xbf: {  	v52 =	vadd.s32 v0, v52;
	v48 =	vld.idx.msk [tilespmem:v48+s16+$0x0], $0xffff;
	v63 =	vbroadcast v16, $0x5;
	v60 =	vbroadcast v17, $0x5  }
0xc0: {  	v37 =	vld.idx.msk [tilespmem:v37+s16+$0x0], $0xffff;
	v54 =	vadd.s32 v0, v54;
	v42 =	vmul.f32 v42, v61;
	v43 =	vmul.f32 v43, v62  }
0xc1: {  	v46 =	vadd.s32 v0, v46;
	v36 =	vmul.f32 v36, v63;
	v61 =	vbroadcast v20, $0x6  }
0xc2: {  	v50 =	vadd.s32 v0, v50;
	v45 =	vld.idx.msk [tilespmem:v45+s16+$0x0], $0xffff;
	v44 =	vmul.f32 v44, v60;
	v62 =	vbroadcast v13, $0x5  }
0xc3: {  	v57 =	vadd.s32 v0, v57;
	v38 =	vld.idx.msk [tilespmem:v38+s16+$0x0], $0xffff;
	v63 =	vbroadcast v13, $0x6;
	v60 =	vbroadcast v18, $0x6  }
0xc4: {  	v47 =	vld.idx.msk [tilespmem:v47+s16+$0x0], $0xffff;
	v40 =	vadd.f32 v41, v40;
	v41 =	vmul.f32 v48, v58;
	v58 =	vbroadcast v14, $0x7  }
0xc5: {  	v32 =	vadd.f32 v32, v34;
	v48 =	vld.idx.msk [tilespmem:v54+s16+$0x0], $0xffff;
	v54 =	vbroadcast v27, $0x8;
	v37 =	vmul.f32 v37, v61  }
0xc6: {  	v46 =	vld.idx.msk [tilespmem:v46+s16+$0x0], $0xffff;
	v28 =	vadd.f32 v28, v35;
	v61 =	vbroadcast v19, $0x6;
	v55 =	vmul.f32 v62, v11  }
0xc7: {  	v39 =	vld.idx.msk [tilespmem:v39+s16+$0x0], $0xffff;
	v29 =	vadd.f32 v29, v30;
	v34 =	vmul.f32 v63, v11;
	v30 =	vmul.f32 v45, v60  }
0xc8: {  	v49 =	vor.u32 v0, v49;
	v62 =	vbroadcast v14, $0x6;
	v63 =	vbroadcast v15, $0x6  }
0xc9: {  	v28 =	vadd.f32 v29, v28;
	v29 =	vmul.f32 v47, v56;
	v60 =	vbroadcast v20, $0x7  }
0xca: {  	v32 =	vadd.f32 v32, v33;
	v45 =	vld.idx.msk [tilespmem:v52+s16+$0x0], $0xffff;
	v47 =	vbroadcast v21, $0x8;
	v52 =	vbroadcast v25, $0x8  }
0xcb: {  	v42 =	vadd.f32 v43, v42;
	v35 =	vmul.f32 v38, v61;
	v33 =	vmul.f32 v46, v62  }
0xcc: {  	v51 =	vld.idx.msk [tilespmem:v51+s16+$0x0], $0xffff;
	v36 =	vadd.f32 v44, v36;
	v39 =	vmul.f32 v39, v63;
	v61 =	vbroadcast v18, $0x7  }
0xcd: {  	v31 =	vadd.f32 v31, v55;
	v62 =	vbroadcast v19, $0x7;
	v55 =	vmul.f32 v59, v11  }
0xce: {  	v38 =	vld.idx.msk [tilespmem:v49+s16+$0x0], $0xffff;
	v36 =	vadd.f32 v36, v42;
	v34 =	vadd.f32 v37, v34;
	v59 =	vbroadcast v15, $0x7  }
0xcf: {  	v49 =	vld.idx.msk [tilespmem:v50+s16+$0x0], $0xffff;
	v29 =	vadd.f32 v41, v29;
	v28 =	vadd.f32 v28, v32;
	v50 =	vbroadcast v23, $0x8  }
0xd0: {  	v46 =	vld.idx.msk [tilespmem:v53+s16+$0x0], $0xffff;
	v32 =	vor.u32 v0, v47;
	v53 =	vbroadcast v26, $0x8;
	v47 =	vbroadcast v26, $0xA  }
0xd1: {  	v63 =	vld.idx.msk [tilespmem:v57+s16+$0x0], $0xffff;
	v31 =	vadd.f32 v40, v31;
	v57 =	vmul.f32 v51, v62;
	v30 =	vadd.f32 v35, v30  }
0xd2: {  	v33 =	vadd.f32 v39, v33;
	v51 =	vbroadcast v24, $0x8;
	v39 =	vbroadcast v23, $0xA  }
0xd3: {  	[tilespmem:s30+$0xFFFFFE00] =	vst v28;
	v28 =	vadd.s32 v0, v53;
	v40 =	vbroadcast v25, $0xA;
	v53 =	vbroadcast v25, $0xB  }
0xd4: {  	v37 =	vmul.f32 v45, v58;
	v58 =	vbroadcast v24, $0x9;
	v30 =	vadd.f32 v30, v34  }
0xd5: {  	v29 =	vadd.f32 v29, v33;
	v38 =	vmul.f32 v38, v60;
	v56 =	vmul.f32 v49, v61  }
0xd6: {  	v31 =	vadd.f32 v36, v31;
	v60 =	vbroadcast v16, $0x7;
	v61 =	vbroadcast v17, $0x7  }
0xd7: {  	v34 =	vadd.s32 v0, v50;
	v50 =	vbroadcast v22, $0xB;
	v62 =	vmul.f32 v46, v59  }
0xd8: {  	v36 =	vadd.s32 v0, v52;
	v35 =	vmul.f32 v48, v60;
	v63 =	vmul.f32 v63, v61  }
0xd9: {  	v52 =	vbroadcast v24, $0xB;
	v38 =	vadd.f32 v38, v55;
	v44 =	vadd.f32 v57, v56  }
0xda: {  	v49 =	vbroadcast v22, $0x8;
	v37 =	vadd.f32 v62, v37;
	v35 =	vadd.f32 v63, v35  }
0xdb: {  	v59 =	vbroadcast v25, $0x9;
	v42 =	vadd.s32 v0, v58;
	v29 =	vadd.f32 v29, v30  }
0xdc: {  	v58 =	vbroadcast v14, $0xA;
	v45 =	vadd.f32 v44, v38;
	v46 =	vadd.f32 v35, v37  }
0xdd: {  	[tilespmem:s30+$0xFFFFFE80] =	vst v31;
	v31 =	vadd.s32 v0, v54;
	v54 =	vbroadcast v26, $0xB;
	v33 =	vadd.s32 v0, v49  }
0xde: {  	v55 =	vbroadcast v21, $0x9;
	v56 =	vbroadcast v22, $0x9;
	v48 =	vadd.f32 v46, v45  }
0xdf: {  	v57 =	vbroadcast v23, $0x9;
	v61 =	vbroadcast v26, $0x9;
	[tilespmem:s30+$0xFFFFFF00] =	vst v29;
	v35 =	vadd.s32 v0, v51  }
0xe0: {  	v40 =	vadd.s32 v0, v40;
	v62 =	vbroadcast v27, $0x9;
	v60 =	vbroadcast v22, $0xA;
	[tilespmem:s30+$0xFFFFFF80] =	vst v48  }
0xe1: {  	v49 =	vbroadcast v21, $0xB;
	v43 =	vadd.s32 v0, v59;
	v59 =	vbroadcast v15, $0xA;
	v32 =	vld.idx.msk [tilespmem:v32+s16+$0x0], $0xffff  }
0xe2: {  	v63 =	vbroadcast v21, $0xA;
	v29 =	vor.u32 v0, v55;
	v30 =	vadd.s32 v0, v56;
	v33 =	vld.idx.msk [tilespmem:v33+s16+$0x0], $0xffff  }
0xe3: {  	v44 =	vadd.s32 v0, v62;
	v56 =	vbroadcast v13, $0x8;
	v49 =	vor.u32 v0, v49;
	v34 =	vld.idx.msk [tilespmem:v34+s16+$0x0], $0xffff  }
0xe4: {  	v62 =	vbroadcast v18, $0x8;
	v51 =	vbroadcast v23, $0xB;
	v37 =	vadd.s32 v0, v61;
	v35 =	vld.idx.msk [tilespmem:v35+s16+$0x0], $0xffff  }
0xe5: {  	v61 =	vbroadcast v20, $0x8;
	v38 =	vor.u32 v0, v63;
	v63 =	vbroadcast v19, $0x8;
	v36 =	vld.idx.msk [tilespmem:v36+s16+$0x0], $0xffff  }
0xe6: {  	v56 =	vmul.f32 v56, v11;
	v46 =	vbroadcast v24, $0xA;
	v28 =	vld.idx.msk [tilespmem:v28+s16+$0x0], $0xffff  }
0xe7: {  	v45 =	vadd.s32 v0, v60;
	v60 =	vbroadcast v14, $0x8;
	v48 =	vbroadcast v27, $0xA;
	v40 =	vld.idx.msk [tilespmem:v40+s16+$0x0], $0xffff  }
0xe8: {  	v41 =	vadd.s32 v0, v57;
	v57 =	vld.idx.msk [tilespmem:v49+s16+$0x0], $0xffff;
	v49 =	vbroadcast v26, $0xC;
	v32 =	vmul.f32 v32, v61  }
0xe9: {  	v31 =	vld.idx.msk [tilespmem:v31+s16+$0x0], $0xffff;
	v33 =	vmul.f32 v33, v62;
	v34 =	vmul.f32 v34, v63  }
0xea: {  	v29 =	vld.idx.msk [tilespmem:v29+s16+$0x0], $0xffff;
	v61 =	vbroadcast v15, $0x8;
	v35 =	vmul.f32 v35, v60  }
0xeb: {  	v62 =	vbroadcast v16, $0x8;
	v63 =	vbroadcast v17, $0x8  }
0xec: {  	v47 =	vadd.s32 v0, v47;
	v30 =	vld.idx.msk [tilespmem:v30+s16+$0x0], $0xffff;
	v60 =	vbroadcast v20, $0x9;
	v40 =	vmul.f32 v40, v59  }
0xed: {  	v39 =	vadd.s32 v0, v39;
	v41 =	vld.idx.msk [tilespmem:v41+s16+$0x0], $0xffff;
	v59 =	vbroadcast v14, $0xB;
	v36 =	vmul.f32 v36, v61  }
0xee: {  	v53 =	vadd.s32 v0, v53;
	v42 =	vld.idx.msk [tilespmem:v42+s16+$0x0], $0xffff;
	v28 =	vmul.f32 v28, v62;
	v31 =	vmul.f32 v31, v63  }
0xef: {  	v50 =	vadd.s32 v0, v50;
	v43 =	vld.idx.msk [tilespmem:v43+s16+$0x0], $0xffff;
	v61 =	vbroadcast v18, $0x9;
	v29 =	vmul.f32 v29, v60  }
0xf0: {  	v52 =	vadd.s32 v0, v52;
	v62 =	vbroadcast v19, $0x9;
	v63 =	vbroadcast v14, $0x9  }
0xf1: {  	v37 =	vld.idx.msk [tilespmem:v37+s16+$0x0], $0xffff;
	v60 =	vbroadcast v15, $0x9;
	v33 =	vadd.f32 v34, v33;
	v34 =	vbroadcast v27, $0xB  }
0xf2: {  	v46 =	vadd.s32 v0, v46;
	v44 =	vld.idx.msk [tilespmem:v44+s16+$0x0], $0xffff;
	v30 =	vmul.f32 v30, v61;
	v41 =	vmul.f32 v41, v62  }
0xf3: {  	v54 =	vadd.s32 v0, v54;
	v42 =	vmul.f32 v42, v63;
	v61 =	vbroadcast v13, $0x9  }
0xf4: {  	v51 =	vadd.s32 v0, v51;
	v38 =	vld.idx.msk [tilespmem:v38+s16+$0x0], $0xffff;
	v43 =	vmul.f32 v43, v60;
	v62 =	vbroadcast v16, $0x9  }
0xf5: {  	v48 =	vadd.s32 v0, v48;
	v45 =	vld.idx.msk [tilespmem:v45+s16+$0x0], $0xffff;
	v63 =	vbroadcast v17, $0x9;
	v60 =	vbroadcast v13, $0xA  }
0xf6: {  	v39 =	vld.idx.msk [tilespmem:v39+s16+$0x0], $0xffff;
	v32 =	vadd.f32 v32, v56;
	v55 =	vmul.f32 v61, v11;
	v37 =	vmul.f32 v37, v62  }
0xf7: {  	v46 =	vld.idx.msk [tilespmem:v46+s16+$0x0], $0xffff;
	v35 =	vadd.f32 v36, v35;
	v44 =	vmul.f32 v44, v63;
	v61 =	vbroadcast v20, $0xA  }
0xf8: {  	v47 =	vld.idx.msk [tilespmem:v47+s16+$0x0], $0xffff;
	v28 =	vadd.f32 v31, v28;
	v62 =	vbroadcast v18, $0xA;
	v63 =	vbroadcast v19, $0xA  }
0xf9: {  	v32 =	vadd.f32 v33, v32;
	v33 =	vmul.f32 v60, v11;
	v60 =	vld.idx.msk [tilespmem:v50+s16+$0x0], $0xffff;
	v50 =	vbroadcast v27, $0xC  }
0xfa: {  	v51 =	vld.idx.msk [tilespmem:v51+s16+$0x0], $0xffff;
	v36 =	vmul.f32 v38, v61;
	v31 =	vmul.f32 v45, v62  }
0xfb: {  	v48 =	vld.idx.msk [tilespmem:v48+s16+$0x0], $0xffff;
	v28 =	vadd.f32 v28, v35;
	v35 =	vmul.f32 v39, v63;
	v61 =	vbroadcast v16, $0xA  }
0xfc: {  	v34 =	vadd.s32 v0, v34;
	v62 =	vbroadcast v17, $0xA;
	v39 =	vmul.f32 v46, v58;
	v45 =	vld.idx.msk [tilespmem:v52+s16+$0x0], $0xffff  }
0xfd: {  	v28 =	vadd.f32 v28, v32;
	v46 =	vld.idx.msk [tilespmem:v53+s16+$0x0], $0xffff;
	v63 =	vbroadcast v13, $0xB;
	v52 =	vbroadcast v20, $0xB  }
0xfe: {  	v29 =	vadd.f32 v29, v55;
	v53 =	vld.idx.msk [tilespmem:v54+s16+$0x0], $0xffff;
	v54 =	vbroadcast v18, $0xB;
	v55 =	vbroadcast v19, $0xB  }
0xff: {  	v37 =	vadd.f32 v44, v37;
	v44 =	vbroadcast v21, $0xC;
	v32 =	vmul.f32 v47, v61  }
0x100: {  	v30 =	vadd.f32 v41, v30;
	v41 =	vmul.f32 v48, v62;
	v56 =	vmul.f32 v63, v11  }
0x101: {  	v42 =	vadd.f32 v43, v42;
	v38 =	vmul.f32 v57, v52;
	v58 =	vmul.f32 v51, v55  }
0x102: {  	v29 =	vadd.f32 v30, v29;
	v61 =	vbroadcast v16, $0xB;
	v62 =	vbroadcast v17, $0xB  }
0x103: {  	v37 =	vadd.f32 v37, v42;
	v47 =	vbroadcast v24, $0xC;
	v48 =	vbroadcast v25, $0xC  }
0x104: {  	v33 =	vadd.f32 v36, v33;
	v51 =	vbroadcast v21, $0xD;
	v52 =	vbroadcast v22, $0xD  }
0x105: {  	v31 =	vadd.f32 v35, v31;
	v55 =	vbroadcast v25, $0xD;
	v57 =	vmul.f32 v60, v54  }
0x106: {  	v39 =	vadd.f32 v40, v39;
	v60 =	vbroadcast v15, $0xB;
	v54 =	vbroadcast v24, $0xD  }
0x107: {  	v34 =	vld.idx.msk [tilespmem:v34+s16+$0x0], $0xffff;
	v30 =	vadd.f32 v38, v56;
	v56 =	vbroadcast v26, $0xD;
	v36 =	vmul.f32 v45, v59  }
0x108: {  	[tilespmem:s30+$0x0] =	vst v28;
	v28 =	vadd.s32 v0, v50;
	v63 =	vmul.f32 v46, v60;
	v35 =	vmul.f32 v53, v61  }
0x109: {  	v32 =	vadd.f32 v41, v32;
	v45 =	vbroadcast v22, $0xC;
	v46 =	vbroadcast v23, $0xC  }
0x10a: {  	v42 =	vadd.f32 v58, v57;
	v53 =	vbroadcast v23, $0xD;
	v57 =	vbroadcast v27, $0xD  }
0x10b: {  	v31 =	vadd.f32 v31, v33;
	v58 =	vbroadcast v21, $0xE;
	v59 =	vbroadcast v22, $0xE  }
0x10c: {  	v29 =	vadd.f32 v37, v29;
	v60 =	vbroadcast v23, $0xE;
	v61 =	vbroadcast v24, $0xE  }
0x10d: {  	v33 =	vor.u32 v0, v44;
	v21 =	vbroadcast v21, $0xF;
	v34 =	vmul.f32 v34, v62  }
0x10e: {  	v37 =	vadd.s32 v0, v49;
	v22 =	vbroadcast v22, $0xF;
	v23 =	vbroadcast v23, $0xF  }
0x10f: {  	v24 =	vbroadcast v24, $0xF;
	v36 =	vadd.f32 v63, v36;
	v34 =	vadd.f32 v34, v35  }
0x110: {  	v32 =	vadd.f32 v32, v39;
	[tilespmem:s30+$0x80] =	vst v29;
	v29 =	vor.u32 v0, v51;
	v62 =	vbroadcast v25, $0xE  }
0x111: {  	v38 =	vadd.s32 v0, v56;
	v30 =	vadd.f32 v42, v30;
	v43 =	vadd.f32 v34, v36  }
0x112: {  	v25 =	vbroadcast v25, $0xF;
	v31 =	vadd.f32 v32, v31;
	v34 =	vadd.s32 v0, v45  }
0x113: {  	v56 =	vbroadcast v13, $0xC;
	v32 =	vadd.s32 v0, v46;
	v30 =	vadd.f32 v43, v30  }
0x114: {  	v51 =	vbroadcast v14, $0xE;
	v63 =	vbroadcast v26, $0xE;
	v35 =	vadd.s32 v0, v47;
	[tilespmem:s30+$0x100] =	vst v31  }
0x115: {  	v42 =	vadd.s32 v0, v54;
	v44 =	vadd.s32 v0, v57;
	v36 =	vadd.s32 v0, v48;
	[tilespmem:s30+$0x180] =	vst v30  }
0x116: {  	v26 =	vbroadcast v26, $0xF;
	v39 =	vor.u32 v0, v58;
	v57 =	vbroadcast v20, $0xC;
	v33 =	vld.idx.msk [tilespmem:v33+s16+$0x0], $0xffff  }
0x117: {  	v58 =	vbroadcast v18, $0xC;
	v40 =	vadd.s32 v0, v60;
	v60 =	vbroadcast v14, $0xC;
	v34 =	vld.idx.msk [tilespmem:v34+s16+$0x0], $0xffff  }
0x118: {  	v54 =	vbroadcast v17, $0xE;
	v49 =	vmul.f32 v56, v11;
	v46 =	vadd.s32 v0, v61;
	v32 =	vld.idx.msk [tilespmem:v32+s16+$0x0], $0xffff  }
0x119: {  	v41 =	vadd.s32 v0, v62;
	v61 =	vbroadcast v15, $0xC;
	v62 =	vbroadcast v16, $0xC;
	v35 =	vld.idx.msk [tilespmem:v35+s16+$0x0], $0xffff  }
0x11a: {  	v56 =	vbroadcast v13, $0xD;
	v47 =	vadd.s32 v0, v63;
	v63 =	vbroadcast v17, $0xC;
	v36 =	vld.idx.msk [tilespmem:v36+s16+$0x0], $0xffff  }
0x11b: {  	v31 =	vadd.s32 v0, v52;
	v48 =	vbroadcast v27, $0xE;
	v27 =	vbroadcast v27, $0xF;
	v37 =	vld.idx.msk [tilespmem:v37+s16+$0x0], $0xffff  }
0x11c: {  	v45 =	vadd.s32 v0, v59;
	v59 =	vbroadcast v19, $0xC;
	v50 =	vmul.f32 v56, v11;
	v28 =	vld.idx.msk [tilespmem:v28+s16+$0x0], $0xffff  }
0x11d: {  	v52 =	vbroadcast v15, $0xE;
	v30 =	vadd.s32 v0, v53;
	v53 =	vbroadcast v16, $0xE  }
0x11e: {  	v43 =	vadd.s32 v0, v55;
	v33 =	vmul.f32 v33, v57;
	v34 =	vmul.f32 v34, v58  }
0x11f: {  	v29 =	vld.idx.msk [tilespmem:v29+s16+$0x0], $0xffff;
	v32 =	vmul.f32 v32, v59;
	v35 =	vmul.f32 v35, v60  }
0x120: {  	v31 =	vld.idx.msk [tilespmem:v31+s16+$0x0], $0xffff;
	v36 =	vmul.f32 v36, v61;
	v37 =	vmul.f32 v37, v62  }
0x121: {  	v24 =	vadd.s32 v0, v24;
	v42 =	vld.idx.msk [tilespmem:v42+s16+$0x0], $0xffff;
	v28 =	vmul.f32 v28, v63;
	v57 =	vbroadcast v20, $0xD  }
0x122: {  	v25 =	vadd.s32 v0, v25;
	v38 =	vld.idx.msk [tilespmem:v38+s16+$0x0], $0xffff;
	v58 =	vbroadcast v18, $0xD;
	v59 =	vbroadcast v19, $0xD  }
0x123: {  	v26 =	vadd.s32 v0, v26;
	v43 =	vld.idx.msk [tilespmem:v43+s16+$0x0], $0xffff;
	v60 =	vbroadcast v14, $0xD;
	v61 =	vbroadcast v15, $0xD  }
0x124: {  	v27 =	vadd.s32 v0, v27;
	v44 =	vld.idx.msk [tilespmem:v44+s16+$0x0], $0xffff;
	v62 =	vbroadcast v16, $0xD;
	v63 =	vbroadcast v17, $0xD  }
0x125: {  	v39 =	vld.idx.msk [tilespmem:v39+s16+$0x0], $0xffff;
	v14 =	vbroadcast v14, $0xF;
	v15 =	vbroadcast v15, $0xF  }
0x126: {  	v24 =	vld.idx.msk [tilespmem:v24+s16+$0x0], $0xffff;
	v16 =	vbroadcast v16, $0xF;
	v17 =	vbroadcast v17, $0xF  }
0x127: {  	v25 =	vld.idx.msk [tilespmem:v25+s16+$0x0], $0xffff;
	v29 =	vmul.f32 v29, v57;
	v31 =	vmul.f32 v31, v58  }
0x128: {  	v21 =	vor.u32 v0, v21;
	v26 =	vld.idx.msk [tilespmem:v26+s16+$0x0], $0xffff;
	v42 =	vmul.f32 v42, v60;
	v43 =	vmul.f32 v43, v61  }
0x129: {  	v48 =	vadd.s32 v0, v48;
	v27 =	vld.idx.msk [tilespmem:v27+s16+$0x0], $0xffff;
	v55 =	vmul.f32 v38, v62;
	v56 =	vmul.f32 v44, v63  }
0x12a: {  	v22 =	vadd.s32 v0, v22;
	v30 =	vld.idx.msk [tilespmem:v30+s16+$0x0], $0xffff;
	v57 =	vbroadcast v13, $0xE;
	v58 =	vbroadcast v20, $0xE  }
0x12b: {  	v23 =	vadd.s32 v0, v23;
	v40 =	vld.idx.msk [tilespmem:v40+s16+$0x0], $0xffff;
	v60 =	vbroadcast v19, $0xE;
	v13 =	vbroadcast v13, $0xF  }
0x12c: {  	v46 =	vld.idx.msk [tilespmem:v46+s16+$0x0], $0xffff;
	v33 =	vadd.f32 v33, v49;
	v20 =	vbroadcast v20, $0xF;
	v19 =	vbroadcast v19, $0xF  }
0x12d: {  	v41 =	vld.idx.msk [tilespmem:v41+s16+$0x0], $0xffff;
	v32 =	vadd.f32 v32, v34;
	v14 =	vmul.f32 v24, v14;
	v15 =	vmul.f32 v25, v15  }
0x12e: {  	v48 =	vld.idx.msk [tilespmem:v48+s16+$0x0], $0xffff;
	v35 =	vadd.f32 v36, v35;
	v16 =	vmul.f32 v26, v16;
	v17 =	vmul.f32 v27, v17  }
0x12f: {  	v21 =	vld.idx.msk [tilespmem:v21+s16+$0x0], $0xffff;
	v28 =	vadd.f32 v28, v37;
	v30 =	vmul.f32 v30, v59;
	v59 =	vbroadcast v18, $0xE  }
0x130: {  	v23 =	vld.idx.msk [tilespmem:v23+s16+$0x0], $0xffff;
	v32 =	vadd.f32 v32, v33;
	v61 =	vmul.f32 v57, v11;
	v62 =	vmul.f32 v39, v58  }
0x131: {  	v45 =	vld.idx.msk [tilespmem:v45+s16+$0x0], $0xffff;
	v28 =	vadd.f32 v28, v35;
	v49 =	vmul.f32 v40, v60;
	v29 =	vadd.f32 v29, v50  }
0x132: {  	v47 =	vld.idx.msk [tilespmem:v47+s16+$0x0], $0xffff;
	v42 =	vadd.f32 v43, v42;
	v39 =	vmul.f32 v46, v51;
	v40 =	vmul.f32 v41, v52  }
0x133: {  	v22 =	vld.idx.msk [tilespmem:v22+s16+$0x0], $0xffff;
	v34 =	vadd.f32 v56, v55;
	v55 =	vmul.f32 v48, v54;
	v18 =	vbroadcast v18, $0xF  }
0x134: {  	v13 =	vmul.f32 v13, v11;
	v20 =	vmul.f32 v21, v20;
	v14 =	vadd.f32 v15, v14  }
0x135: {  	v19 =	vmul.f32 v23, v19;
	v15 =	vadd.f32 v17, v16;
	v30 =	vadd.f32 v30, v31  }
0x136: {  	v63 =	vmul.f32 v45, v59;
	v56 =	vadd.f32 v34, v42;
	v28 =	vadd.f32 v28, v32  }
0x137: {  	v31 =	vmul.f32 v47, v53;
	v58 =	vadd.f32 v62, v61;
	v60 =	vadd.f32 v40, v39  }
0x138: {  	v18 =	vmul.f32 v22, v18;
	v13 =	vadd.f32 v20, v13;
	v14 =	vadd.f32 v15, v14  }
0x139: {  	v59 =	vadd.f32 v49, v63;
	v61 =	vadd.f32 v55, v31  }
0x13a: {  	v29 =	vadd.f32 v30, v29;
	v18 =	vadd.f32 v19, v18  }
0x13b: {  	p1 =	sne.s32 s18, $0x7C0;
	v62 =	vadd.f32 v59, v58;
	v63 =	vadd.f32 v61, v60  }
.Ltmp0:
0x13c: {  	v57 =	vadd.f32 v56, v29;
	v13 =	vadd.f32 v18, v13;
	(pc) =	sbr.rel @p1 .LBB2_4-.Ltmp0, $4  }
0x13d: {  	[tilespmem:s30+$0x200] =	vst v28;
	v15 =	vadd.f32 v63, v62  }
0x13e: {  	[tilespmem:s30+$0x280] =	vst v57;
	v13 =	vadd.f32 v14, v13  }
0x13f: {  	[tilespmem:s30+$0x300] =	vst v15  }
0x140: {  	s18 =	sadd.s32 $0x40, s18;
	[tilespmem:s30+$0x380] =	vst v13;
	s30 =	sadd.s32 $0x800, s30  }
0x141: {  	s17 =	sadd.s32 $0x1, s17  }
0x142: {  	p1 =	sne.s32 s17, $0x8  }
.Ltmp1:
0x143: {  	_ = 	snop;
	(pc) =	sbr.rel @p1 .LBB2_3-.Ltmp1, $2  }
0x144: {  	_ =	sdelay $0x2  }
0x145: {  	s1 =	sadd.s32 $0x400, s1;
	s19 =	sadd.s32 $0x10, s19  }
0x146: {  	s29 =	sadd.s32 $0x1, s29  }
0x147: {  	p1 =	sne.s32 s29, $0x8  }
.Ltmp2:
0x148: {  	_ = 	snop;
	(pc) =	sbr.rel @p1 .LBB2_2-.Ltmp2, $3  }
0x149: {  	_ =	sdelay $0x1  }
0x14a: {  	s1 =	sadd.s32 s31, s12;
	p0 =	por !p0, !p0  }
0x14b: {  	[hbm4b:s1+s15] =	stream.strided.scatter [tilespmem:s0], [sflag:$0x2], $0x4000, s22, s15, $0x38;
	[tilespmem:$0x12000] =	vst v63  }
0x14c: {  	s28 =	sadd.s32 $0x1, s28  }
0x14d: {  	_ =	swait.ge [sflag:s26], $0x4000;
	p0 =	sne.s32 s28, s13  }
.Ltmp3:
0x14e: {  	[sflag:s26] =	ssyncset.done $0x0;
	(pc) =	sbr.rel @p0 .LBB2_1-.Ltmp3, $4  }
0x14f: {  	[sflag:s26] =	ssyncadd.s32 $0xFFFFC000  }
0x150: {  	_ =	swait.ge [sflag:s26], $0x4000  }
0x151: {  	[sflag:s26] =	ssyncset.done $0x0  }
0x152: {  	[sflag:s26] =	ssyncadd.s32 $0xFFFFC000  }
0x153: {  	_ =	sfence.sel $0x180000  }
0x154: {  	[bflag:$0x0] =	sbarrier.arrive $0xFFFF  }
0x155: {  	_ =	strace $0x90000047  }
0x156: {  	s0 =	stileid.u32;
	[bflag:$0x2] =	sbarrier.arrive $0xFFFF  }
0x157: {  	p0 =	sne.s32 s0, $0x0;
	s0 =	rddreg [dreg:$0x2]  }
0x158: {  	s0 =	sadd.s32 @!p0 $0x100000, s0  }
0x159: {  	[sflag:s0] =	ssyncadd.tile.s32 @!p0 $0x1;
	_ =	shalt  }
.Lfunc_end2:
_tile_overlayer_lowered:
.L_overlay_start_2:
0x15a: {  	(tag) =	ssettag $0x2  }
0x15b: {  	s0 =	rddreg [dreg:$0x0];
	s2 =	stileid.u32  }
0x15c: {  	s1 =	rddreg [dreg:$0x1];
	p0 =	sne.s32 s2, $0x0  }
0x15d: {  	s3 =	rddreg [dreg:$0x2];
	[bflag:$0x3] =	sbarrier.arrive $0xFFFF;
	s2 =	simm.s32 @!p0 $0x1C03  }
0x15e: {  	[timem:s3], [sflag:s2] =	dma.local @!p0 [hbm:s0], s1  }
0x15f: {  	s0 =	simm.s32 @!p0 $0x3  }
0x160: {  	_ =	swait.ge @!p0 [sflag:s0], s1  }
0x161: {  	s1 =	ssub.s32 @!p0 $0x0, s1;
	[sflag:s0] =	ssyncset.done @!p0 $0x0  }
0x162: {  	[sflag:s0] =	ssyncadd.s32 @!p0 s1  }
0x163: {  	[bflag:$0x3] =	sbarrier.arrive $0xFFFF  }
0x164: {  	_ =	shalt  }

</sc_bundles>
